<compile_context>
chip_gen: v7x
topology: tpu7x:2x2x1
jax: 0.10.2.dev20260603
libtpu: 0.0.44.dev20260713+nightly
codegen_flags: <defaults>
</compile_context>

<pallas_src>
import functools

import jax
import jax.numpy as jnp
from jax import lax
from jax.experimental import pallas as pl
from jax.experimental.pallas import tpu as pltpu
from jax.experimental.pallas import tpu_sc as plsc

N = 10000
D = 128
E = 320000

NC = 2
NS = 16
NW = NC * NS
EPW = E // NW
C = 80
NWIN = EPW // C

NPAD = 10240
RB = 1024
ROWS_PT = NPAD // NS
DEG_PT = (2 * NPAD) // NS
ACCR = 10112
ARPT = ACCR // NS

CA = 128
BW = 8
NBLK = 10
WPW = BW * NBLK
EPWP = WPW * CA
NBUF = 2

_vec_mesh = plsc.VectorSubcoreMesh(core_axis_name="c", subcore_axis_name="s")


def _deg_body(idx_hbm, ones_hbm, zeros_hbm, out_hbm, acc, idx_v, ones_v):
    c = lax.axis_index("c")
    s = lax.axis_index("s")
    wid = c * NS + s
    pltpu.sync_copy(zeros_hbm, acc.at[pl.ds(s * DEG_PT, DEG_PT)])
    pltpu.sync_copy(idx_hbm.at[wid], idx_v)
    pltpu.sync_copy(ones_hbm, ones_v)
    plsc.subcore_barrier()

    @pl.loop(0, 2 * NWIN)
    def _win(w):
        pltpu.sync_copy(ones_v, acc.at[idx_v.at[w]], add=True)

    plsc.subcore_barrier()
    pltpu.sync_copy(acc.at[pl.ds(s * DEG_PT, DEG_PT)],
                    out_hbm.at[c, pl.ds(s * DEG_PT, DEG_PT)])


_deg_call = pl.kernel(
    _deg_body,
    out_type=jax.ShapeDtypeStruct((NC, 2 * NPAD), jnp.float32),
    mesh=_vec_mesh,
    scratch_types=[
        pltpu.VMEM_SHARED((2 * NPAD,), jnp.float32),
        pltpu.VMEM((2 * NWIN, C), jnp.int32),
        pltpu.VMEM((C,), jnp.float32),
    ],
)


def _agg_body(h_hbm, idx_hbm, zrows_hbm, out_hbm, acc, ib0, ib1,
              gbufs, gsems, ssems, isems):
    c = lax.axis_index("c")
    s = lax.axis_index("s")
    wid = c * NS + s
    pltpu.sync_copy(zrows_hbm, acc.at[pl.ds(s * ARPT, ARPT)])
    plsc.subcore_barrier()

    def process_block(ibuf):
        @pl.loop(0, BW, step=NBUF)
        def _win(w):
            gs = []
            for k in range(NBUF):
                @pl.when(w > 0)
                def _wait_prev(k=k):
                    pltpu.make_async_copy(gbufs[k],
                                          acc.at[ibuf.at[1, 0]],
                                          ssems[k]).wait()
                gs.append(pltpu.async_copy(h_hbm.at[ibuf.at[0, w + k]],
                                           gbufs[k], gsems[k]))
            for k in range(NBUF):
                gs[k].wait()
                pltpu.async_copy(gbufs[k], acc.at[ibuf.at[1, w + k]],
                                 ssems[k], add=True)
        for k in range(NBUF):
            pltpu.make_async_copy(gbufs[k], acc.at[ibuf.at[1, 0]],
                                  ssems[k]).wait()

    pltpu.sync_copy(idx_hbm.at[wid, 0], ib0)
    pltpu.async_copy(idx_hbm.at[wid, 1], ib1, isems[1])

    @pl.loop(0, NBLK, step=2)
    def _blk(b):
        @pl.when(b > 0)
        def _wait_ib0():
            pltpu.make_async_copy(idx_hbm.at[wid, 0], ib0, isems[0]).wait()
        process_block(ib0)

        @pl.when(b + 2 < NBLK)
        def _pf_ib0():
            pltpu.async_copy(idx_hbm.at[wid, b + 2], ib0, isems[0])

        pltpu.make_async_copy(idx_hbm.at[wid, 0], ib1, isems[1]).wait()
        process_block(ib1)

        @pl.when(b + 3 < NBLK)
        def _pf_ib1():
            pltpu.async_copy(idx_hbm.at[wid, b + 3], ib1, isems[1])

    plsc.subcore_barrier()
    pltpu.sync_copy(acc.at[pl.ds(s * ARPT, ARPT)],
                    out_hbm.at[c, pl.ds(s * ARPT, ARPT)])


_agg_call = pl.kernel(
    _agg_body,
    out_type=jax.ShapeDtypeStruct((NC, NPAD, D), jnp.float32),
    mesh=_vec_mesh,
    scratch_types=[
        pltpu.VMEM_SHARED((ACCR, D), jnp.float32),
        pltpu.VMEM((2, BW, CA), jnp.int32),
        pltpu.VMEM((2, BW, CA), jnp.int32),
        [pltpu.VMEM((CA, D), jnp.float32) for _ in range(NBUF)],
        [pltpu.SemaphoreType.DMA for _ in range(NBUF)],
        [pltpu.SemaphoreType.DMA for _ in range(NBUF)],
        [pltpu.SemaphoreType.DMA for _ in range(2)],
    ],
)


def _prep_body(f_ref, dsrc_ref, ddst_ref, h_ref, nrm_ref):
    ns = lax.rsqrt(jnp.maximum(dsrc_ref[:, 0] + dsrc_ref[:, 1], 1.0))
    nd = lax.rsqrt(jnp.maximum(ddst_ref[:, 0] + ddst_ref[:, 1], 1.0))
    h_ref[...] = f_ref[...] * ns[:, None]
    nrm_ref[...] = jnp.concatenate([ns[:, None], nd[:, None]], axis=1)


_prep_call = pl.pallas_call(
    _prep_body,
    grid=(NPAD // RB,),
    in_specs=[
        pl.BlockSpec((RB, D), lambda i: (i, 0)),
        pl.BlockSpec((RB, 2), lambda i: (i, 0)),
        pl.BlockSpec((RB, 2), lambda i: (i + NPAD // RB, 0)),
    ],
    out_specs=[
        pl.BlockSpec((RB, D), lambda i: (i, 0)),
        pl.BlockSpec((RB, 2), lambda i: (i, 0)),
    ],
    out_shape=[
        jax.ShapeDtypeStruct((NPAD, D), jnp.float32),
        jax.ShapeDtypeStruct((NPAD, 2), jnp.float32),
    ],
)


def _post_body(p0_ref, p1_ref, nrm_ref, w_ref, b_ref, o_ref, *, relu, nxt):
    x = (p0_ref[0] + p1_ref[0]) * nrm_ref[:, 1][:, None]
    y = jnp.dot(x, w_ref[...], preferred_element_type=jnp.float32)
    y = y + b_ref[0][None, :]
    if relu:
        y = jnp.maximum(y, 0.0)
    if nxt:
        y = y * nrm_ref[:, 0][:, None]
    o_ref[...] = y


def _post_call(p, nrm, w, b, relu, nxt, rows=NPAD):
    return pl.pallas_call(
        functools.partial(_post_body, relu=relu, nxt=nxt),
        grid=(NPAD // RB,),
        in_specs=[
            pl.BlockSpec((1, RB, D), lambda i: (0, i, 0)),
            pl.BlockSpec((1, RB, D), lambda i: (1, i, 0)),
            pl.BlockSpec((RB, 2), lambda i: (i, 0)),
            pl.BlockSpec((D, D), lambda i: (0, 0)),
            pl.BlockSpec((1, D), lambda i: (0, 0)),
        ],
        out_specs=pl.BlockSpec((RB, D), lambda i: (i, 0)),
        out_shape=jax.ShapeDtypeStruct((rows, D), jnp.float32),
    )(p, p, nrm, w, b.reshape(1, D))


def kernel(features, edge_index, W0, b0, W1, b1, W2, b2):
    src = edge_index[0]
    dst = edge_index[1]
    src_w = src.reshape(NW, NWIN, C)
    dst_w = dst.reshape(NW, NWIN, C)
    deg_idx = jnp.concatenate([src_w, dst_w + NPAD], axis=1)
    npad_e = EPWP - EPW
    pad_src = jnp.broadcast_to((jnp.arange(npad_e, dtype=jnp.int32) * 97) % N,
                               (NW, npad_e))
    pad_dst = jnp.broadcast_to(N + (jnp.arange(npad_e, dtype=jnp.int32)
                                    % (ACCR - N)), (NW, npad_e))
    src_p = jnp.concatenate([src.reshape(NW, EPW), pad_src], axis=1)
    dst_p = jnp.concatenate([dst.reshape(NW, EPW), pad_dst], axis=1)
    idx_p = jnp.stack([src_p.reshape(NW, NBLK, BW, CA),
                       dst_p.reshape(NW, NBLK, BW, CA)], axis=2)
    ones_c = jnp.ones((C,), jnp.float32)
    zeros_deg = jnp.zeros((DEG_PT,), jnp.float32)
    zeros_rows = jnp.zeros((ARPT, D), jnp.float32)

    degs = _deg_call(deg_idx, ones_c, zeros_deg)
    degs_t = degs.T
    h0, nrm = _prep_call(features, degs_t, degs_t)

    p1 = _agg_call(h0, idx_p, zeros_rows)
    h1 = _post_call(p1, nrm, W0, b0, relu=True, nxt=True)
    p2 = _agg_call(h1, idx_p, zeros_rows)
    h2 = _post_call(p2, nrm, W1, b1, relu=True, nxt=True)
    p3 = _agg_call(h2, idx_p, zeros_rows)
    out = _post_call(p3, nrm, W2, b2, relu=False, nxt=False, rows=N)
    return out

# --- scband reference (transcript-rebuilt; emitter-appended) ---
"""Pipeline reference for scband-encoder-38946763440231 (READ-ONLY COPY).

The authoritative reference and input builder live on the scoring server;
editing this copy changes nothing except your own understanding.
"""

import jax, jax.numpy as jnp
import numpy as np

N = 10000
E = 320000
D = 128


def setup_inputs(seed: int = 0) -> dict:
    key = jax.random.key(seed)
    ks = jax.random.split(key, 9)
    features = jax.random.normal(ks[0], (N, D), dtype=jnp.float32)
    edge_index = jax.random.randint(ks[1], (2, E), 0, N, dtype=jnp.int32)
    scale = 1.0 / np.sqrt(D)
    W0 = jax.random.normal(ks[2], (D, D), dtype=jnp.float32) * scale
    b0 = jnp.zeros((D,), dtype=jnp.float32)
    W1 = jax.random.normal(ks[3], (D, D), dtype=jnp.float32) * scale
    b1 = jnp.zeros((D,), dtype=jnp.float32)
    W2 = jax.random.normal(ks[4], (D, D), dtype=jnp.float32) * scale
    b2 = jnp.zeros((D,), dtype=jnp.float32)
    return {"features": features, "edge_index": edge_index,
            "W0": W0, "b0": b0, "W1": W1, "b1": b1, "W2": W2, "b2": b2}


def _gcn_layer(x, src, dst, W, b, act):
    # DGL GraphConv with norm='both': D_out^{-1/2} on src side,
    # scatter-add aggregation, D_in^{-1/2} on dst side, then linear.
    ones = jnp.ones((E,), dtype=jnp.float32)
    deg_out = jax.ops.segment_sum(ones, src, num_segments=N)
    deg_in = jax.ops.segment_sum(ones, dst, num_segments=N)
    norm_src = jax.lax.rsqrt(jnp.maximum(deg_out, 1.0))
    norm_dst = jax.lax.rsqrt(jnp.maximum(deg_in, 1.0))
    h = x * norm_src[:, None]
    msg = jnp.take(h, src, axis=0)
    agg = jax.ops.segment_sum(msg, dst, num_segments=N)
    agg = agg * norm_dst[:, None]
    out = agg @ W + b
    if act:
        out = jax.nn.relu(out)
    return out


def reference(features, edge_index, W0, b0, W1, b1, W2, b2):
    # Encoder(corrupt=False) -> GCN with n_layers=2 => 3 GraphConv layers
    # (in->hidden relu, hidden->hidden relu, hidden->n_classes=hidden no act).
    # dropout p=0.0 so it is the identity.
    src = edge_index[0]
    dst = edge_index[1]
    h = _gcn_layer(features, src, dst, W0, b0, True)
    h = _gcn_layer(h, src, dst, W1, b1, True)
    h = _gcn_layer(h, src, dst, W2, b2, False)
    return h

if __name__ == "__main__":
    import jax
    _d = setup_inputs()
    print(jax.jit(kernel)(*tuple(_d.values())))

</pallas_src>

<mosaic_0001>
#map = affine_map<(d0, d1) -> (0, 0, 0)>
#map1 = affine_map<(d0, d1) -> (0)>
#map2 = affine_map<(d0, d1) -> (0, 0)>
module attributes {stable_mosaic.version = 14 : i64} {
  func.func @_deg_body(%arg0: i32, %arg1: i32, %arg2: memref<32x250x80xi32, #tpu.memory_space<hbm>>, %arg3: memref<80xf32, #tpu.memory_space<hbm>>, %arg4: memref<1280xf32, #tpu.memory_space<hbm>>, %arg5: memref<2x20480xf32, #tpu.memory_space<hbm>>, %arg6: memref<20480xf32, #tpu.memory_space<vmem_shared>>, %arg7: memref<250x80xi32, #tpu.memory_space<vmem>>, %arg8: memref<80xf32, #tpu.memory_space<vmem>>) attributes {dimension_semantics = [#tpu.dimension_semantics<core_parallel>, #tpu.dimension_semantics<subcore_parallel>], iteration_bounds = array<i64: 2, 16>, scalar_prefetch = 0 : i64, scratch_operands = 3 : i64, tpu.core_type = #tpu.core_type<sc_vector_subcore>, window_params = [{transform_indices = #map}, {transform_indices = #map1}, {transform_indices = #map1}, {transform_indices = #map2}]} {
    %mul3A = arith.constant 16 : i32
    %mul3A_0 = arith.muli %arg0, %mul3A : i32
    %add3A = arith.addi %mul3A_0, %arg1 : i32
    %mul3A_1 = arith.constant 1280 : i32
    %mul3A_2 = arith.muli %arg1, %mul3A_1 : i32
    "tpu.region"() ({
      %run_scoped3A = tpu.sem_alloc : memref<!tpu.dma_semaphore, #tpu.memory_space<semaphore_mem>>
      %dma_start3A = tpu.memref_slice %arg6[%mul3A_2] : memref<20480xf32, #tpu.memory_space<vmem_shared>> -> memref<1280xf32, #tpu.memory_space<vmem_shared>>
      tpu.enqueue_dma source(%arg4 : memref<1280xf32, #tpu.memory_space<hbm>>) target(%dma_start3A : memref<1280xf32, #tpu.memory_space<vmem_shared>>) target_semaphore(%run_scoped3A : memref<!tpu.dma_semaphore, #tpu.memory_space<semaphore_mem>>)
      %dma_wait3A = tpu.memref_slice %arg6[%mul3A_2] : memref<20480xf32, #tpu.memory_space<vmem_shared>> -> memref<1280xf32, #tpu.memory_space<vmem_shared>>
      tpu.wait_dma2 semaphore(%run_scoped3A : memref<!tpu.dma_semaphore, #tpu.memory_space<semaphore_mem>>) src(%arg4 : memref<1280xf32, #tpu.memory_space<hbm>>) dst(%dma_wait3A : memref<1280xf32, #tpu.memory_space<vmem_shared>>)
      tpu.yield
    }) : () -> ()
    "tpu.region"() ({
      %run_scoped3A = tpu.sem_alloc : memref<!tpu.dma_semaphore, #tpu.memory_space<semaphore_mem>>
      %dma_start3A = arith.constant 0 : i32
      %dma_start3A_12 = arith.constant 0 : i32
      %dma_start3A_13 = tpu.memref_slice %arg2[%add3A, %dma_start3A, %dma_start3A_12] : memref<32x250x80xi32, #tpu.memory_space<hbm>> -> memref<1x250x80xi32, #tpu.memory_space<hbm>>
      %dma_start3A_14 = tpu.memref_squeeze %dma_start3A_13 : memref<1x250x80xi32, #tpu.memory_space<hbm>> -> memref<250x80xi32, #tpu.memory_space<hbm>>
      %dma_start3A_15 = arith.constant 0 : i32
      %dma_start3A_16 = arith.constant 0 : i32
      %dma_start3A_17 = tpu.memref_slice %arg2[%add3A, %dma_start3A_15, %dma_start3A_16] : memref<32x250x80xi32, #tpu.memory_space<hbm>> -> memref<1x250x80xi32, #tpu.memory_space<hbm>>
      %dma_start3A_18 = tpu.memref_squeeze %dma_start3A_17 : memref<1x250x80xi32, #tpu.memory_space<hbm>> -> memref<250x80xi32, #tpu.memory_space<hbm>>
      tpu.enqueue_dma source(%dma_start3A_18 : memref<250x80xi32, #tpu.memory_space<hbm>>) target(%arg7 : memref<250x80xi32, #tpu.memory_space<vmem>>) target_semaphore(%run_scoped3A : memref<!tpu.dma_semaphore, #tpu.memory_space<semaphore_mem>>)
      %dma_wait3A = arith.constant 0 : i32
      %dma_wait3A_19 = arith.constant 0 : i32
      %dma_wait3A_20 = tpu.memref_slice %arg2[%add3A, %dma_wait3A, %dma_wait3A_19] : memref<32x250x80xi32, #tpu.memory_space<hbm>> -> memref<1x250x80xi32, #tpu.memory_space<hbm>>
      %dma_wait3A_21 = tpu.memref_squeeze %dma_wait3A_20 : memref<1x250x80xi32, #tpu.memory_space<hbm>> -> memref<250x80xi32, #tpu.memory_space<hbm>>
      %dma_wait3A_22 = arith.constant 0 : i32
      %dma_wait3A_23 = arith.constant 0 : i32
      %dma_wait3A_24 = tpu.memref_slice %arg2[%add3A, %dma_wait3A_22, %dma_wait3A_23] : memref<32x250x80xi32, #tpu.memory_space<hbm>> -> memref<1x250x80xi32, #tpu.memory_space<hbm>>
      %dma_wait3A_25 = tpu.memref_squeeze %dma_wait3A_24 : memref<1x250x80xi32, #tpu.memory_space<hbm>> -> memref<250x80xi32, #tpu.memory_space<hbm>>
      tpu.wait_dma2 semaphore(%run_scoped3A : memref<!tpu.dma_semaphore, #tpu.memory_space<semaphore_mem>>) src(%dma_wait3A_25 : memref<250x80xi32, #tpu.memory_space<hbm>>) dst(%arg7 : memref<250x80xi32, #tpu.memory_space<vmem>>)
      tpu.yield
    }) : () -> ()
    "tpu.region"() ({
      %run_scoped3A = tpu.sem_alloc : memref<!tpu.dma_semaphore, #tpu.memory_space<semaphore_mem>>
      tpu.enqueue_dma source(%arg3 : memref<80xf32, #tpu.memory_space<hbm>>) target(%arg8 : memref<80xf32, #tpu.memory_space<vmem>>) target_semaphore(%run_scoped3A : memref<!tpu.dma_semaphore, #tpu.memory_space<semaphore_mem>>)
      tpu.wait_dma2 semaphore(%run_scoped3A : memref<!tpu.dma_semaphore, #tpu.memory_space<semaphore_mem>>) src(%arg3 : memref<80xf32, #tpu.memory_space<hbm>>) dst(%arg8 : memref<80xf32, #tpu.memory_space<vmem>>)
      tpu.yield
    }) : () -> ()
    %barrier3A = arith.constant 0 : index
    tpu.barrier barrier_id(%barrier3A)
    %scan3A = arith.constant 0 : i32
    %scan3A_3 = arith.constant 250 : i32
    %scan3A_4 = arith.addi %scan3A, %scan3A_3 : i32
    %scan3A_5 = arith.constant 1 : i32
    scf.for %scan3A_12 = %scan3A to %scan3A_4 step %scan3A_5  : i32 {
      %mul3A_13 = arith.constant 1 : i32
      %mul3A_14 = arith.muli %scan3A_12, %mul3A_13 : i32
      %add3A_15 = arith.constant 0 : i32
      %add3A_16 = arith.addi %add3A_15, %mul3A_14 : i32
      "tpu.region"() ({
        %run_scoped3A = tpu.sem_alloc : memref<!tpu.dma_semaphore, #tpu.memory_space<semaphore_mem>>
        %dma_start3A = arith.constant 0 : i32
        %dma_start3A_17 = tpu.memref_slice %arg7[%add3A_16, %dma_start3A] : memref<250x80xi32, #tpu.memory_space<vmem>> -> memref<1x80xi32, #tpu.memory_space<vmem>>
        %dma_start3A_18 = tpu.memref_squeeze %dma_start3A_17 : memref<1x80xi32, #tpu.memory_space<vmem>> -> memref<80xi32, #tpu.memory_space<vmem>>
        %dma_start3A_19 = arith.constant 0 : i32
        %dma_start3A_20 = tpu.memref_slice %arg6[%dma_start3A_19] : memref<20480xf32, #tpu.memory_space<vmem_shared>> -> memref<20480xf32, #tpu.memory_space<vmem_shared>>
        tpu.enqueue_indirect_dma source(%arg8 : memref<80xf32, #tpu.memory_space<vmem>>) target(%dma_start3A_20 : memref<20480xf32, #tpu.memory_space<vmem_shared>>) offsets(%dma_start3A_18 : memref<80xi32, #tpu.memory_space<vmem>>) semaphore(%run_scoped3A : memref<!tpu.dma_semaphore, #tpu.memory_space<semaphore_mem>>) {add = true}
        %dma_wait3A = arith.constant 0 : i32
        %dma_wait3A_21 = tpu.memref_slice %arg7[%add3A_16, %dma_wait3A] : memref<250x80xi32, #tpu.memory_space<vmem>> -> memref<1x80xi32, #tpu.memory_space<vmem>>
        %dma_wait3A_22 = tpu.memref_squeeze %dma_wait3A_21 : memref<1x80xi32, #tpu.memory_space<vmem>> -> memref<80xi32, #tpu.memory_space<vmem>>
        %dma_wait3A_23 = arith.constant 0 : i32
        %dma_wait3A_24 = tpu.memref_slice %arg6[%dma_wait3A_23] : memref<20480xf32, #tpu.memory_space<vmem_shared>> -> memref<20480xf32, #tpu.memory_space<vmem_shared>>
        tpu.wait_indirect_dma semaphore(%run_scoped3A : memref<!tpu.dma_semaphore, #tpu.memory_space<semaphore_mem>>) src(%arg8 : memref<80xf32, #tpu.memory_space<vmem>>) dst(%dma_wait3A_24 : memref<20480xf32, #tpu.memory_space<vmem_shared>>)
        tpu.yield
      }) : () -> ()
    }
    %scan3A_6 = arith.constant 250 : i32
    %barrier3A_7 = arith.constant 0 : index
    tpu.barrier barrier_id(%barrier3A_7)
    %mul3A_8 = arith.constant 1280 : i32
    %mul3A_9 = arith.muli %arg1, %mul3A_8 : i32
    %mul3A_10 = arith.constant 1280 : i32
    %mul3A_11 = arith.muli %arg1, %mul3A_10 : i32
    "tpu.region"() ({
      %run_scoped3A = tpu.sem_alloc : memref<!tpu.dma_semaphore, #tpu.memory_space<semaphore_mem>>
      %dma_start3A = tpu.memref_slice %arg5[%arg0, %mul3A_11] : memref<2x20480xf32, #tpu.memory_space<hbm>> -> memref<1x1280xf32, #tpu.memory_space<hbm>>
      %dma_start3A_12 = tpu.memref_squeeze %dma_start3A : memref<1x1280xf32, #tpu.memory_space<hbm>> -> memref<1280xf32, #tpu.memory_space<hbm>>
      %dma_start3A_13 = tpu.memref_slice %arg6[%mul3A_9] : memref<20480xf32, #tpu.memory_space<vmem_shared>> -> memref<1280xf32, #tpu.memory_space<vmem_shared>>
      tpu.enqueue_dma source(%dma_start3A_13 : memref<1280xf32, #tpu.memory_space<vmem_shared>>) target(%dma_start3A_12 : memref<1280xf32, #tpu.memory_space<hbm>>) target_semaphore(%run_scoped3A : memref<!tpu.dma_semaphore, #tpu.memory_space<semaphore_mem>>)
      %dma_wait3A = tpu.memref_slice %arg5[%arg0, %mul3A_11] : memref<2x20480xf32, #tpu.memory_space<hbm>> -> memref<1x1280xf32, #tpu.memory_space<hbm>>
      %dma_wait3A_14 = tpu.memref_squeeze %dma_wait3A : memref<1x1280xf32, #tpu.memory_space<hbm>> -> memref<1280xf32, #tpu.memory_space<hbm>>
      %dma_wait3A_15 = tpu.memref_slice %arg6[%mul3A_9] : memref<20480xf32, #tpu.memory_space<vmem_shared>> -> memref<1280xf32, #tpu.memory_space<vmem_shared>>
      tpu.wait_dma2 semaphore(%run_scoped3A : memref<!tpu.dma_semaphore, #tpu.memory_space<semaphore_mem>>) src(%dma_wait3A_15 : memref<1280xf32, #tpu.memory_space<vmem_shared>>) dst(%dma_wait3A_14 : memref<1280xf32, #tpu.memory_space<hbm>>)
      tpu.yield
    }) : () -> ()
    return
  }
}

#map = affine_map<(d0, d1) -> (0, 0)>
#map1 = affine_map<(d0, d1) -> (0, 0, 0, 0, 0)>
#map2 = affine_map<(d0, d1) -> (0, 0, 0)>
module attributes {stable_mosaic.version = 14 : i64} {
  func.func @_agg_body(%arg0: i32, %arg1: i32, %arg2: memref<10240x128xf32, #tpu.memory_space<hbm>>, %arg3: memref<32x10x2x8x128xi32, #tpu.memory_space<hbm>>, %arg4: memref<632x128xf32, #tpu.memory_space<hbm>>, %arg5: memref<2x10240x128xf32, #tpu.memory_space<hbm>>, %arg6: memref<10112x128xf32, #tpu.memory_space<vmem_shared>>, %arg7: memref<2x8x128xi32, #tpu.memory_space<vmem>>, %arg8: memref<2x8x128xi32, #tpu.memory_space<vmem>>, %arg9: memref<128x128xf32, #tpu.memory_space<vmem>>, %arg10: memref<128x128xf32, #tpu.memory_space<vmem>>, %arg11: memref<!tpu.dma_semaphore, #tpu.memory_space<semaphore_mem>>, %arg12: memref<!tpu.dma_semaphore, #tpu.memory_space<semaphore_mem>>, %arg13: memref<!tpu.dma_semaphore, #tpu.memory_space<semaphore_mem>>, %arg14: memref<!tpu.dma_semaphore, #tpu.memory_space<semaphore_mem>>, %arg15: memref<!tpu.dma_semaphore, #tpu.memory_space<semaphore_mem>>, %arg16: memref<!tpu.dma_semaphore, #tpu.memory_space<semaphore_mem>>) attributes {dimension_semantics = [#tpu.dimension_semantics<core_parallel>, #tpu.dimension_semantics<subcore_parallel>], iteration_bounds = array<i64: 2, 16>, scalar_prefetch = 0 : i64, scratch_operands = 11 : i64, tpu.core_type = #tpu.core_type<sc_vector_subcore>, window_params = [{transform_indices = #map}, {transform_indices = #map1}, {transform_indices = #map}, {transform_indices = #map2}]} {
    %mul3A = arith.constant 16 : i32
    %mul3A_0 = arith.muli %arg0, %mul3A : i32
    %add3A = arith.addi %mul3A_0, %arg1 : i32
    %mul3A_1 = arith.constant 632 : i32
    %mul3A_2 = arith.muli %arg1, %mul3A_1 : i32
    "tpu.region"() ({
      %run_scoped3A_22 = tpu.sem_alloc : memref<!tpu.dma_semaphore, #tpu.memory_space<semaphore_mem>>
      %dma_start3A_23 = arith.constant 0 : i32
      %dma_start3A_24 = tpu.memref_slice %arg6[%mul3A_2, %dma_start3A_23] : memref<10112x128xf32, #tpu.memory_space<vmem_shared>> -> memref<632x128xf32, #tpu.memory_space<vmem_shared>>
      tpu.enqueue_dma source(%arg4 : memref<632x128xf32, #tpu.memory_space<hbm>>) target(%dma_start3A_24 : memref<632x128xf32, #tpu.memory_space<vmem_shared>>) target_semaphore(%run_scoped3A_22 : memref<!tpu.dma_semaphore, #tpu.memory_space<semaphore_mem>>)
      %dma_wait3A = arith.constant 0 : i32
      %dma_wait3A_25 = tpu.memref_slice %arg6[%mul3A_2, %dma_wait3A] : memref<10112x128xf32, #tpu.memory_space<vmem_shared>> -> memref<632x128xf32, #tpu.memory_space<vmem_shared>>
      tpu.wait_dma2 semaphore(%run_scoped3A_22 : memref<!tpu.dma_semaphore, #tpu.memory_space<semaphore_mem>>) src(%arg4 : memref<632x128xf32, #tpu.memory_space<hbm>>) dst(%dma_wait3A_25 : memref<632x128xf32, #tpu.memory_space<vmem_shared>>)
      tpu.yield
    }) : () -> ()
    %barrier3A = arith.constant 0 : index
    tpu.barrier barrier_id(%barrier3A)
    %run_scoped3A = arith.constant 0 : i32
    "tpu.region"() ({
      %run_scoped3A_22 = tpu.sem_alloc : memref<!tpu.dma_semaphore, #tpu.memory_space<semaphore_mem>>
      %dma_start3A_23 = arith.constant 0 : i32
      %dma_start3A_24 = arith.constant 0 : i32
      %dma_start3A_25 = arith.constant 0 : i32
      %dma_start3A_26 = tpu.memref_slice %arg3[%add3A, %run_scoped3A, %dma_start3A_23, %dma_start3A_24, %dma_start3A_25] : memref<32x10x2x8x128xi32, #tpu.memory_space<hbm>> -> memref<1x1x2x8x128xi32, #tpu.memory_space<hbm>>
      %dma_start3A_27 = tpu.memref_squeeze %dma_start3A_26 : memref<1x1x2x8x128xi32, #tpu.memory_space<hbm>> -> memref<2x8x128xi32, #tpu.memory_space<hbm>>
      %dma_start3A_28 = arith.constant 0 : i32
      %dma_start3A_29 = arith.constant 0 : i32
      %dma_start3A_30 = arith.constant 0 : i32
      %dma_start3A_31 = tpu.memref_slice %arg3[%add3A, %run_scoped3A, %dma_start3A_28, %dma_start3A_29, %dma_start3A_30] : memref<32x10x2x8x128xi32, #tpu.memory_space<hbm>> -> memref<1x1x2x8x128xi32, #tpu.memory_space<hbm>>
      %dma_start3A_32 = tpu.memref_squeeze %dma_start3A_31 : memref<1x1x2x8x128xi32, #tpu.memory_space<hbm>> -> memref<2x8x128xi32, #tpu.memory_space<hbm>>
      tpu.enqueue_dma source(%dma_start3A_32 : memref<2x8x128xi32, #tpu.memory_space<hbm>>) target(%arg7 : memref<2x8x128xi32, #tpu.memory_space<vmem>>) target_semaphore(%run_scoped3A_22 : memref<!tpu.dma_semaphore, #tpu.memory_space<semaphore_mem>>)
      %dma_wait3A = arith.constant 0 : i32
      %dma_wait3A_33 = arith.constant 0 : i32
      %dma_wait3A_34 = arith.constant 0 : i32
      %dma_wait3A_35 = tpu.memref_slice %arg3[%add3A, %run_scoped3A, %dma_wait3A, %dma_wait3A_33, %dma_wait3A_34] : memref<32x10x2x8x128xi32, #tpu.memory_space<hbm>> -> memref<1x1x2x8x128xi32, #tpu.memory_space<hbm>>
      %dma_wait3A_36 = tpu.memref_squeeze %dma_wait3A_35 : memref<1x1x2x8x128xi32, #tpu.memory_space<hbm>> -> memref<2x8x128xi32, #tpu.memory_space<hbm>>
      %dma_wait3A_37 = arith.constant 0 : i32
      %dma_wait3A_38 = arith.constant 0 : i32
      %dma_wait3A_39 = arith.constant 0 : i32
      %dma_wait3A_40 = tpu.memref_slice %arg3[%add3A, %run_scoped3A, %dma_wait3A_37, %dma_wait3A_38, %dma_wait3A_39] : memref<32x10x2x8x128xi32, #tpu.memory_space<hbm>> -> memref<1x1x2x8x128xi32, #tpu.memory_space<hbm>>
      %dma_wait3A_41 = tpu.memref_squeeze %dma_wait3A_40 : memref<1x1x2x8x128xi32, #tpu.memory_space<hbm>> -> memref<2x8x128xi32, #tpu.memory_space<hbm>>
      tpu.wait_dma2 semaphore(%run_scoped3A_22 : memref<!tpu.dma_semaphore, #tpu.memory_space<semaphore_mem>>) src(%dma_wait3A_41 : memref<2x8x128xi32, #tpu.memory_space<hbm>>) dst(%arg7 : memref<2x8x128xi32, #tpu.memory_space<vmem>>)
      tpu.yield
    }) : () -> ()
    %dma_start3A = arith.constant 1 : i32
    %dma_start3A_3 = arith.constant 0 : i32
    %dma_start3A_4 = arith.constant 0 : i32
    %dma_start3A_5 = arith.constant 0 : i32
    %dma_start3A_6 = tpu.memref_slice %arg3[%add3A, %dma_start3A, %dma_start3A_3, %dma_start3A_4, %dma_start3A_5] : memref<32x10x2x8x128xi32, #tpu.memory_space<hbm>> -> memref<1x1x2x8x128xi32, #tpu.memory_space<hbm>>
    %dma_start3A_7 = tpu.memref_squeeze %dma_start3A_6 : memref<1x1x2x8x128xi32, #tpu.memory_space<hbm>> -> memref<2x8x128xi32, #tpu.memory_space<hbm>>
    %dma_start3A_8 = arith.constant 0 : i32
    %dma_start3A_9 = arith.constant 0 : i32
    %dma_start3A_10 = arith.constant 0 : i32
    %dma_start3A_11 = tpu.memref_slice %arg3[%add3A, %dma_start3A, %dma_start3A_8, %dma_start3A_9, %dma_start3A_10] : memref<32x10x2x8x128xi32, #tpu.memory_space<hbm>> -> memref<1x1x2x8x128xi32, #tpu.memory_space<hbm>>
    %dma_start3A_12 = tpu.memref_squeeze %dma_start3A_11 : memref<1x1x2x8x128xi32, #tpu.memory_space<hbm>> -> memref<2x8x128xi32, #tpu.memory_space<hbm>>
    tpu.enqueue_dma source(%dma_start3A_12 : memref<2x8x128xi32, #tpu.memory_space<hbm>>) target(%arg8 : memref<2x8x128xi32, #tpu.memory_space<vmem>>) target_semaphore(%arg16 : memref<!tpu.dma_semaphore, #tpu.memory_space<semaphore_mem>>)
    %scan3A = arith.constant 0 : i32
    %scan3A_13 = arith.constant 5 : i32
    %scan3A_14 = arith.addi %scan3A, %scan3A_13 : i32
    %scan3A_15 = arith.constant 1 : i32
    scf.for %scan3A_22 = %scan3A to %scan3A_14 step %scan3A_15  : i32 {
      %mul3A_23 = arith.constant 2 : i32
      %mul3A_24 = arith.muli %scan3A_22, %mul3A_23 : i32
      %add3A_25 = arith.constant 0 : i32
      %add3A_26 = arith.addi %add3A_25, %mul3A_24 : i32
      %gt3A = arith.constant 0 : i32
      %gt3A_27 = arith.cmpi sgt, %add3A_26, %gt3A : i32
      %convert_element_type3A = arith.extui %gt3A_27 : i1 to i32
      %cond3A = arith.constant 0 : i32
      %cond3A_28 = arith.cmpi ne, %convert_element_type3A, %cond3A : i32
      scf.if %cond3A_28 {
        %dma_wait3A_94 = arith.constant 0 : i32
        %dma_wait3A_95 = arith.constant 0 : i32
        %dma_wait3A_96 = arith.constant 0 : i32
        %dma_wait3A_97 = arith.constant 0 : i32
        %dma_wait3A_98 = tpu.memref_slice %arg3[%add3A, %dma_wait3A_94, %dma_wait3A_95, %dma_wait3A_96, %dma_wait3A_97] : memref<32x10x2x8x128xi32, #tpu.memory_space<hbm>> -> memref<1x1x2x8x128xi32, #tpu.memory_space<hbm>>
        %dma_wait3A_99 = tpu.memref_squeeze %dma_wait3A_98 : memref<1x1x2x8x128xi32, #tpu.memory_space<hbm>> -> memref<2x8x128xi32, #tpu.memory_space<hbm>>
        %dma_wait3A_100 = arith.constant 0 : i32
        %dma_wait3A_101 = arith.constant 0 : i32
        %dma_wait3A_102 = arith.constant 0 : i32
        %dma_wait3A_103 = tpu.memref_slice %arg3[%add3A, %dma_wait3A_94, %dma_wait3A_100, %dma_wait3A_101, %dma_wait3A_102] : memref<32x10x2x8x128xi32, #tpu.memory_space<hbm>> -> memref<1x1x2x8x128xi32, #tpu.memory_space<hbm>>
        %dma_wait3A_104 = tpu.memref_squeeze %dma_wait3A_103 : memref<1x1x2x8x128xi32, #tpu.memory_space<hbm>> -> memref<2x8x128xi32, #tpu.memory_space<hbm>>
        tpu.wait_dma2 semaphore(%arg15 : memref<!tpu.dma_semaphore, #tpu.memory_space<semaphore_mem>>) src(%dma_wait3A_104 : memref<2x8x128xi32, #tpu.memory_space<hbm>>) dst(%arg7 : memref<2x8x128xi32, #tpu.memory_space<vmem>>)
      } else {
      }
      %scan3A_29 = arith.constant 0 : i32
      %scan3A_30 = arith.constant 4 : i32
      %scan3A_31 = arith.addi %scan3A_29, %scan3A_30 : i32
      %scan3A_32 = arith.constant 1 : i32
      scf.for %scan3A_94 = %scan3A_29 to %scan3A_31 step %scan3A_32  : i32 {
        %mul3A_95 = arith.constant 2 : i32
        %mul3A_96 = arith.muli %scan3A_94, %mul3A_95 : i32
        %add3A_97 = arith.constant 0 : i32
        %add3A_98 = arith.addi %add3A_97, %mul3A_96 : i32
        %gt3A_99 = arith.constant 0 : i32
        %gt3A_100 = arith.cmpi sgt, %add3A_98, %gt3A_99 : i32
        %convert_element_type3A_101 = arith.extui %gt3A_100 : i1 to i32
        %cond3A_102 = arith.constant 0 : i32
        %cond3A_103 = arith.cmpi ne, %convert_element_type3A_101, %cond3A_102 : i32
        scf.if %cond3A_103 {
          %dma_wait3A_159 = arith.constant 1 : i32
          %dma_wait3A_160 = arith.constant 0 : i32
          %dma_wait3A_161 = arith.constant 0 : i32
          %dma_wait3A_162 = tpu.memref_slice %arg7[%dma_wait3A_159, %dma_wait3A_160, %dma_wait3A_161] : memref<2x8x128xi32, #tpu.memory_space<vmem>> -> memref<1x1x128xi32, #tpu.memory_space<vmem>>
          %dma_wait3A_163 = tpu.memref_squeeze %dma_wait3A_162 : memref<1x1x128xi32, #tpu.memory_space<vmem>> -> memref<128xi32, #tpu.memory_space<vmem>>
          %dma_wait3A_164 = arith.constant 0 : i32
          %dma_wait3A_165 = arith.constant 0 : i32
          %dma_wait3A_166 = tpu.memref_slice %arg6[%dma_wait3A_164, %dma_wait3A_165] : memref<10112x128xf32, #tpu.memory_space<vmem_shared>> -> memref<10112x128xf32, #tpu.memory_space<vmem_shared>>
          tpu.wait_indirect_dma semaphore(%arg13 : memref<!tpu.dma_semaphore, #tpu.memory_space<semaphore_mem>>) src(%arg9 : memref<128x128xf32, #tpu.memory_space<vmem>>) dst(%dma_wait3A_166 : memref<10112x128xf32, #tpu.memory_space<vmem_shared>>)
        } else {
        }
        %add3A_104 = arith.constant 0 : i32
        %add3A_105 = arith.addi %add3A_98, %add3A_104 : i32
        %dma_start3A_106 = arith.constant 0 : i32
        %dma_start3A_107 = arith.constant 0 : i32
        %dma_start3A_108 = tpu.memref_slice %arg7[%dma_start3A_106, %add3A_105, %dma_start3A_107] : memref<2x8x128xi32, #tpu.memory_space<vmem>> -> memref<1x1x128xi32, #tpu.memory_space<vmem>>
        %dma_start3A_109 = tpu.memref_squeeze %dma_start3A_108 : memref<1x1x128xi32, #tpu.memory_space<vmem>> -> memref<128xi32, #tpu.memory_space<vmem>>
        %dma_start3A_110 = arith.constant 0 : i32
        %dma_start3A_111 = arith.constant 0 : i32
        %dma_start3A_112 = tpu.memref_slice %arg2[%dma_start3A_110, %dma_start3A_111] : memref<10240x128xf32, #tpu.memory_space<hbm>> -> memref<10240x128xf32, #tpu.memory_space<hbm>>
        tpu.enqueue_indirect_dma source(%dma_start3A_112 : memref<10240x128xf32, #tpu.memory_space<hbm>>) target(%arg9 : memref<128x128xf32, #tpu.memory_space<vmem>>) offsets(%dma_start3A_109 : memref<128xi32, #tpu.memory_space<vmem>>) semaphore(%arg11 : memref<!tpu.dma_semaphore, #tpu.memory_space<semaphore_mem>>)
        %gt3A_113 = arith.constant 0 : i32
        %gt3A_114 = arith.cmpi sgt, %add3A_98, %gt3A_113 : i32
        %convert_element_type3A_115 = arith.extui %gt3A_114 : i1 to i32
        %cond3A_116 = arith.constant 0 : i32
        %cond3A_117 = arith.cmpi ne, %convert_element_type3A_115, %cond3A_116 : i32
        scf.if %cond3A_117 {
          %dma_wait3A_159 = arith.constant 1 : i32
          %dma_wait3A_160 = arith.constant 0 : i32
          %dma_wait3A_161 = arith.constant 0 : i32
          %dma_wait3A_162 = tpu.memref_slice %arg7[%dma_wait3A_159, %dma_wait3A_160, %dma_wait3A_161] : memref<2x8x128xi32, #tpu.memory_space<vmem>> -> memref<1x1x128xi32, #tpu.memory_space<vmem>>
          %dma_wait3A_163 = tpu.memref_squeeze %dma_wait3A_162 : memref<1x1x128xi32, #tpu.memory_space<vmem>> -> memref<128xi32, #tpu.memory_space<vmem>>
          %dma_wait3A_164 = arith.constant 0 : i32
          %dma_wait3A_165 = arith.constant 0 : i32
          %dma_wait3A_166 = tpu.memref_slice %arg6[%dma_wait3A_164, %dma_wait3A_165] : memref<10112x128xf32, #tpu.memory_space<vmem_shared>> -> memref<10112x128xf32, #tpu.memory_space<vmem_shared>>
          tpu.wait_indirect_dma semaphore(%arg14 : memref<!tpu.dma_semaphore, #tpu.memory_space<semaphore_mem>>) src(%arg10 : memref<128x128xf32, #tpu.memory_space<vmem>>) dst(%dma_wait3A_166 : memref<10112x128xf32, #tpu.memory_space<vmem_shared>>)
        } else {
        }
        %add3A_118 = arith.constant 1 : i32
        %add3A_119 = arith.addi %add3A_98, %add3A_118 : i32
        %dma_start3A_120 = arith.constant 0 : i32
        %dma_start3A_121 = arith.constant 0 : i32
        %dma_start3A_122 = tpu.memref_slice %arg7[%dma_start3A_120, %add3A_119, %dma_start3A_121] : memref<2x8x128xi32, #tpu.memory_space<vmem>> -> memref<1x1x128xi32, #tpu.memory_space<vmem>>
        %dma_start3A_123 = tpu.memref_squeeze %dma_start3A_122 : memref<1x1x128xi32, #tpu.memory_space<vmem>> -> memref<128xi32, #tpu.memory_space<vmem>>
        %dma_start3A_124 = arith.constant 0 : i32
        %dma_start3A_125 = arith.constant 0 : i32
        %dma_start3A_126 = tpu.memref_slice %arg2[%dma_start3A_124, %dma_start3A_125] : memref<10240x128xf32, #tpu.memory_space<hbm>> -> memref<10240x128xf32, #tpu.memory_space<hbm>>
        tpu.enqueue_indirect_dma source(%dma_start3A_126 : memref<10240x128xf32, #tpu.memory_space<hbm>>) target(%arg10 : memref<128x128xf32, #tpu.memory_space<vmem>>) offsets(%dma_start3A_123 : memref<128xi32, #tpu.memory_space<vmem>>) semaphore(%arg12 : memref<!tpu.dma_semaphore, #tpu.memory_space<semaphore_mem>>)
        %dma_wait3A_127 = arith.constant 0 : i32
        %dma_wait3A_128 = arith.constant 0 : i32
        %dma_wait3A_129 = tpu.memref_slice %arg7[%dma_wait3A_127, %add3A_105, %dma_wait3A_128] : memref<2x8x128xi32, #tpu.memory_space<vmem>> -> memref<1x1x128xi32, #tpu.memory_space<vmem>>
        %dma_wait3A_130 = tpu.memref_squeeze %dma_wait3A_129 : memref<1x1x128xi32, #tpu.memory_space<vmem>> -> memref<128xi32, #tpu.memory_space<vmem>>
        %dma_wait3A_131 = arith.constant 0 : i32
        %dma_wait3A_132 = arith.constant 0 : i32
        %dma_wait3A_133 = tpu.memref_slice %arg2[%dma_wait3A_131, %dma_wait3A_132] : memref<10240x128xf32, #tpu.memory_space<hbm>> -> memref<10240x128xf32, #tpu.memory_space<hbm>>
        tpu.wait_indirect_dma semaphore(%arg11 : memref<!tpu.dma_semaphore, #tpu.memory_space<semaphore_mem>>) src(%dma_wait3A_133 : memref<10240x128xf32, #tpu.memory_space<hbm>>) dst(%arg9 : memref<128x128xf32, #tpu.memory_space<vmem>>)
        %add3A_134 = arith.constant 0 : i32
        %add3A_135 = arith.addi %add3A_98, %add3A_134 : i32
        %dma_start3A_136 = arith.constant 1 : i32
        %dma_start3A_137 = arith.constant 0 : i32
        %dma_start3A_138 = tpu.memref_slice %arg7[%dma_start3A_136, %add3A_135, %dma_start3A_137] : memref<2x8x128xi32, #tpu.memory_space<vmem>> -> memref<1x1x128xi32, #tpu.memory_space<vmem>>
        %dma_start3A_139 = tpu.memref_squeeze %dma_start3A_138 : memref<1x1x128xi32, #tpu.memory_space<vmem>> -> memref<128xi32, #tpu.memory_space<vmem>>
        %dma_start3A_140 = arith.constant 0 : i32
        %dma_start3A_141 = arith.constant 0 : i32
        %dma_start3A_142 = tpu.memref_slice %arg6[%dma_start3A_140, %dma_start3A_141] : memref<10112x128xf32, #tpu.memory_space<vmem_shared>> -> memref<10112x128xf32, #tpu.memory_space<vmem_shared>>
        tpu.enqueue_indirect_dma source(%arg9 : memref<128x128xf32, #tpu.memory_space<vmem>>) target(%dma_start3A_142 : memref<10112x128xf32, #tpu.memory_space<vmem_shared>>) offsets(%dma_start3A_139 : memref<128xi32, #tpu.memory_space<vmem>>) semaphore(%arg13 : memref<!tpu.dma_semaphore, #tpu.memory_space<semaphore_mem>>) {add = true}
        %dma_wait3A_143 = arith.constant 0 : i32
        %dma_wait3A_144 = arith.constant 0 : i32
        %dma_wait3A_145 = tpu.memref_slice %arg7[%dma_wait3A_143, %add3A_119, %dma_wait3A_144] : memref<2x8x128xi32, #tpu.memory_space<vmem>> -> memref<1x1x128xi32, #tpu.memory_space<vmem>>
        %dma_wait3A_146 = tpu.memref_squeeze %dma_wait3A_145 : memref<1x1x128xi32, #tpu.memory_space<vmem>> -> memref<128xi32, #tpu.memory_space<vmem>>
        %dma_wait3A_147 = arith.constant 0 : i32
        %dma_wait3A_148 = arith.constant 0 : i32
        %dma_wait3A_149 = tpu.memref_slice %arg2[%dma_wait3A_147, %dma_wait3A_148] : memref<10240x128xf32, #tpu.memory_space<hbm>> -> memref<10240x128xf32, #tpu.memory_space<hbm>>
        tpu.wait_indirect_dma semaphore(%arg12 : memref<!tpu.dma_semaphore, #tpu.memory_space<semaphore_mem>>) src(%dma_wait3A_149 : memref<10240x128xf32, #tpu.memory_space<hbm>>) dst(%arg10 : memref<128x128xf32, #tpu.memory_space<vmem>>)
        %add3A_150 = arith.constant 1 : i32
        %add3A_151 = arith.addi %add3A_98, %add3A_150 : i32
        %dma_start3A_152 = arith.constant 1 : i32
        %dma_start3A_153 = arith.constant 0 : i32
        %dma_start3A_154 = tpu.memref_slice %arg7[%dma_start3A_152, %add3A_151, %dma_start3A_153] : memref<2x8x128xi32, #tpu.memory_space<vmem>> -> memref<1x1x128xi32, #tpu.memory_space<vmem>>
        %dma_start3A_155 = tpu.memref_squeeze %dma_start3A_154 : memref<1x1x128xi32, #tpu.memory_space<vmem>> -> memref<128xi32, #tpu.memory_space<vmem>>
        %dma_start3A_156 = arith.constant 0 : i32
        %dma_start3A_157 = arith.constant 0 : i32
        %dma_start3A_158 = tpu.memref_slice %arg6[%dma_start3A_156, %dma_start3A_157] : memref<10112x128xf32, #tpu.memory_space<vmem_shared>> -> memref<10112x128xf32, #tpu.memory_space<vmem_shared>>
        tpu.enqueue_indirect_dma source(%arg10 : memref<128x128xf32, #tpu.memory_space<vmem>>) target(%dma_start3A_158 : memref<10112x128xf32, #tpu.memory_space<vmem_shared>>) offsets(%dma_start3A_155 : memref<128xi32, #tpu.memory_space<vmem>>) semaphore(%arg14 : memref<!tpu.dma_semaphore, #tpu.memory_space<semaphore_mem>>) {add = true}
      }
      %scan3A_33 = arith.constant 4 : i32
      %dma_wait3A = arith.constant 1 : i32
      %dma_wait3A_34 = arith.constant 0 : i32
      %dma_wait3A_35 = arith.constant 0 : i32
      %dma_wait3A_36 = tpu.memref_slice %arg7[%dma_wait3A, %dma_wait3A_34, %dma_wait3A_35] : memref<2x8x128xi32, #tpu.memory_space<vmem>> -> memref<1x1x128xi32, #tpu.memory_space<vmem>>
      %dma_wait3A_37 = tpu.memref_squeeze %dma_wait3A_36 : memref<1x1x128xi32, #tpu.memory_space<vmem>> -> memref<128xi32, #tpu.memory_space<vmem>>
      %dma_wait3A_38 = arith.constant 0 : i32
      %dma_wait3A_39 = arith.constant 0 : i32
      %dma_wait3A_40 = tpu.memref_slice %arg6[%dma_wait3A_38, %dma_wait3A_39] : memref<10112x128xf32, #tpu.memory_space<vmem_shared>> -> memref<10112x128xf32, #tpu.memory_space<vmem_shared>>
      tpu.wait_indirect_dma semaphore(%arg13 : memref<!tpu.dma_semaphore, #tpu.memory_space<semaphore_mem>>) src(%arg9 : memref<128x128xf32, #tpu.memory_space<vmem>>) dst(%dma_wait3A_40 : memref<10112x128xf32, #tpu.memory_space<vmem_shared>>)
      %dma_wait3A_41 = arith.constant 1 : i32
      %dma_wait3A_42 = arith.constant 0 : i32
      %dma_wait3A_43 = arith.constant 0 : i32
      %dma_wait3A_44 = tpu.memref_slice %arg7[%dma_wait3A_41, %dma_wait3A_42, %dma_wait3A_43] : memref<2x8x128xi32, #tpu.memory_space<vmem>> -> memref<1x1x128xi32, #tpu.memory_space<vmem>>
      %dma_wait3A_45 = tpu.memref_squeeze %dma_wait3A_44 : memref<1x1x128xi32, #tpu.memory_space<vmem>> -> memref<128xi32, #tpu.memory_space<vmem>>
      %dma_wait3A_46 = arith.constant 0 : i32
      %dma_wait3A_47 = arith.constant 0 : i32
      %dma_wait3A_48 = tpu.memref_slice %arg6[%dma_wait3A_46, %dma_wait3A_47] : memref<10112x128xf32, #tpu.memory_space<vmem_shared>> -> memref<10112x128xf32, #tpu.memory_space<vmem_shared>>
      tpu.wait_indirect_dma semaphore(%arg14 : memref<!tpu.dma_semaphore, #tpu.memory_space<semaphore_mem>>) src(%arg10 : memref<128x128xf32, #tpu.memory_space<vmem>>) dst(%dma_wait3A_48 : memref<10112x128xf32, #tpu.memory_space<vmem_shared>>)
      %add3A_49 = arith.constant 2 : i32
      %add3A_50 = arith.addi %add3A_26, %add3A_49 : i32
      %lt3A = arith.constant 10 : i32
      %lt3A_51 = arith.cmpi slt, %add3A_50, %lt3A : i32
      %convert_element_type3A_52 = arith.extui %lt3A_51 : i1 to i32
      %cond3A_53 = arith.constant 0 : i32
      %cond3A_54 = arith.cmpi ne, %convert_element_type3A_52, %cond3A_53 : i32
      scf.if %cond3A_54 {
        %add3A_94 = arith.constant 2 : i32
        %add3A_95 = arith.addi %add3A_26, %add3A_94 : i32
        %dma_start3A_96 = arith.constant 0 : i32
        %dma_start3A_97 = arith.constant 0 : i32
        %dma_start3A_98 = arith.constant 0 : i32
        %dma_start3A_99 = tpu.memref_slice %arg3[%add3A, %add3A_95, %dma_start3A_96, %dma_start3A_97, %dma_start3A_98] : memref<32x10x2x8x128xi32, #tpu.memory_space<hbm>> -> memref<1x1x2x8x128xi32, #tpu.memory_space<hbm>>
        %dma_start3A_100 = tpu.memref_squeeze %dma_start3A_99 : memref<1x1x2x8x128xi32, #tpu.memory_space<hbm>> -> memref<2x8x128xi32, #tpu.memory_space<hbm>>
        %dma_start3A_101 = arith.constant 0 : i32
        %dma_start3A_102 = arith.constant 0 : i32
        %dma_start3A_103 = arith.constant 0 : i32
        %dma_start3A_104 = tpu.memref_slice %arg3[%add3A, %add3A_95, %dma_start3A_101, %dma_start3A_102, %dma_start3A_103] : memref<32x10x2x8x128xi32, #tpu.memory_space<hbm>> -> memref<1x1x2x8x128xi32, #tpu.memory_space<hbm>>
        %dma_start3A_105 = tpu.memref_squeeze %dma_start3A_104 : memref<1x1x2x8x128xi32, #tpu.memory_space<hbm>> -> memref<2x8x128xi32, #tpu.memory_space<hbm>>
        tpu.enqueue_dma source(%dma_start3A_105 : memref<2x8x128xi32, #tpu.memory_space<hbm>>) target(%arg7 : memref<2x8x128xi32, #tpu.memory_space<vmem>>) target_semaphore(%arg15 : memref<!tpu.dma_semaphore, #tpu.memory_space<semaphore_mem>>)
      } else {
      }
      %dma_wait3A_55 = arith.constant 0 : i32
      %dma_wait3A_56 = arith.constant 0 : i32
      %dma_wait3A_57 = arith.constant 0 : i32
      %dma_wait3A_58 = arith.constant 0 : i32
      %dma_wait3A_59 = tpu.memref_slice %arg3[%add3A, %dma_wait3A_55, %dma_wait3A_56, %dma_wait3A_57, %dma_wait3A_58] : memref<32x10x2x8x128xi32, #tpu.memory_space<hbm>> -> memref<1x1x2x8x128xi32, #tpu.memory_space<hbm>>
      %dma_wait3A_60 = tpu.memref_squeeze %dma_wait3A_59 : memref<1x1x2x8x128xi32, #tpu.memory_space<hbm>> -> memref<2x8x128xi32, #tpu.memory_space<hbm>>
      %dma_wait3A_61 = arith.constant 0 : i32
      %dma_wait3A_62 = arith.constant 0 : i32
      %dma_wait3A_63 = arith.constant 0 : i32
      %dma_wait3A_64 = tpu.memref_slice %arg3[%add3A, %dma_wait3A_55, %dma_wait3A_61, %dma_wait3A_62, %dma_wait3A_63] : memref<32x10x2x8x128xi32, #tpu.memory_space<hbm>> -> memref<1x1x2x8x128xi32, #tpu.memory_space<hbm>>
      %dma_wait3A_65 = tpu.memref_squeeze %dma_wait3A_64 : memref<1x1x2x8x128xi32, #tpu.memory_space<hbm>> -> memref<2x8x128xi32, #tpu.memory_space<hbm>>
      tpu.wait_dma2 semaphore(%arg16 : memref<!tpu.dma_semaphore, #tpu.memory_space<semaphore_mem>>) src(%dma_wait3A_65 : memref<2x8x128xi32, #tpu.memory_space<hbm>>) dst(%arg8 : memref<2x8x128xi32, #tpu.memory_space<vmem>>)
      %scan3A_66 = arith.constant 0 : i32
      %scan3A_67 = arith.constant 4 : i32
      %scan3A_68 = arith.addi %scan3A_66, %scan3A_67 : i32
      %scan3A_69 = arith.constant 1 : i32
      scf.for %scan3A_94 = %scan3A_66 to %scan3A_68 step %scan3A_69  : i32 {
        %mul3A_95 = arith.constant 2 : i32
        %mul3A_96 = arith.muli %scan3A_94, %mul3A_95 : i32
        %add3A_97 = arith.constant 0 : i32
        %add3A_98 = arith.addi %add3A_97, %mul3A_96 : i32
        %gt3A_99 = arith.constant 0 : i32
        %gt3A_100 = arith.cmpi sgt, %add3A_98, %gt3A_99 : i32
        %convert_element_type3A_101 = arith.extui %gt3A_100 : i1 to i32
        %cond3A_102 = arith.constant 0 : i32
        %cond3A_103 = arith.cmpi ne, %convert_element_type3A_101, %cond3A_102 : i32
        scf.if %cond3A_103 {
          %dma_wait3A_159 = arith.constant 1 : i32
          %dma_wait3A_160 = arith.constant 0 : i32
          %dma_wait3A_161 = arith.constant 0 : i32
          %dma_wait3A_162 = tpu.memref_slice %arg8[%dma_wait3A_159, %dma_wait3A_160, %dma_wait3A_161] : memref<2x8x128xi32, #tpu.memory_space<vmem>> -> memref<1x1x128xi32, #tpu.memory_space<vmem>>
          %dma_wait3A_163 = tpu.memref_squeeze %dma_wait3A_162 : memref<1x1x128xi32, #tpu.memory_space<vmem>> -> memref<128xi32, #tpu.memory_space<vmem>>
          %dma_wait3A_164 = arith.constant 0 : i32
          %dma_wait3A_165 = arith.constant 0 : i32
          %dma_wait3A_166 = tpu.memref_slice %arg6[%dma_wait3A_164, %dma_wait3A_165] : memref<10112x128xf32, #tpu.memory_space<vmem_shared>> -> memref<10112x128xf32, #tpu.memory_space<vmem_shared>>
          tpu.wait_indirect_dma semaphore(%arg13 : memref<!tpu.dma_semaphore, #tpu.memory_space<semaphore_mem>>) src(%arg9 : memref<128x128xf32, #tpu.memory_space<vmem>>) dst(%dma_wait3A_166 : memref<10112x128xf32, #tpu.memory_space<vmem_shared>>)
        } else {
        }
        %add3A_104 = arith.constant 0 : i32
        %add3A_105 = arith.addi %add3A_98, %add3A_104 : i32
        %dma_start3A_106 = arith.constant 0 : i32
        %dma_start3A_107 = arith.constant 0 : i32
        %dma_start3A_108 = tpu.memref_slice %arg8[%dma_start3A_106, %add3A_105, %dma_start3A_107] : memref<2x8x128xi32, #tpu.memory_space<vmem>> -> memref<1x1x128xi32, #tpu.memory_space<vmem>>
        %dma_start3A_109 = tpu.memref_squeeze %dma_start3A_108 : memref<1x1x128xi32, #tpu.memory_space<vmem>> -> memref<128xi32, #tpu.memory_space<vmem>>
        %dma_start3A_110 = arith.constant 0 : i32
        %dma_start3A_111 = arith.constant 0 : i32
        %dma_start3A_112 = tpu.memref_slice %arg2[%dma_start3A_110, %dma_start3A_111] : memref<10240x128xf32, #tpu.memory_space<hbm>> -> memref<10240x128xf32, #tpu.memory_space<hbm>>
        tpu.enqueue_indirect_dma source(%dma_start3A_112 : memref<10240x128xf32, #tpu.memory_space<hbm>>) target(%arg9 : memref<128x128xf32, #tpu.memory_space<vmem>>) offsets(%dma_start3A_109 : memref<128xi32, #tpu.memory_space<vmem>>) semaphore(%arg11 : memref<!tpu.dma_semaphore, #tpu.memory_space<semaphore_mem>>)
        %gt3A_113 = arith.constant 0 : i32
        %gt3A_114 = arith.cmpi sgt, %add3A_98, %gt3A_113 : i32
        %convert_element_type3A_115 = arith.extui %gt3A_114 : i1 to i32
        %cond3A_116 = arith.constant 0 : i32
        %cond3A_117 = arith.cmpi ne, %convert_element_type3A_115, %cond3A_116 : i32
        scf.if %cond3A_117 {
          %dma_wait3A_159 = arith.constant 1 : i32
          %dma_wait3A_160 = arith.constant 0 : i32
          %dma_wait3A_161 = arith.constant 0 : i32
          %dma_wait3A_162 = tpu.memref_slice %arg8[%dma_wait3A_159, %dma_wait3A_160, %dma_wait3A_161] : memref<2x8x128xi32, #tpu.memory_space<vmem>> -> memref<1x1x128xi32, #tpu.memory_space<vmem>>
          %dma_wait3A_163 = tpu.memref_squeeze %dma_wait3A_162 : memref<1x1x128xi32, #tpu.memory_space<vmem>> -> memref<128xi32, #tpu.memory_space<vmem>>
          %dma_wait3A_164 = arith.constant 0 : i32
          %dma_wait3A_165 = arith.constant 0 : i32
          %dma_wait3A_166 = tpu.memref_slice %arg6[%dma_wait3A_164, %dma_wait3A_165] : memref<10112x128xf32, #tpu.memory_space<vmem_shared>> -> memref<10112x128xf32, #tpu.memory_space<vmem_shared>>
          tpu.wait_indirect_dma semaphore(%arg14 : memref<!tpu.dma_semaphore, #tpu.memory_space<semaphore_mem>>) src(%arg10 : memref<128x128xf32, #tpu.memory_space<vmem>>) dst(%dma_wait3A_166 : memref<10112x128xf32, #tpu.memory_space<vmem_shared>>)
        } else {
        }
        %add3A_118 = arith.constant 1 : i32
        %add3A_119 = arith.addi %add3A_98, %add3A_118 : i32
        %dma_start3A_120 = arith.constant 0 : i32
        %dma_start3A_121 = arith.constant 0 : i32
        %dma_start3A_122 = tpu.memref_slice %arg8[%dma_start3A_120, %add3A_119, %dma_start3A_121] : memref<2x8x128xi32, #tpu.memory_space<vmem>> -> memref<1x1x128xi32, #tpu.memory_space<vmem>>
        %dma_start3A_123 = tpu.memref_squeeze %dma_start3A_122 : memref<1x1x128xi32, #tpu.memory_space<vmem>> -> memref<128xi32, #tpu.memory_space<vmem>>
        %dma_start3A_124 = arith.constant 0 : i32
        %dma_start3A_125 = arith.constant 0 : i32
        %dma_start3A_126 = tpu.memref_slice %arg2[%dma_start3A_124, %dma_start3A_125] : memref<10240x128xf32, #tpu.memory_space<hbm>> -> memref<10240x128xf32, #tpu.memory_space<hbm>>
        tpu.enqueue_indirect_dma source(%dma_start3A_126 : memref<10240x128xf32, #tpu.memory_space<hbm>>) target(%arg10 : memref<128x128xf32, #tpu.memory_space<vmem>>) offsets(%dma_start3A_123 : memref<128xi32, #tpu.memory_space<vmem>>) semaphore(%arg12 : memref<!tpu.dma_semaphore, #tpu.memory_space<semaphore_mem>>)
        %dma_wait3A_127 = arith.constant 0 : i32
        %dma_wait3A_128 = arith.constant 0 : i32
        %dma_wait3A_129 = tpu.memref_slice %arg8[%dma_wait3A_127, %add3A_105, %dma_wait3A_128] : memref<2x8x128xi32, #tpu.memory_space<vmem>> -> memref<1x1x128xi32, #tpu.memory_space<vmem>>
        %dma_wait3A_130 = tpu.memref_squeeze %dma_wait3A_129 : memref<1x1x128xi32, #tpu.memory_space<vmem>> -> memref<128xi32, #tpu.memory_space<vmem>>
        %dma_wait3A_131 = arith.constant 0 : i32
        %dma_wait3A_132 = arith.constant 0 : i32
        %dma_wait3A_133 = tpu.memref_slice %arg2[%dma_wait3A_131, %dma_wait3A_132] : memref<10240x128xf32, #tpu.memory_space<hbm>> -> memref<10240x128xf32, #tpu.memory_space<hbm>>
        tpu.wait_indirect_dma semaphore(%arg11 : memref<!tpu.dma_semaphore, #tpu.memory_space<semaphore_mem>>) src(%dma_wait3A_133 : memref<10240x128xf32, #tpu.memory_space<hbm>>) dst(%arg9 : memref<128x128xf32, #tpu.memory_space<vmem>>)
        %add3A_134 = arith.constant 0 : i32
        %add3A_135 = arith.addi %add3A_98, %add3A_134 : i32
        %dma_start3A_136 = arith.constant 1 : i32
        %dma_start3A_137 = arith.constant 0 : i32
        %dma_start3A_138 = tpu.memref_slice %arg8[%dma_start3A_136, %add3A_135, %dma_start3A_137] : memref<2x8x128xi32, #tpu.memory_space<vmem>> -> memref<1x1x128xi32, #tpu.memory_space<vmem>>
        %dma_start3A_139 = tpu.memref_squeeze %dma_start3A_138 : memref<1x1x128xi32, #tpu.memory_space<vmem>> -> memref<128xi32, #tpu.memory_space<vmem>>
        %dma_start3A_140 = arith.constant 0 : i32
        %dma_start3A_141 = arith.constant 0 : i32
        %dma_start3A_142 = tpu.memref_slice %arg6[%dma_start3A_140, %dma_start3A_141] : memref<10112x128xf32, #tpu.memory_space<vmem_shared>> -> memref<10112x128xf32, #tpu.memory_space<vmem_shared>>
        tpu.enqueue_indirect_dma source(%arg9 : memref<128x128xf32, #tpu.memory_space<vmem>>) target(%dma_start3A_142 : memref<10112x128xf32, #tpu.memory_space<vmem_shared>>) offsets(%dma_start3A_139 : memref<128xi32, #tpu.memory_space<vmem>>) semaphore(%arg13 : memref<!tpu.dma_semaphore, #tpu.memory_space<semaphore_mem>>) {add = true}
        %dma_wait3A_143 = arith.constant 0 : i32
        %dma_wait3A_144 = arith.constant 0 : i32
        %dma_wait3A_145 = tpu.memref_slice %arg8[%dma_wait3A_143, %add3A_119, %dma_wait3A_144] : memref<2x8x128xi32, #tpu.memory_space<vmem>> -> memref<1x1x128xi32, #tpu.memory_space<vmem>>
        %dma_wait3A_146 = tpu.memref_squeeze %dma_wait3A_145 : memref<1x1x128xi32, #tpu.memory_space<vmem>> -> memref<128xi32, #tpu.memory_space<vmem>>
        %dma_wait3A_147 = arith.constant 0 : i32
        %dma_wait3A_148 = arith.constant 0 : i32
        %dma_wait3A_149 = tpu.memref_slice %arg2[%dma_wait3A_147, %dma_wait3A_148] : memref<10240x128xf32, #tpu.memory_space<hbm>> -> memref<10240x128xf32, #tpu.memory_space<hbm>>
        tpu.wait_indirect_dma semaphore(%arg12 : memref<!tpu.dma_semaphore, #tpu.memory_space<semaphore_mem>>) src(%dma_wait3A_149 : memref<10240x128xf32, #tpu.memory_space<hbm>>) dst(%arg10 : memref<128x128xf32, #tpu.memory_space<vmem>>)
        %add3A_150 = arith.constant 1 : i32
        %add3A_151 = arith.addi %add3A_98, %add3A_150 : i32
        %dma_start3A_152 = arith.constant 1 : i32
        %dma_start3A_153 = arith.constant 0 : i32
        %dma_start3A_154 = tpu.memref_slice %arg8[%dma_start3A_152, %add3A_151, %dma_start3A_153] : memref<2x8x128xi32, #tpu.memory_space<vmem>> -> memref<1x1x128xi32, #tpu.memory_space<vmem>>
        %dma_start3A_155 = tpu.memref_squeeze %dma_start3A_154 : memref<1x1x128xi32, #tpu.memory_space<vmem>> -> memref<128xi32, #tpu.memory_space<vmem>>
        %dma_start3A_156 = arith.constant 0 : i32
        %dma_start3A_157 = arith.constant 0 : i32
        %dma_start3A_158 = tpu.memref_slice %arg6[%dma_start3A_156, %dma_start3A_157] : memref<10112x128xf32, #tpu.memory_space<vmem_shared>> -> memref<10112x128xf32, #tpu.memory_space<vmem_shared>>
        tpu.enqueue_indirect_dma source(%arg10 : memref<128x128xf32, #tpu.memory_space<vmem>>) target(%dma_start3A_158 : memref<10112x128xf32, #tpu.memory_space<vmem_shared>>) offsets(%dma_start3A_155 : memref<128xi32, #tpu.memory_space<vmem>>) semaphore(%arg14 : memref<!tpu.dma_semaphore, #tpu.memory_space<semaphore_mem>>) {add = true}
      }
      %scan3A_70 = arith.constant 4 : i32
      %dma_wait3A_71 = arith.constant 1 : i32
      %dma_wait3A_72 = arith.constant 0 : i32
      %dma_wait3A_73 = arith.constant 0 : i32
      %dma_wait3A_74 = tpu.memref_slice %arg8[%dma_wait3A_71, %dma_wait3A_72, %dma_wait3A_73] : memref<2x8x128xi32, #tpu.memory_space<vmem>> -> memref<1x1x128xi32, #tpu.memory_space<vmem>>
      %dma_wait3A_75 = tpu.memref_squeeze %dma_wait3A_74 : memref<1x1x128xi32, #tpu.memory_space<vmem>> -> memref<128xi32, #tpu.memory_space<vmem>>
      %dma_wait3A_76 = arith.constant 0 : i32
      %dma_wait3A_77 = arith.constant 0 : i32
      %dma_wait3A_78 = tpu.memref_slice %arg6[%dma_wait3A_76, %dma_wait3A_77] : memref<10112x128xf32, #tpu.memory_space<vmem_shared>> -> memref<10112x128xf32, #tpu.memory_space<vmem_shared>>
      tpu.wait_indirect_dma semaphore(%arg13 : memref<!tpu.dma_semaphore, #tpu.memory_space<semaphore_mem>>) src(%arg9 : memref<128x128xf32, #tpu.memory_space<vmem>>) dst(%dma_wait3A_78 : memref<10112x128xf32, #tpu.memory_space<vmem_shared>>)
      %dma_wait3A_79 = arith.constant 1 : i32
      %dma_wait3A_80 = arith.constant 0 : i32
      %dma_wait3A_81 = arith.constant 0 : i32
      %dma_wait3A_82 = tpu.memref_slice %arg8[%dma_wait3A_79, %dma_wait3A_80, %dma_wait3A_81] : memref<2x8x128xi32, #tpu.memory_space<vmem>> -> memref<1x1x128xi32, #tpu.memory_space<vmem>>
      %dma_wait3A_83 = tpu.memref_squeeze %dma_wait3A_82 : memref<1x1x128xi32, #tpu.memory_space<vmem>> -> memref<128xi32, #tpu.memory_space<vmem>>
      %dma_wait3A_84 = arith.constant 0 : i32
      %dma_wait3A_85 = arith.constant 0 : i32
      %dma_wait3A_86 = tpu.memref_slice %arg6[%dma_wait3A_84, %dma_wait3A_85] : memref<10112x128xf32, #tpu.memory_space<vmem_shared>> -> memref<10112x128xf32, #tpu.memory_space<vmem_shared>>
      tpu.wait_indirect_dma semaphore(%arg14 : memref<!tpu.dma_semaphore, #tpu.memory_space<semaphore_mem>>) src(%arg10 : memref<128x128xf32, #tpu.memory_space<vmem>>) dst(%dma_wait3A_86 : memref<10112x128xf32, #tpu.memory_space<vmem_shared>>)
      %add3A_87 = arith.constant 3 : i32
      %add3A_88 = arith.addi %add3A_26, %add3A_87 : i32
      %lt3A_89 = arith.constant 10 : i32
      %lt3A_90 = arith.cmpi slt, %add3A_88, %lt3A_89 : i32
      %convert_element_type3A_91 = arith.extui %lt3A_90 : i1 to i32
      %cond3A_92 = arith.constant 0 : i32
      %cond3A_93 = arith.cmpi ne, %convert_element_type3A_91, %cond3A_92 : i32
      scf.if %cond3A_93 {
        %add3A_94 = arith.constant 3 : i32
        %add3A_95 = arith.addi %add3A_26, %add3A_94 : i32
        %dma_start3A_96 = arith.constant 0 : i32
        %dma_start3A_97 = arith.constant 0 : i32
        %dma_start3A_98 = arith.constant 0 : i32
        %dma_start3A_99 = tpu.memref_slice %arg3[%add3A, %add3A_95, %dma_start3A_96, %dma_start3A_97, %dma_start3A_98] : memref<32x10x2x8x128xi32, #tpu.memory_space<hbm>> -> memref<1x1x2x8x128xi32, #tpu.memory_space<hbm>>
        %dma_start3A_100 = tpu.memref_squeeze %dma_start3A_99 : memref<1x1x2x8x128xi32, #tpu.memory_space<hbm>> -> memref<2x8x128xi32, #tpu.memory_space<hbm>>
        %dma_start3A_101 = arith.constant 0 : i32
        %dma_start3A_102 = arith.constant 0 : i32
        %dma_start3A_103 = arith.constant 0 : i32
        %dma_start3A_104 = tpu.memref_slice %arg3[%add3A, %add3A_95, %dma_start3A_101, %dma_start3A_102, %dma_start3A_103] : memref<32x10x2x8x128xi32, #tpu.memory_space<hbm>> -> memref<1x1x2x8x128xi32, #tpu.memory_space<hbm>>
        %dma_start3A_105 = tpu.memref_squeeze %dma_start3A_104 : memref<1x1x2x8x128xi32, #tpu.memory_space<hbm>> -> memref<2x8x128xi32, #tpu.memory_space<hbm>>
        tpu.enqueue_dma source(%dma_start3A_105 : memref<2x8x128xi32, #tpu.memory_space<hbm>>) target(%arg8 : memref<2x8x128xi32, #tpu.memory_space<vmem>>) target_semaphore(%arg16 : memref<!tpu.dma_semaphore, #tpu.memory_space<semaphore_mem>>)
      } else {
      }
    }
    %scan3A_16 = arith.constant 5 : i32
    %barrier3A_17 = arith.constant 0 : index
    tpu.barrier barrier_id(%barrier3A_17)
    %mul3A_18 = arith.constant 632 : i32
    %mul3A_19 = arith.muli %arg1, %mul3A_18 : i32
    %mul3A_20 = arith.constant 632 : i32
    %mul3A_21 = arith.muli %arg1, %mul3A_20 : i32
    "tpu.region"() ({
      %run_scoped3A_22 = tpu.sem_alloc : memref<!tpu.dma_semaphore, #tpu.memory_space<semaphore_mem>>
      %dma_start3A_23 = arith.constant 0 : i32
      %dma_start3A_24 = tpu.memref_slice %arg5[%arg0, %mul3A_21, %dma_start3A_23] : memref<2x10240x128xf32, #tpu.memory_space<hbm>> -> memref<1x632x128xf32, #tpu.memory_space<hbm>>
      %dma_start3A_25 = tpu.memref_squeeze %dma_start3A_24 : memref<1x632x128xf32, #tpu.memory_space<hbm>> -> memref<632x128xf32, #tpu.memory_space<hbm>>
      %dma_start3A_26 = arith.constant 0 : i32
      %dma_start3A_27 = tpu.memref_slice %arg6[%mul3A_19, %dma_start3A_26] : memref<10112x128xf32, #tpu.memory_space<vmem_shared>> -> memref<632x128xf32, #tpu.memory_space<vmem_shared>>
      tpu.enqueue_dma source(%dma_start3A_27 : memref<632x128xf32, #tpu.memory_space<vmem_shared>>) target(%dma_start3A_25 : memref<632x128xf32, #tpu.memory_space<hbm>>) target_semaphore(%run_scoped3A_22 : memref<!tpu.dma_semaphore, #tpu.memory_space<semaphore_mem>>)
      %dma_wait3A = arith.constant 0 : i32
      %dma_wait3A_28 = tpu.memref_slice %arg5[%arg0, %mul3A_21, %dma_wait3A] : memref<2x10240x128xf32, #tpu.memory_space<hbm>> -> memref<1x632x128xf32, #tpu.memory_space<hbm>>
      %dma_wait3A_29 = tpu.memref_squeeze %dma_wait3A_28 : memref<1x632x128xf32, #tpu.memory_space<hbm>> -> memref<632x128xf32, #tpu.memory_space<hbm>>
      %dma_wait3A_30 = arith.constant 0 : i32
      %dma_wait3A_31 = tpu.memref_slice %arg6[%mul3A_19, %dma_wait3A_30] : memref<10112x128xf32, #tpu.memory_space<vmem_shared>> -> memref<632x128xf32, #tpu.memory_space<vmem_shared>>
      tpu.wait_dma2 semaphore(%run_scoped3A_22 : memref<!tpu.dma_semaphore, #tpu.memory_space<semaphore_mem>>) src(%dma_wait3A_31 : memref<632x128xf32, #tpu.memory_space<vmem_shared>>) dst(%dma_wait3A_29 : memref<632x128xf32, #tpu.memory_space<hbm>>)
      tpu.yield
    }) : () -> ()
    return
  }
}

#map = affine_map<(d0, d1) -> (0, 0)>
#map1 = affine_map<(d0, d1) -> (0, 0, 0, 0, 0)>
#map2 = affine_map<(d0, d1) -> (0, 0, 0)>
module attributes {stable_mosaic.version = 14 : i64} {
  func.func @_agg_body(%arg0: i32, %arg1: i32, %arg2: memref<10240x128xf32, #tpu.memory_space<hbm>>, %arg3: memref<32x10x2x8x128xi32, #tpu.memory_space<hbm>>, %arg4: memref<632x128xf32, #tpu.memory_space<hbm>>, %arg5: memref<2x10240x128xf32, #tpu.memory_space<hbm>>, %arg6: memref<10112x128xf32, #tpu.memory_space<vmem_shared>>, %arg7: memref<2x8x128xi32, #tpu.memory_space<vmem>>, %arg8: memref<2x8x128xi32, #tpu.memory_space<vmem>>, %arg9: memref<128x128xf32, #tpu.memory_space<vmem>>, %arg10: memref<128x128xf32, #tpu.memory_space<vmem>>, %arg11: memref<!tpu.dma_semaphore, #tpu.memory_space<semaphore_mem>>, %arg12: memref<!tpu.dma_semaphore, #tpu.memory_space<semaphore_mem>>, %arg13: memref<!tpu.dma_semaphore, #tpu.memory_space<semaphore_mem>>, %arg14: memref<!tpu.dma_semaphore, #tpu.memory_space<semaphore_mem>>, %arg15: memref<!tpu.dma_semaphore, #tpu.memory_space<semaphore_mem>>, %arg16: memref<!tpu.dma_semaphore, #tpu.memory_space<semaphore_mem>>) attributes {dimension_semantics = [#tpu.dimension_semantics<core_parallel>, #tpu.dimension_semantics<subcore_parallel>], iteration_bounds = array<i64: 2, 16>, scalar_prefetch = 0 : i64, scratch_operands = 11 : i64, tpu.core_type = #tpu.core_type<sc_vector_subcore>, window_params = [{transform_indices = #map}, {transform_indices = #map1}, {transform_indices = #map}, {transform_indices = #map2}]} {
    %mul3A = arith.constant 16 : i32
    %mul3A_0 = arith.muli %arg0, %mul3A : i32
    %add3A = arith.addi %mul3A_0, %arg1 : i32
    %mul3A_1 = arith.constant 632 : i32
    %mul3A_2 = arith.muli %arg1, %mul3A_1 : i32
    "tpu.region"() ({
      %run_scoped3A_22 = tpu.sem_alloc : memref<!tpu.dma_semaphore, #tpu.memory_space<semaphore_mem>>
      %dma_start3A_23 = arith.constant 0 : i32
      %dma_start3A_24 = tpu.memref_slice %arg6[%mul3A_2, %dma_start3A_23] : memref<10112x128xf32, #tpu.memory_space<vmem_shared>> -> memref<632x128xf32, #tpu.memory_space<vmem_shared>>
      tpu.enqueue_dma source(%arg4 : memref<632x128xf32, #tpu.memory_space<hbm>>) target(%dma_start3A_24 : memref<632x128xf32, #tpu.memory_space<vmem_shared>>) target_semaphore(%run_scoped3A_22 : memref<!tpu.dma_semaphore, #tpu.memory_space<semaphore_mem>>)
      %dma_wait3A = arith.constant 0 : i32
      %dma_wait3A_25 = tpu.memref_slice %arg6[%mul3A_2, %dma_wait3A] : memref<10112x128xf32, #tpu.memory_space<vmem_shared>> -> memref<632x128xf32, #tpu.memory_space<vmem_shared>>
      tpu.wait_dma2 semaphore(%run_scoped3A_22 : memref<!tpu.dma_semaphore, #tpu.memory_space<semaphore_mem>>) src(%arg4 : memref<632x128xf32, #tpu.memory_space<hbm>>) dst(%dma_wait3A_25 : memref<632x128xf32, #tpu.memory_space<vmem_shared>>)
      tpu.yield
    }) : () -> ()
    %barrier3A = arith.constant 0 : index
    tpu.barrier barrier_id(%barrier3A)
    %run_scoped3A = arith.constant 0 : i32
    "tpu.region"() ({
      %run_scoped3A_22 = tpu.sem_alloc : memref<!tpu.dma_semaphore, #tpu.memory_space<semaphore_mem>>
      %dma_start3A_23 = arith.constant 0 : i32
      %dma_start3A_24 = arith.constant 0 : i32
      %dma_start3A_25 = arith.constant 0 : i32
      %dma_start3A_26 = tpu.memref_slice %arg3[%add3A, %run_scoped3A, %dma_start3A_23, %dma_start3A_24, %dma_start3A_25] : memref<32x10x2x8x128xi32, #tpu.memory_space<hbm>> -> memref<1x1x2x8x128xi32, #tpu.memory_space<hbm>>
      %dma_start3A_27 = tpu.memref_squeeze %dma_start3A_26 : memref<1x1x2x8x128xi32, #tpu.memory_space<hbm>> -> memref<2x8x128xi32, #tpu.memory_space<hbm>>
      %dma_start3A_28 = arith.constant 0 : i32
      %dma_start3A_29 = arith.constant 0 : i32
      %dma_start3A_30 = arith.constant 0 : i32
      %dma_start3A_31 = tpu.memref_slice %arg3[%add3A, %run_scoped3A, %dma_start3A_28, %dma_start3A_29, %dma_start3A_30] : memref<32x10x2x8x128xi32, #tpu.memory_space<hbm>> -> memref<1x1x2x8x128xi32, #tpu.memory_space<hbm>>
      %dma_start3A_32 = tpu.memref_squeeze %dma_start3A_31 : memref<1x1x2x8x128xi32, #tpu.memory_space<hbm>> -> memref<2x8x128xi32, #tpu.memory_space<hbm>>
      tpu.enqueue_dma source(%dma_start3A_32 : memref<2x8x128xi32, #tpu.memory_space<hbm>>) target(%arg7 : memref<2x8x128xi32, #tpu.memory_space<vmem>>) target_semaphore(%run_scoped3A_22 : memref<!tpu.dma_semaphore, #tpu.memory_space<semaphore_mem>>)
      %dma_wait3A = arith.constant 0 : i32
      %dma_wait3A_33 = arith.constant 0 : i32
      %dma_wait3A_34 = arith.constant 0 : i32
      %dma_wait3A_35 = tpu.memref_slice %arg3[%add3A, %run_scoped3A, %dma_wait3A, %dma_wait3A_33, %dma_wait3A_34] : memref<32x10x2x8x128xi32, #tpu.memory_space<hbm>> -> memref<1x1x2x8x128xi32, #tpu.memory_space<hbm>>
      %dma_wait3A_36 = tpu.memref_squeeze %dma_wait3A_35 : memref<1x1x2x8x128xi32, #tpu.memory_space<hbm>> -> memref<2x8x128xi32, #tpu.memory_space<hbm>>
      %dma_wait3A_37 = arith.constant 0 : i32
      %dma_wait3A_38 = arith.constant 0 : i32
      %dma_wait3A_39 = arith.constant 0 : i32
      %dma_wait3A_40 = tpu.memref_slice %arg3[%add3A, %run_scoped3A, %dma_wait3A_37, %dma_wait3A_38, %dma_wait3A_39] : memref<32x10x2x8x128xi32, #tpu.memory_space<hbm>> -> memref<1x1x2x8x128xi32, #tpu.memory_space<hbm>>
      %dma_wait3A_41 = tpu.memref_squeeze %dma_wait3A_40 : memref<1x1x2x8x128xi32, #tpu.memory_space<hbm>> -> memref<2x8x128xi32, #tpu.memory_space<hbm>>
      tpu.wait_dma2 semaphore(%run_scoped3A_22 : memref<!tpu.dma_semaphore, #tpu.memory_space<semaphore_mem>>) src(%dma_wait3A_41 : memref<2x8x128xi32, #tpu.memory_space<hbm>>) dst(%arg7 : memref<2x8x128xi32, #tpu.memory_space<vmem>>)
      tpu.yield
    }) : () -> ()
    %dma_start3A = arith.constant 1 : i32
    %dma_start3A_3 = arith.constant 0 : i32
    %dma_start3A_4 = arith.constant 0 : i32
    %dma_start3A_5 = arith.constant 0 : i32
    %dma_start3A_6 = tpu.memref_slice %arg3[%add3A, %dma_start3A, %dma_start3A_3, %dma_start3A_4, %dma_start3A_5] : memref<32x10x2x8x128xi32, #tpu.memory_space<hbm>> -> memref<1x1x2x8x128xi32, #tpu.memory_space<hbm>>
    %dma_start3A_7 = tpu.memref_squeeze %dma_start3A_6 : memref<1x1x2x8x128xi32, #tpu.memory_space<hbm>> -> memref<2x8x128xi32, #tpu.memory_space<hbm>>
    %dma_start3A_8 = arith.constant 0 : i32
    %dma_start3A_9 = arith.constant 0 : i32
    %dma_start3A_10 = arith.constant 0 : i32
    %dma_start3A_11 = tpu.memref_slice %arg3[%add3A, %dma_start3A, %dma_start3A_8, %dma_start3A_9, %dma_start3A_10] : memref<32x10x2x8x128xi32, #tpu.memory_space<hbm>> -> memref<1x1x2x8x128xi32, #tpu.memory_space<hbm>>
    %dma_start3A_12 = tpu.memref_squeeze %dma_start3A_11 : memref<1x1x2x8x128xi32, #tpu.memory_space<hbm>> -> memref<2x8x128xi32, #tpu.memory_space<hbm>>
    tpu.enqueue_dma source(%dma_start3A_12 : memref<2x8x128xi32, #tpu.memory_space<hbm>>) target(%arg8 : memref<2x8x128xi32, #tpu.memory_space<vmem>>) target_semaphore(%arg16 : memref<!tpu.dma_semaphore, #tpu.memory_space<semaphore_mem>>)
    %scan3A = arith.constant 0 : i32
    %scan3A_13 = arith.constant 5 : i32
    %scan3A_14 = arith.addi %scan3A, %scan3A_13 : i32
    %scan3A_15 = arith.constant 1 : i32
    scf.for %scan3A_22 = %scan3A to %scan3A_14 step %scan3A_15  : i32 {
      %mul3A_23 = arith.constant 2 : i32
      %mul3A_24 = arith.muli %scan3A_22, %mul3A_23 : i32
      %add3A_25 = arith.constant 0 : i32
      %add3A_26 = arith.addi %add3A_25, %mul3A_24 : i32
      %gt3A = arith.constant 0 : i32
      %gt3A_27 = arith.cmpi sgt, %add3A_26, %gt3A : i32
      %convert_element_type3A = arith.extui %gt3A_27 : i1 to i32
      %cond3A = arith.constant 0 : i32
      %cond3A_28 = arith.cmpi ne, %convert_element_type3A, %cond3A : i32
      scf.if %cond3A_28 {
        %dma_wait3A_94 = arith.constant 0 : i32
        %dma_wait3A_95 = arith.constant 0 : i32
        %dma_wait3A_96 = arith.constant 0 : i32
        %dma_wait3A_97 = arith.constant 0 : i32
        %dma_wait3A_98 = tpu.memref_slice %arg3[%add3A, %dma_wait3A_94, %dma_wait3A_95, %dma_wait3A_96, %dma_wait3A_97] : memref<32x10x2x8x128xi32, #tpu.memory_space<hbm>> -> memref<1x1x2x8x128xi32, #tpu.memory_space<hbm>>
        %dma_wait3A_99 = tpu.memref_squeeze %dma_wait3A_98 : memref<1x1x2x8x128xi32, #tpu.memory_space<hbm>> -> memref<2x8x128xi32, #tpu.memory_space<hbm>>
        %dma_wait3A_100 = arith.constant 0 : i32
        %dma_wait3A_101 = arith.constant 0 : i32
        %dma_wait3A_102 = arith.constant 0 : i32
        %dma_wait3A_103 = tpu.memref_slice %arg3[%add3A, %dma_wait3A_94, %dma_wait3A_100, %dma_wait3A_101, %dma_wait3A_102] : memref<32x10x2x8x128xi32, #tpu.memory_space<hbm>> -> memref<1x1x2x8x128xi32, #tpu.memory_space<hbm>>
        %dma_wait3A_104 = tpu.memref_squeeze %dma_wait3A_103 : memref<1x1x2x8x128xi32, #tpu.memory_space<hbm>> -> memref<2x8x128xi32, #tpu.memory_space<hbm>>
        tpu.wait_dma2 semaphore(%arg15 : memref<!tpu.dma_semaphore, #tpu.memory_space<semaphore_mem>>) src(%dma_wait3A_104 : memref<2x8x128xi32, #tpu.memory_space<hbm>>) dst(%arg7 : memref<2x8x128xi32, #tpu.memory_space<vmem>>)
      } else {
      }
      %scan3A_29 = arith.constant 0 : i32
      %scan3A_30 = arith.constant 4 : i32
      %scan3A_31 = arith.addi %scan3A_29, %scan3A_30 : i32
      %scan3A_32 = arith.constant 1 : i32
      scf.for %scan3A_94 = %scan3A_29 to %scan3A_31 step %scan3A_32  : i32 {
        %mul3A_95 = arith.constant 2 : i32
        %mul3A_96 = arith.muli %scan3A_94, %mul3A_95 : i32
        %add3A_97 = arith.constant 0 : i32
        %add3A_98 = arith.addi %add3A_97, %mul3A_96 : i32
        %gt3A_99 = arith.constant 0 : i32
        %gt3A_100 = arith.cmpi sgt, %add3A_98, %gt3A_99 : i32
        %convert_element_type3A_101 = arith.extui %gt3A_100 : i1 to i32
        %cond3A_102 = arith.constant 0 : i32
        %cond3A_103 = arith.cmpi ne, %convert_element_type3A_101, %cond3A_102 : i32
        scf.if %cond3A_103 {
          %dma_wait3A_159 = arith.constant 1 : i32
          %dma_wait3A_160 = arith.constant 0 : i32
          %dma_wait3A_161 = arith.constant 0 : i32
          %dma_wait3A_162 = tpu.memref_slice %arg7[%dma_wait3A_159, %dma_wait3A_160, %dma_wait3A_161] : memref<2x8x128xi32, #tpu.memory_space<vmem>> -> memref<1x1x128xi32, #tpu.memory_space<vmem>>
          %dma_wait3A_163 = tpu.memref_squeeze %dma_wait3A_162 : memref<1x1x128xi32, #tpu.memory_space<vmem>> -> memref<128xi32, #tpu.memory_space<vmem>>
          %dma_wait3A_164 = arith.constant 0 : i32
          %dma_wait3A_165 = arith.constant 0 : i32
          %dma_wait3A_166 = tpu.memref_slice %arg6[%dma_wait3A_164, %dma_wait3A_165] : memref<10112x128xf32, #tpu.memory_space<vmem_shared>> -> memref<10112x128xf32, #tpu.memory_space<vmem_shared>>
          tpu.wait_indirect_dma semaphore(%arg13 : memref<!tpu.dma_semaphore, #tpu.memory_space<semaphore_mem>>) src(%arg9 : memref<128x128xf32, #tpu.memory_space<vmem>>) dst(%dma_wait3A_166 : memref<10112x128xf32, #tpu.memory_space<vmem_shared>>)
        } else {
        }
        %add3A_104 = arith.constant 0 : i32
        %add3A_105 = arith.addi %add3A_98, %add3A_104 : i32
        %dma_start3A_106 = arith.constant 0 : i32
        %dma_start3A_107 = arith.constant 0 : i32
        %dma_start3A_108 = tpu.memref_slice %arg7[%dma_start3A_106, %add3A_105, %dma_start3A_107] : memref<2x8x128xi32, #tpu.memory_space<vmem>> -> memref<1x1x128xi32, #tpu.memory_space<vmem>>
        %dma_start3A_109 = tpu.memref_squeeze %dma_start3A_108 : memref<1x1x128xi32, #tpu.memory_space<vmem>> -> memref<128xi32, #tpu.memory_space<vmem>>
        %dma_start3A_110 = arith.constant 0 : i32
        %dma_start3A_111 = arith.constant 0 : i32
        %dma_start3A_112 = tpu.memref_slice %arg2[%dma_start3A_110, %dma_start3A_111] : memref<10240x128xf32, #tpu.memory_space<hbm>> -> memref<10240x128xf32, #tpu.memory_space<hbm>>
        tpu.enqueue_indirect_dma source(%dma_start3A_112 : memref<10240x128xf32, #tpu.memory_space<hbm>>) target(%arg9 : memref<128x128xf32, #tpu.memory_space<vmem>>) offsets(%dma_start3A_109 : memref<128xi32, #tpu.memory_space<vmem>>) semaphore(%arg11 : memref<!tpu.dma_semaphore, #tpu.memory_space<semaphore_mem>>)
        %gt3A_113 = arith.constant 0 : i32
        %gt3A_114 = arith.cmpi sgt, %add3A_98, %gt3A_113 : i32
        %convert_element_type3A_115 = arith.extui %gt3A_114 : i1 to i32
        %cond3A_116 = arith.constant 0 : i32
        %cond3A_117 = arith.cmpi ne, %convert_element_type3A_115, %cond3A_116 : i32
        scf.if %cond3A_117 {
          %dma_wait3A_159 = arith.constant 1 : i32
          %dma_wait3A_160 = arith.constant 0 : i32
          %dma_wait3A_161 = arith.constant 0 : i32
          %dma_wait3A_162 = tpu.memref_slice %arg7[%dma_wait3A_159, %dma_wait3A_160, %dma_wait3A_161] : memref<2x8x128xi32, #tpu.memory_space<vmem>> -> memref<1x1x128xi32, #tpu.memory_space<vmem>>
          %dma_wait3A_163 = tpu.memref_squeeze %dma_wait3A_162 : memref<1x1x128xi32, #tpu.memory_space<vmem>> -> memref<128xi32, #tpu.memory_space<vmem>>
          %dma_wait3A_164 = arith.constant 0 : i32
          %dma_wait3A_165 = arith.constant 0 : i32
          %dma_wait3A_166 = tpu.memref_slice %arg6[%dma_wait3A_164, %dma_wait3A_165] : memref<10112x128xf32, #tpu.memory_space<vmem_shared>> -> memref<10112x128xf32, #tpu.memory_space<vmem_shared>>
          tpu.wait_indirect_dma semaphore(%arg14 : memref<!tpu.dma_semaphore, #tpu.memory_space<semaphore_mem>>) src(%arg10 : memref<128x128xf32, #tpu.memory_space<vmem>>) dst(%dma_wait3A_166 : memref<10112x128xf32, #tpu.memory_space<vmem_shared>>)
        } else {
        }
        %add3A_118 = arith.constant 1 : i32
        %add3A_119 = arith.addi %add3A_98, %add3A_118 : i32
        %dma_start3A_120 = arith.constant 0 : i32
        %dma_start3A_121 = arith.constant 0 : i32
        %dma_start3A_122 = tpu.memref_slice %arg7[%dma_start3A_120, %add3A_119, %dma_start3A_121] : memref<2x8x128xi32, #tpu.memory_space<vmem>> -> memref<1x1x128xi32, #tpu.memory_space<vmem>>
        %dma_start3A_123 = tpu.memref_squeeze %dma_start3A_122 : memref<1x1x128xi32, #tpu.memory_space<vmem>> -> memref<128xi32, #tpu.memory_space<vmem>>
        %dma_start3A_124 = arith.constant 0 : i32
        %dma_start3A_125 = arith.constant 0 : i32
        %dma_start3A_126 = tpu.memref_slice %arg2[%dma_start3A_124, %dma_start3A_125] : memref<10240x128xf32, #tpu.memory_space<hbm>> -> memref<10240x128xf32, #tpu.memory_space<hbm>>
        tpu.enqueue_indirect_dma source(%dma_start3A_126 : memref<10240x128xf32, #tpu.memory_space<hbm>>) target(%arg10 : memref<128x128xf32, #tpu.memory_space<vmem>>) offsets(%dma_start3A_123 : memref<128xi32, #tpu.memory_space<vmem>>) semaphore(%arg12 : memref<!tpu.dma_semaphore, #tpu.memory_space<semaphore_mem>>)
        %dma_wait3A_127 = arith.constant 0 : i32
        %dma_wait3A_128 = arith.constant 0 : i32
        %dma_wait3A_129 = tpu.memref_slice %arg7[%dma_wait3A_127, %add3A_105, %dma_wait3A_128] : memref<2x8x128xi32, #tpu.memory_space<vmem>> -> memref<1x1x128xi32, #tpu.memory_space<vmem>>
        %dma_wait3A_130 = tpu.memref_squeeze %dma_wait3A_129 : memref<1x1x128xi32, #tpu.memory_space<vmem>> -> memref<128xi32, #tpu.memory_space<vmem>>
        %dma_wait3A_131 = arith.constant 0 : i32
        %dma_wait3A_132 = arith.constant 0 : i32
        %dma_wait3A_133 = tpu.memref_slice %arg2[%dma_wait3A_131, %dma_wait3A_132] : memref<10240x128xf32, #tpu.memory_space<hbm>> -> memref<10240x128xf32, #tpu.memory_space<hbm>>
        tpu.wait_indirect_dma semaphore(%arg11 : memref<!tpu.dma_semaphore, #tpu.memory_space<semaphore_mem>>) src(%dma_wait3A_133 : memref<10240x128xf32, #tpu.memory_space<hbm>>) dst(%arg9 : memref<128x128xf32, #tpu.memory_space<vmem>>)
        %add3A_134 = arith.constant 0 : i32
        %add3A_135 = arith.addi %add3A_98, %add3A_134 : i32
        %dma_start3A_136 = arith.constant 1 : i32
        %dma_start3A_137 = arith.constant 0 : i32
        %dma_start3A_138 = tpu.memref_slice %arg7[%dma_start3A_136, %add3A_135, %dma_start3A_137] : memref<2x8x128xi32, #tpu.memory_space<vmem>> -> memref<1x1x128xi32, #tpu.memory_space<vmem>>
        %dma_start3A_139 = tpu.memref_squeeze %dma_start3A_138 : memref<1x1x128xi32, #tpu.memory_space<vmem>> -> memref<128xi32, #tpu.memory_space<vmem>>
        %dma_start3A_140 = arith.constant 0 : i32
        %dma_start3A_141 = arith.constant 0 : i32
        %dma_start3A_142 = tpu.memref_slice %arg6[%dma_start3A_140, %dma_start3A_141] : memref<10112x128xf32, #tpu.memory_space<vmem_shared>> -> memref<10112x128xf32, #tpu.memory_space<vmem_shared>>
        tpu.enqueue_indirect_dma source(%arg9 : memref<128x128xf32, #tpu.memory_space<vmem>>) target(%dma_start3A_142 : memref<10112x128xf32, #tpu.memory_space<vmem_shared>>) offsets(%dma_start3A_139 : memref<128xi32, #tpu.memory_space<vmem>>) semaphore(%arg13 : memref<!tpu.dma_semaphore, #tpu.memory_space<semaphore_mem>>) {add = true}
        %dma_wait3A_143 = arith.constant 0 : i32
        %dma_wait3A_144 = arith.constant 0 : i32
        %dma_wait3A_145 = tpu.memref_slice %arg7[%dma_wait3A_143, %add3A_119, %dma_wait3A_144] : memref<2x8x128xi32, #tpu.memory_space<vmem>> -> memref<1x1x128xi32, #tpu.memory_space<vmem>>
        %dma_wait3A_146 = tpu.memref_squeeze %dma_wait3A_145 : memref<1x1x128xi32, #tpu.memory_space<vmem>> -> memref<128xi32, #tpu.memory_space<vmem>>
        %dma_wait3A_147 = arith.constant 0 : i32
        %dma_wait3A_148 = arith.constant 0 : i32
        %dma_wait3A_149 = tpu.memref_slice %arg2[%dma_wait3A_147, %dma_wait3A_148] : memref<10240x128xf32, #tpu.memory_space<hbm>> -> memref<10240x128xf32, #tpu.memory_space<hbm>>
        tpu.wait_indirect_dma semaphore(%arg12 : memref<!tpu.dma_semaphore, #tpu.memory_space<semaphore_mem>>) src(%dma_wait3A_149 : memref<10240x128xf32, #tpu.memory_space<hbm>>) dst(%arg10 : memref<128x128xf32, #tpu.memory_space<vmem>>)
        %add3A_150 = arith.constant 1 : i32
        %add3A_151 = arith.addi %add3A_98, %add3A_150 : i32
        %dma_start3A_152 = arith.constant 1 : i32
        %dma_start3A_153 = arith.constant 0 : i32
        %dma_start3A_154 = tpu.memref_slice %arg7[%dma_start3A_152, %add3A_151, %dma_start3A_153] : memref<2x8x128xi32, #tpu.memory_space<vmem>> -> memref<1x1x128xi32, #tpu.memory_space<vmem>>
        %dma_start3A_155 = tpu.memref_squeeze %dma_start3A_154 : memref<1x1x128xi32, #tpu.memory_space<vmem>> -> memref<128xi32, #tpu.memory_space<vmem>>
        %dma_start3A_156 = arith.constant 0 : i32
        %dma_start3A_157 = arith.constant 0 : i32
        %dma_start3A_158 = tpu.memref_slice %arg6[%dma_start3A_156, %dma_start3A_157] : memref<10112x128xf32, #tpu.memory_space<vmem_shared>> -> memref<10112x128xf32, #tpu.memory_space<vmem_shared>>
        tpu.enqueue_indirect_dma source(%arg10 : memref<128x128xf32, #tpu.memory_space<vmem>>) target(%dma_start3A_158 : memref<10112x128xf32, #tpu.memory_space<vmem_shared>>) offsets(%dma_start3A_155 : memref<128xi32, #tpu.memory_space<vmem>>) semaphore(%arg14 : memref<!tpu.dma_semaphore, #tpu.memory_space<semaphore_mem>>) {add = true}
      }
      %scan3A_33 = arith.constant 4 : i32
      %dma_wait3A = arith.constant 1 : i32
      %dma_wait3A_34 = arith.constant 0 : i32
      %dma_wait3A_35 = arith.constant 0 : i32
      %dma_wait3A_36 = tpu.memref_slice %arg7[%dma_wait3A, %dma_wait3A_34, %dma_wait3A_35] : memref<2x8x128xi32, #tpu.memory_space<vmem>> -> memref<1x1x128xi32, #tpu.memory_space<vmem>>
      %dma_wait3A_37 = tpu.memref_squeeze %dma_wait3A_36 : memref<1x1x128xi32, #tpu.memory_space<vmem>> -> memref<128xi32, #tpu.memory_space<vmem>>
      %dma_wait3A_38 = arith.constant 0 : i32
      %dma_wait3A_39 = arith.constant 0 : i32
      %dma_wait3A_40 = tpu.memref_slice %arg6[%dma_wait3A_38, %dma_wait3A_39] : memref<10112x128xf32, #tpu.memory_space<vmem_shared>> -> memref<10112x128xf32, #tpu.memory_space<vmem_shared>>
      tpu.wait_indirect_dma semaphore(%arg13 : memref<!tpu.dma_semaphore, #tpu.memory_space<semaphore_mem>>) src(%arg9 : memref<128x128xf32, #tpu.memory_space<vmem>>) dst(%dma_wait3A_40 : memref<10112x128xf32, #tpu.memory_space<vmem_shared>>)
      %dma_wait3A_41 = arith.constant 1 : i32
      %dma_wait3A_42 = arith.constant 0 : i32
      %dma_wait3A_43 = arith.constant 0 : i32
      %dma_wait3A_44 = tpu.memref_slice %arg7[%dma_wait3A_41, %dma_wait3A_42, %dma_wait3A_43] : memref<2x8x128xi32, #tpu.memory_space<vmem>> -> memref<1x1x128xi32, #tpu.memory_space<vmem>>
      %dma_wait3A_45 = tpu.memref_squeeze %dma_wait3A_44 : memref<1x1x128xi32, #tpu.memory_space<vmem>> -> memref<128xi32, #tpu.memory_space<vmem>>
      %dma_wait3A_46 = arith.constant 0 : i32
      %dma_wait3A_47 = arith.constant 0 : i32
      %dma_wait3A_48 = tpu.memref_slice %arg6[%dma_wait3A_46, %dma_wait3A_47] : memref<10112x128xf32, #tpu.memory_space<vmem_shared>> -> memref<10112x128xf32, #tpu.memory_space<vmem_shared>>
      tpu.wait_indirect_dma semaphore(%arg14 : memref<!tpu.dma_semaphore, #tpu.memory_space<semaphore_mem>>) src(%arg10 : memref<128x128xf32, #tpu.memory_space<vmem>>) dst(%dma_wait3A_48 : memref<10112x128xf32, #tpu.memory_space<vmem_shared>>)
      %add3A_49 = arith.constant 2 : i32
      %add3A_50 = arith.addi %add3A_26, %add3A_49 : i32
      %lt3A = arith.constant 10 : i32
      %lt3A_51 = arith.cmpi slt, %add3A_50, %lt3A : i32
      %convert_element_type3A_52 = arith.extui %lt3A_51 : i1 to i32
      %cond3A_53 = arith.constant 0 : i32
      %cond3A_54 = arith.cmpi ne, %convert_element_type3A_52, %cond3A_53 : i32
      scf.if %cond3A_54 {
        %add3A_94 = arith.constant 2 : i32
        %add3A_95 = arith.addi %add3A_26, %add3A_94 : i32
        %dma_start3A_96 = arith.constant 0 : i32
        %dma_start3A_97 = arith.constant 0 : i32
        %dma_start3A_98 = arith.constant 0 : i32
        %dma_start3A_99 = tpu.memref_slice %arg3[%add3A, %add3A_95, %dma_start3A_96, %dma_start3A_97, %dma_start3A_98] : memref<32x10x2x8x128xi32, #tpu.memory_space<hbm>> -> memref<1x1x2x8x128xi32, #tpu.memory_space<hbm>>
        %dma_start3A_100 = tpu.memref_squeeze %dma_start3A_99 : memref<1x1x2x8x128xi32, #tpu.memory_space<hbm>> -> memref<2x8x128xi32, #tpu.memory_space<hbm>>
        %dma_start3A_101 = arith.constant 0 : i32
        %dma_start3A_102 = arith.constant 0 : i32
        %dma_start3A_103 = arith.constant 0 : i32
        %dma_start3A_104 = tpu.memref_slice %arg3[%add3A, %add3A_95, %dma_start3A_101, %dma_start3A_102, %dma_start3A_103] : memref<32x10x2x8x128xi32, #tpu.memory_space<hbm>> -> memref<1x1x2x8x128xi32, #tpu.memory_space<hbm>>
        %dma_start3A_105 = tpu.memref_squeeze %dma_start3A_104 : memref<1x1x2x8x128xi32, #tpu.memory_space<hbm>> -> memref<2x8x128xi32, #tpu.memory_space<hbm>>
        tpu.enqueue_dma source(%dma_start3A_105 : memref<2x8x128xi32, #tpu.memory_space<hbm>>) target(%arg7 : memref<2x8x128xi32, #tpu.memory_space<vmem>>) target_semaphore(%arg15 : memref<!tpu.dma_semaphore, #tpu.memory_space<semaphore_mem>>)
      } else {
      }
      %dma_wait3A_55 = arith.constant 0 : i32
      %dma_wait3A_56 = arith.constant 0 : i32
      %dma_wait3A_57 = arith.constant 0 : i32
      %dma_wait3A_58 = arith.constant 0 : i32
      %dma_wait3A_59 = tpu.memref_slice %arg3[%add3A, %dma_wait3A_55, %dma_wait3A_56, %dma_wait3A_57, %dma_wait3A_58] : memref<32x10x2x8x128xi32, #tpu.memory_space<hbm>> -> memref<1x1x2x8x128xi32, #tpu.memory_space<hbm>>
      %dma_wait3A_60 = tpu.memref_squeeze %dma_wait3A_59 : memref<1x1x2x8x128xi32, #tpu.memory_space<hbm>> -> memref<2x8x128xi32, #tpu.memory_space<hbm>>
      %dma_wait3A_61 = arith.constant 0 : i32
      %dma_wait3A_62 = arith.constant 0 : i32
      %dma_wait3A_63 = arith.constant 0 : i32
      %dma_wait3A_64 = tpu.memref_slice %arg3[%add3A, %dma_wait3A_55, %dma_wait3A_61, %dma_wait3A_62, %dma_wait3A_63] : memref<32x10x2x8x128xi32, #tpu.memory_space<hbm>> -> memref<1x1x2x8x128xi32, #tpu.memory_space<hbm>>
      %dma_wait3A_65 = tpu.memref_squeeze %dma_wait3A_64 : memref<1x1x2x8x128xi32, #tpu.memory_space<hbm>> -> memref<2x8x128xi32, #tpu.memory_space<hbm>>
      tpu.wait_dma2 semaphore(%arg16 : memref<!tpu.dma_semaphore, #tpu.memory_space<semaphore_mem>>) src(%dma_wait3A_65 : memref<2x8x128xi32, #tpu.memory_space<hbm>>) dst(%arg8 : memref<2x8x128xi32, #tpu.memory_space<vmem>>)
      %scan3A_66 = arith.constant 0 : i32
      %scan3A_67 = arith.constant 4 : i32
      %scan3A_68 = arith.addi %scan3A_66, %scan3A_67 : i32
      %scan3A_69 = arith.constant 1 : i32
      scf.for %scan3A_94 = %scan3A_66 to %scan3A_68 step %scan3A_69  : i32 {
        %mul3A_95 = arith.constant 2 : i32
        %mul3A_96 = arith.muli %scan3A_94, %mul3A_95 : i32
        %add3A_97 = arith.constant 0 : i32
        %add3A_98 = arith.addi %add3A_97, %mul3A_96 : i32
        %gt3A_99 = arith.constant 0 : i32
        %gt3A_100 = arith.cmpi sgt, %add3A_98, %gt3A_99 : i32
        %convert_element_type3A_101 = arith.extui %gt3A_100 : i1 to i32
        %cond3A_102 = arith.constant 0 : i32
        %cond3A_103 = arith.cmpi ne, %convert_element_type3A_101, %cond3A_102 : i32
        scf.if %cond3A_103 {
          %dma_wait3A_159 = arith.constant 1 : i32
          %dma_wait3A_160 = arith.constant 0 : i32
          %dma_wait3A_161 = arith.constant 0 : i32
          %dma_wait3A_162 = tpu.memref_slice %arg8[%dma_wait3A_159, %dma_wait3A_160, %dma_wait3A_161] : memref<2x8x128xi32, #tpu.memory_space<vmem>> -> memref<1x1x128xi32, #tpu.memory_space<vmem>>
          %dma_wait3A_163 = tpu.memref_squeeze %dma_wait3A_162 : memref<1x1x128xi32, #tpu.memory_space<vmem>> -> memref<128xi32, #tpu.memory_space<vmem>>
          %dma_wait3A_164 = arith.constant 0 : i32
          %dma_wait3A_165 = arith.constant 0 : i32
          %dma_wait3A_166 = tpu.memref_slice %arg6[%dma_wait3A_164, %dma_wait3A_165] : memref<10112x128xf32, #tpu.memory_space<vmem_shared>> -> memref<10112x128xf32, #tpu.memory_space<vmem_shared>>
          tpu.wait_indirect_dma semaphore(%arg13 : memref<!tpu.dma_semaphore, #tpu.memory_space<semaphore_mem>>) src(%arg9 : memref<128x128xf32, #tpu.memory_space<vmem>>) dst(%dma_wait3A_166 : memref<10112x128xf32, #tpu.memory_space<vmem_shared>>)
        } else {
        }
        %add3A_104 = arith.constant 0 : i32
        %add3A_105 = arith.addi %add3A_98, %add3A_104 : i32
        %dma_start3A_106 = arith.constant 0 : i32
        %dma_start3A_107 = arith.constant 0 : i32
        %dma_start3A_108 = tpu.memref_slice %arg8[%dma_start3A_106, %add3A_105, %dma_start3A_107] : memref<2x8x128xi32, #tpu.memory_space<vmem>> -> memref<1x1x128xi32, #tpu.memory_space<vmem>>
        %dma_start3A_109 = tpu.memref_squeeze %dma_start3A_108 : memref<1x1x128xi32, #tpu.memory_space<vmem>> -> memref<128xi32, #tpu.memory_space<vmem>>
        %dma_start3A_110 = arith.constant 0 : i32
        %dma_start3A_111 = arith.constant 0 : i32
        %dma_start3A_112 = tpu.memref_slice %arg2[%dma_start3A_110, %dma_start3A_111] : memref<10240x128xf32, #tpu.memory_space<hbm>> -> memref<10240x128xf32, #tpu.memory_space<hbm>>
        tpu.enqueue_indirect_dma source(%dma_start3A_112 : memref<10240x128xf32, #tpu.memory_space<hbm>>) target(%arg9 : memref<128x128xf32, #tpu.memory_space<vmem>>) offsets(%dma_start3A_109 : memref<128xi32, #tpu.memory_space<vmem>>) semaphore(%arg11 : memref<!tpu.dma_semaphore, #tpu.memory_space<semaphore_mem>>)
        %gt3A_113 = arith.constant 0 : i32
        %gt3A_114 = arith.cmpi sgt, %add3A_98, %gt3A_113 : i32
        %convert_element_type3A_115 = arith.extui %gt3A_114 : i1 to i32
        %cond3A_116 = arith.constant 0 : i32
        %cond3A_117 = arith.cmpi ne, %convert_element_type3A_115, %cond3A_116 : i32
        scf.if %cond3A_117 {
          %dma_wait3A_159 = arith.constant 1 : i32
          %dma_wait3A_160 = arith.constant 0 : i32
          %dma_wait3A_161 = arith.constant 0 : i32
          %dma_wait3A_162 = tpu.memref_slice %arg8[%dma_wait3A_159, %dma_wait3A_160, %dma_wait3A_161] : memref<2x8x128xi32, #tpu.memory_space<vmem>> -> memref<1x1x128xi32, #tpu.memory_space<vmem>>
          %dma_wait3A_163 = tpu.memref_squeeze %dma_wait3A_162 : memref<1x1x128xi32, #tpu.memory_space<vmem>> -> memref<128xi32, #tpu.memory_space<vmem>>
          %dma_wait3A_164 = arith.constant 0 : i32
          %dma_wait3A_165 = arith.constant 0 : i32
          %dma_wait3A_166 = tpu.memref_slice %arg6[%dma_wait3A_164, %dma_wait3A_165] : memref<10112x128xf32, #tpu.memory_space<vmem_shared>> -> memref<10112x128xf32, #tpu.memory_space<vmem_shared>>
          tpu.wait_indirect_dma semaphore(%arg14 : memref<!tpu.dma_semaphore, #tpu.memory_space<semaphore_mem>>) src(%arg10 : memref<128x128xf32, #tpu.memory_space<vmem>>) dst(%dma_wait3A_166 : memref<10112x128xf32, #tpu.memory_space<vmem_shared>>)
        } else {
        }
        %add3A_118 = arith.constant 1 : i32
        %add3A_119 = arith.addi %add3A_98, %add3A_118 : i32
        %dma_start3A_120 = arith.constant 0 : i32
        %dma_start3A_121 = arith.constant 0 : i32
        %dma_start3A_122 = tpu.memref_slice %arg8[%dma_start3A_120, %add3A_119, %dma_start3A_121] : memref<2x8x128xi32, #tpu.memory_space<vmem>> -> memref<1x1x128xi32, #tpu.memory_space<vmem>>
        %dma_start3A_123 = tpu.memref_squeeze %dma_start3A_122 : memref<1x1x128xi32, #tpu.memory_space<vmem>> -> memref<128xi32, #tpu.memory_space<vmem>>
        %dma_start3A_124 = arith.constant 0 : i32
        %dma_start3A_125 = arith.constant 0 : i32
        %dma_start3A_126 = tpu.memref_slice %arg2[%dma_start3A_124, %dma_start3A_125] : memref<10240x128xf32, #tpu.memory_space<hbm>> -> memref<10240x128xf32, #tpu.memory_space<hbm>>
        tpu.enqueue_indirect_dma source(%dma_start3A_126 : memref<10240x128xf32, #tpu.memory_space<hbm>>) target(%arg10 : memref<128x128xf32, #tpu.memory_space<vmem>>) offsets(%dma_start3A_123 : memref<128xi32, #tpu.memory_space<vmem>>) semaphore(%arg12 : memref<!tpu.dma_semaphore, #tpu.memory_space<semaphore_mem>>)
        %dma_wait3A_127 = arith.constant 0 : i32
        %dma_wait3A_128 = arith.constant 0 : i32
        %dma_wait3A_129 = tpu.memref_slice %arg8[%dma_wait3A_127, %add3A_105, %dma_wait3A_128] : memref<2x8x128xi32, #tpu.memory_space<vmem>> -> memref<1x1x128xi32, #tpu.memory_space<vmem>>
        %dma_wait3A_130 = tpu.memref_squeeze %dma_wait3A_129 : memref<1x1x128xi32, #tpu.memory_space<vmem>> -> memref<128xi32, #tpu.memory_space<vmem>>
        %dma_wait3A_131 = arith.constant 0 : i32
        %dma_wait3A_132 = arith.constant 0 : i32
        %dma_wait3A_133 = tpu.memref_slice %arg2[%dma_wait3A_131, %dma_wait3A_132] : memref<10240x128xf32, #tpu.memory_space<hbm>> -> memref<10240x128xf32, #tpu.memory_space<hbm>>
        tpu.wait_indirect_dma semaphore(%arg11 : memref<!tpu.dma_semaphore, #tpu.memory_space<semaphore_mem>>) src(%dma_wait3A_133 : memref<10240x128xf32, #tpu.memory_space<hbm>>) dst(%arg9 : memref<128x128xf32, #tpu.memory_space<vmem>>)
        %add3A_134 = arith.constant 0 : i32
        %add3A_135 = arith.addi %add3A_98, %add3A_134 : i32
        %dma_start3A_136 = arith.constant 1 : i32
        %dma_start3A_137 = arith.constant 0 : i32
        %dma_start3A_138 = tpu.memref_slice %arg8[%dma_start3A_136, %add3A_135, %dma_start3A_137] : memref<2x8x128xi32, #tpu.memory_space<vmem>> -> memref<1x1x128xi32, #tpu.memory_space<vmem>>
        %dma_start3A_139 = tpu.memref_squeeze %dma_start3A_138 : memref<1x1x128xi32, #tpu.memory_space<vmem>> -> memref<128xi32, #tpu.memory_space<vmem>>
        %dma_start3A_140 = arith.constant 0 : i32
        %dma_start3A_141 = arith.constant 0 : i32
        %dma_start3A_142 = tpu.memref_slice %arg6[%dma_start3A_140, %dma_start3A_141] : memref<10112x128xf32, #tpu.memory_space<vmem_shared>> -> memref<10112x128xf32, #tpu.memory_space<vmem_shared>>
        tpu.enqueue_indirect_dma source(%arg9 : memref<128x128xf32, #tpu.memory_space<vmem>>) target(%dma_start3A_142 : memref<10112x128xf32, #tpu.memory_space<vmem_shared>>) offsets(%dma_start3A_139 : memref<128xi32, #tpu.memory_space<vmem>>) semaphore(%arg13 : memref<!tpu.dma_semaphore, #tpu.memory_space<semaphore_mem>>) {add = true}
        %dma_wait3A_143 = arith.constant 0 : i32
        %dma_wait3A_144 = arith.constant 0 : i32
        %dma_wait3A_145 = tpu.memref_slice %arg8[%dma_wait3A_143, %add3A_119, %dma_wait3A_144] : memref<2x8x128xi32, #tpu.memory_space<vmem>> -> memref<1x1x128xi32, #tpu.memory_space<vmem>>
        %dma_wait3A_146 = tpu.memref_squeeze %dma_wait3A_145 : memref<1x1x128xi32, #tpu.memory_space<vmem>> -> memref<128xi32, #tpu.memory_space<vmem>>
        %dma_wait3A_147 = arith.constant 0 : i32
        %dma_wait3A_148 = arith.constant 0 : i32
        %dma_wait3A_149 = tpu.memref_slice %arg2[%dma_wait3A_147, %dma_wait3A_148] : memref<10240x128xf32, #tpu.memory_space<hbm>> -> memref<10240x128xf32, #tpu.memory_space<hbm>>
        tpu.wait_indirect_dma semaphore(%arg12 : memref<!tpu.dma_semaphore, #tpu.memory_space<semaphore_mem>>) src(%dma_wait3A_149 : memref<10240x128xf32, #tpu.memory_space<hbm>>) dst(%arg10 : memref<128x128xf32, #tpu.memory_space<vmem>>)
        %add3A_150 = arith.constant 1 : i32
        %add3A_151 = arith.addi %add3A_98, %add3A_150 : i32
        %dma_start3A_152 = arith.constant 1 : i32
        %dma_start3A_153 = arith.constant 0 : i32
        %dma_start3A_154 = tpu.memref_slice %arg8[%dma_start3A_152, %add3A_151, %dma_start3A_153] : memref<2x8x128xi32, #tpu.memory_space<vmem>> -> memref<1x1x128xi32, #tpu.memory_space<vmem>>
        %dma_start3A_155 = tpu.memref_squeeze %dma_start3A_154 : memref<1x1x128xi32, #tpu.memory_space<vmem>> -> memref<128xi32, #tpu.memory_space<vmem>>
        %dma_start3A_156 = arith.constant 0 : i32
        %dma_start3A_157 = arith.constant 0 : i32
        %dma_start3A_158 = tpu.memref_slice %arg6[%dma_start3A_156, %dma_start3A_157] : memref<10112x128xf32, #tpu.memory_space<vmem_shared>> -> memref<10112x128xf32, #tpu.memory_space<vmem_shared>>
        tpu.enqueue_indirect_dma source(%arg10 : memref<128x128xf32, #tpu.memory_space<vmem>>) target(%dma_start3A_158 : memref<10112x128xf32, #tpu.memory_space<vmem_shared>>) offsets(%dma_start3A_155 : memref<128xi32, #tpu.memory_space<vmem>>) semaphore(%arg14 : memref<!tpu.dma_semaphore, #tpu.memory_space<semaphore_mem>>) {add = true}
      }
      %scan3A_70 = arith.constant 4 : i32
      %dma_wait3A_71 = arith.constant 1 : i32
      %dma_wait3A_72 = arith.constant 0 : i32
      %dma_wait3A_73 = arith.constant 0 : i32
      %dma_wait3A_74 = tpu.memref_slice %arg8[%dma_wait3A_71, %dma_wait3A_72, %dma_wait3A_73] : memref<2x8x128xi32, #tpu.memory_space<vmem>> -> memref<1x1x128xi32, #tpu.memory_space<vmem>>
      %dma_wait3A_75 = tpu.memref_squeeze %dma_wait3A_74 : memref<1x1x128xi32, #tpu.memory_space<vmem>> -> memref<128xi32, #tpu.memory_space<vmem>>
      %dma_wait3A_76 = arith.constant 0 : i32
      %dma_wait3A_77 = arith.constant 0 : i32
      %dma_wait3A_78 = tpu.memref_slice %arg6[%dma_wait3A_76, %dma_wait3A_77] : memref<10112x128xf32, #tpu.memory_space<vmem_shared>> -> memref<10112x128xf32, #tpu.memory_space<vmem_shared>>
      tpu.wait_indirect_dma semaphore(%arg13 : memref<!tpu.dma_semaphore, #tpu.memory_space<semaphore_mem>>) src(%arg9 : memref<128x128xf32, #tpu.memory_space<vmem>>) dst(%dma_wait3A_78 : memref<10112x128xf32, #tpu.memory_space<vmem_shared>>)
      %dma_wait3A_79 = arith.constant 1 : i32
      %dma_wait3A_80 = arith.constant 0 : i32
      %dma_wait3A_81 = arith.constant 0 : i32
      %dma_wait3A_82 = tpu.memref_slice %arg8[%dma_wait3A_79, %dma_wait3A_80, %dma_wait3A_81] : memref<2x8x128xi32, #tpu.memory_space<vmem>> -> memref<1x1x128xi32, #tpu.memory_space<vmem>>
      %dma_wait3A_83 = tpu.memref_squeeze %dma_wait3A_82 : memref<1x1x128xi32, #tpu.memory_space<vmem>> -> memref<128xi32, #tpu.memory_space<vmem>>
      %dma_wait3A_84 = arith.constant 0 : i32
      %dma_wait3A_85 = arith.constant 0 : i32
      %dma_wait3A_86 = tpu.memref_slice %arg6[%dma_wait3A_84, %dma_wait3A_85] : memref<10112x128xf32, #tpu.memory_space<vmem_shared>> -> memref<10112x128xf32, #tpu.memory_space<vmem_shared>>
      tpu.wait_indirect_dma semaphore(%arg14 : memref<!tpu.dma_semaphore, #tpu.memory_space<semaphore_mem>>) src(%arg10 : memref<128x128xf32, #tpu.memory_space<vmem>>) dst(%dma_wait3A_86 : memref<10112x128xf32, #tpu.memory_space<vmem_shared>>)
      %add3A_87 = arith.constant 3 : i32
      %add3A_88 = arith.addi %add3A_26, %add3A_87 : i32
      %lt3A_89 = arith.constant 10 : i32
      %lt3A_90 = arith.cmpi slt, %add3A_88, %lt3A_89 : i32
      %convert_element_type3A_91 = arith.extui %lt3A_90 : i1 to i32
      %cond3A_92 = arith.constant 0 : i32
      %cond3A_93 = arith.cmpi ne, %convert_element_type3A_91, %cond3A_92 : i32
      scf.if %cond3A_93 {
        %add3A_94 = arith.constant 3 : i32
        %add3A_95 = arith.addi %add3A_26, %add3A_94 : i32
        %dma_start3A_96 = arith.constant 0 : i32
        %dma_start3A_97 = arith.constant 0 : i32
        %dma_start3A_98 = arith.constant 0 : i32
        %dma_start3A_99 = tpu.memref_slice %arg3[%add3A, %add3A_95, %dma_start3A_96, %dma_start3A_97, %dma_start3A_98] : memref<32x10x2x8x128xi32, #tpu.memory_space<hbm>> -> memref<1x1x2x8x128xi32, #tpu.memory_space<hbm>>
        %dma_start3A_100 = tpu.memref_squeeze %dma_start3A_99 : memref<1x1x2x8x128xi32, #tpu.memory_space<hbm>> -> memref<2x8x128xi32, #tpu.memory_space<hbm>>
        %dma_start3A_101 = arith.constant 0 : i32
        %dma_start3A_102 = arith.constant 0 : i32
        %dma_start3A_103 = arith.constant 0 : i32
        %dma_start3A_104 = tpu.memref_slice %arg3[%add3A, %add3A_95, %dma_start3A_101, %dma_start3A_102, %dma_start3A_103] : memref<32x10x2x8x128xi32, #tpu.memory_space<hbm>> -> memref<1x1x2x8x128xi32, #tpu.memory_space<hbm>>
        %dma_start3A_105 = tpu.memref_squeeze %dma_start3A_104 : memref<1x1x2x8x128xi32, #tpu.memory_space<hbm>> -> memref<2x8x128xi32, #tpu.memory_space<hbm>>
        tpu.enqueue_dma source(%dma_start3A_105 : memref<2x8x128xi32, #tpu.memory_space<hbm>>) target(%arg8 : memref<2x8x128xi32, #tpu.memory_space<vmem>>) target_semaphore(%arg16 : memref<!tpu.dma_semaphore, #tpu.memory_space<semaphore_mem>>)
      } else {
      }
    }
    %scan3A_16 = arith.constant 5 : i32
    %barrier3A_17 = arith.constant 0 : index
    tpu.barrier barrier_id(%barrier3A_17)
    %mul3A_18 = arith.constant 632 : i32
    %mul3A_19 = arith.muli %arg1, %mul3A_18 : i32
    %mul3A_20 = arith.constant 632 : i32
    %mul3A_21 = arith.muli %arg1, %mul3A_20 : i32
    "tpu.region"() ({
      %run_scoped3A_22 = tpu.sem_alloc : memref<!tpu.dma_semaphore, #tpu.memory_space<semaphore_mem>>
      %dma_start3A_23 = arith.constant 0 : i32
      %dma_start3A_24 = tpu.memref_slice %arg5[%arg0, %mul3A_21, %dma_start3A_23] : memref<2x10240x128xf32, #tpu.memory_space<hbm>> -> memref<1x632x128xf32, #tpu.memory_space<hbm>>
      %dma_start3A_25 = tpu.memref_squeeze %dma_start3A_24 : memref<1x632x128xf32, #tpu.memory_space<hbm>> -> memref<632x128xf32, #tpu.memory_space<hbm>>
      %dma_start3A_26 = arith.constant 0 : i32
      %dma_start3A_27 = tpu.memref_slice %arg6[%mul3A_19, %dma_start3A_26] : memref<10112x128xf32, #tpu.memory_space<vmem_shared>> -> memref<632x128xf32, #tpu.memory_space<vmem_shared>>
      tpu.enqueue_dma source(%dma_start3A_27 : memref<632x128xf32, #tpu.memory_space<vmem_shared>>) target(%dma_start3A_25 : memref<632x128xf32, #tpu.memory_space<hbm>>) target_semaphore(%run_scoped3A_22 : memref<!tpu.dma_semaphore, #tpu.memory_space<semaphore_mem>>)
      %dma_wait3A = arith.constant 0 : i32
      %dma_wait3A_28 = tpu.memref_slice %arg5[%arg0, %mul3A_21, %dma_wait3A] : memref<2x10240x128xf32, #tpu.memory_space<hbm>> -> memref<1x632x128xf32, #tpu.memory_space<hbm>>
      %dma_wait3A_29 = tpu.memref_squeeze %dma_wait3A_28 : memref<1x632x128xf32, #tpu.memory_space<hbm>> -> memref<632x128xf32, #tpu.memory_space<hbm>>
      %dma_wait3A_30 = arith.constant 0 : i32
      %dma_wait3A_31 = tpu.memref_slice %arg6[%mul3A_19, %dma_wait3A_30] : memref<10112x128xf32, #tpu.memory_space<vmem_shared>> -> memref<632x128xf32, #tpu.memory_space<vmem_shared>>
      tpu.wait_dma2 semaphore(%run_scoped3A_22 : memref<!tpu.dma_semaphore, #tpu.memory_space<semaphore_mem>>) src(%dma_wait3A_31 : memref<632x128xf32, #tpu.memory_space<vmem_shared>>) dst(%dma_wait3A_29 : memref<632x128xf32, #tpu.memory_space<hbm>>)
      tpu.yield
    }) : () -> ()
    return
  }
}

#map = affine_map<(d0, d1) -> (0, 0)>
#map1 = affine_map<(d0, d1) -> (0, 0, 0, 0, 0)>
#map2 = affine_map<(d0, d1) -> (0, 0, 0)>
module attributes {stable_mosaic.version = 14 : i64} {
  func.func @_agg_body(%arg0: i32, %arg1: i32, %arg2: memref<10240x128xf32, #tpu.memory_space<hbm>>, %arg3: memref<32x10x2x8x128xi32, #tpu.memory_space<hbm>>, %arg4: memref<632x128xf32, #tpu.memory_space<hbm>>, %arg5: memref<2x10240x128xf32, #tpu.memory_space<hbm>>, %arg6: memref<10112x128xf32, #tpu.memory_space<vmem_shared>>, %arg7: memref<2x8x128xi32, #tpu.memory_space<vmem>>, %arg8: memref<2x8x128xi32, #tpu.memory_space<vmem>>, %arg9: memref<128x128xf32, #tpu.memory_space<vmem>>, %arg10: memref<128x128xf32, #tpu.memory_space<vmem>>, %arg11: memref<!tpu.dma_semaphore, #tpu.memory_space<semaphore_mem>>, %arg12: memref<!tpu.dma_semaphore, #tpu.memory_space<semaphore_mem>>, %arg13: memref<!tpu.dma_semaphore, #tpu.memory_space<semaphore_mem>>, %arg14: memref<!tpu.dma_semaphore, #tpu.memory_space<semaphore_mem>>, %arg15: memref<!tpu.dma_semaphore, #tpu.memory_space<semaphore_mem>>, %arg16: memref<!tpu.dma_semaphore, #tpu.memory_space<semaphore_mem>>) attributes {dimension_semantics = [#tpu.dimension_semantics<core_parallel>, #tpu.dimension_semantics<subcore_parallel>], iteration_bounds = array<i64: 2, 16>, scalar_prefetch = 0 : i64, scratch_operands = 11 : i64, tpu.core_type = #tpu.core_type<sc_vector_subcore>, window_params = [{transform_indices = #map}, {transform_indices = #map1}, {transform_indices = #map}, {transform_indices = #map2}]} {
    %mul3A = arith.constant 16 : i32
    %mul3A_0 = arith.muli %arg0, %mul3A : i32
    %add3A = arith.addi %mul3A_0, %arg1 : i32
    %mul3A_1 = arith.constant 632 : i32
    %mul3A_2 = arith.muli %arg1, %mul3A_1 : i32
    "tpu.region"() ({
      %run_scoped3A_22 = tpu.sem_alloc : memref<!tpu.dma_semaphore, #tpu.memory_space<semaphore_mem>>
      %dma_start3A_23 = arith.constant 0 : i32
      %dma_start3A_24 = tpu.memref_slice %arg6[%mul3A_2, %dma_start3A_23] : memref<10112x128xf32, #tpu.memory_space<vmem_shared>> -> memref<632x128xf32, #tpu.memory_space<vmem_shared>>
      tpu.enqueue_dma source(%arg4 : memref<632x128xf32, #tpu.memory_space<hbm>>) target(%dma_start3A_24 : memref<632x128xf32, #tpu.memory_space<vmem_shared>>) target_semaphore(%run_scoped3A_22 : memref<!tpu.dma_semaphore, #tpu.memory_space<semaphore_mem>>)
      %dma_wait3A = arith.constant 0 : i32
      %dma_wait3A_25 = tpu.memref_slice %arg6[%mul3A_2, %dma_wait3A] : memref<10112x128xf32, #tpu.memory_space<vmem_shared>> -> memref<632x128xf32, #tpu.memory_space<vmem_shared>>
      tpu.wait_dma2 semaphore(%run_scoped3A_22 : memref<!tpu.dma_semaphore, #tpu.memory_space<semaphore_mem>>) src(%arg4 : memref<632x128xf32, #tpu.memory_space<hbm>>) dst(%dma_wait3A_25 : memref<632x128xf32, #tpu.memory_space<vmem_shared>>)
      tpu.yield
    }) : () -> ()
    %barrier3A = arith.constant 0 : index
    tpu.barrier barrier_id(%barrier3A)
    %run_scoped3A = arith.constant 0 : i32
    "tpu.region"() ({
      %run_scoped3A_22 = tpu.sem_alloc : memref<!tpu.dma_semaphore, #tpu.memory_space<semaphore_mem>>
      %dma_start3A_23 = arith.constant 0 : i32
      %dma_start3A_24 = arith.constant 0 : i32
      %dma_start3A_25 = arith.constant 0 : i32
      %dma_start3A_26 = tpu.memref_slice %arg3[%add3A, %run_scoped3A, %dma_start3A_23, %dma_start3A_24, %dma_start3A_25] : memref<32x10x2x8x128xi32, #tpu.memory_space<hbm>> -> memref<1x1x2x8x128xi32, #tpu.memory_space<hbm>>
      %dma_start3A_27 = tpu.memref_squeeze %dma_start3A_26 : memref<1x1x2x8x128xi32, #tpu.memory_space<hbm>> -> memref<2x8x128xi32, #tpu.memory_space<hbm>>
      %dma_start3A_28 = arith.constant 0 : i32
      %dma_start3A_29 = arith.constant 0 : i32
      %dma_start3A_30 = arith.constant 0 : i32
      %dma_start3A_31 = tpu.memref_slice %arg3[%add3A, %run_scoped3A, %dma_start3A_28, %dma_start3A_29, %dma_start3A_30] : memref<32x10x2x8x128xi32, #tpu.memory_space<hbm>> -> memref<1x1x2x8x128xi32, #tpu.memory_space<hbm>>
      %dma_start3A_32 = tpu.memref_squeeze %dma_start3A_31 : memref<1x1x2x8x128xi32, #tpu.memory_space<hbm>> -> memref<2x8x128xi32, #tpu.memory_space<hbm>>
      tpu.enqueue_dma source(%dma_start3A_32 : memref<2x8x128xi32, #tpu.memory_space<hbm>>) target(%arg7 : memref<2x8x128xi32, #tpu.memory_space<vmem>>) target_semaphore(%run_scoped3A_22 : memref<!tpu.dma_semaphore, #tpu.memory_space<semaphore_mem>>)
      %dma_wait3A = arith.constant 0 : i32
      %dma_wait3A_33 = arith.constant 0 : i32
      %dma_wait3A_34 = arith.constant 0 : i32
      %dma_wait3A_35 = tpu.memref_slice %arg3[%add3A, %run_scoped3A, %dma_wait3A, %dma_wait3A_33, %dma_wait3A_34] : memref<32x10x2x8x128xi32, #tpu.memory_space<hbm>> -> memref<1x1x2x8x128xi32, #tpu.memory_space<hbm>>
      %dma_wait3A_36 = tpu.memref_squeeze %dma_wait3A_35 : memref<1x1x2x8x128xi32, #tpu.memory_space<hbm>> -> memref<2x8x128xi32, #tpu.memory_space<hbm>>
      %dma_wait3A_37 = arith.constant 0 : i32
      %dma_wait3A_38 = arith.constant 0 : i32
      %dma_wait3A_39 = arith.constant 0 : i32
      %dma_wait3A_40 = tpu.memref_slice %arg3[%add3A, %run_scoped3A, %dma_wait3A_37, %dma_wait3A_38, %dma_wait3A_39] : memref<32x10x2x8x128xi32, #tpu.memory_space<hbm>> -> memref<1x1x2x8x128xi32, #tpu.memory_space<hbm>>
      %dma_wait3A_41 = tpu.memref_squeeze %dma_wait3A_40 : memref<1x1x2x8x128xi32, #tpu.memory_space<hbm>> -> memref<2x8x128xi32, #tpu.memory_space<hbm>>
      tpu.wait_dma2 semaphore(%run_scoped3A_22 : memref<!tpu.dma_semaphore, #tpu.memory_space<semaphore_mem>>) src(%dma_wait3A_41 : memref<2x8x128xi32, #tpu.memory_space<hbm>>) dst(%arg7 : memref<2x8x128xi32, #tpu.memory_space<vmem>>)
      tpu.yield
    }) : () -> ()
    %dma_start3A = arith.constant 1 : i32
    %dma_start3A_3 = arith.constant 0 : i32
    %dma_start3A_4 = arith.constant 0 : i32
    %dma_start3A_5 = arith.constant 0 : i32
    %dma_start3A_6 = tpu.memref_slice %arg3[%add3A, %dma_start3A, %dma_start3A_3, %dma_start3A_4, %dma_start3A_5] : memref<32x10x2x8x128xi32, #tpu.memory_space<hbm>> -> memref<1x1x2x8x128xi32, #tpu.memory_space<hbm>>
    %dma_start3A_7 = tpu.memref_squeeze %dma_start3A_6 : memref<1x1x2x8x128xi32, #tpu.memory_space<hbm>> -> memref<2x8x128xi32, #tpu.memory_space<hbm>>
    %dma_start3A_8 = arith.constant 0 : i32
    %dma_start3A_9 = arith.constant 0 : i32
    %dma_start3A_10 = arith.constant 0 : i32
    %dma_start3A_11 = tpu.memref_slice %arg3[%add3A, %dma_start3A, %dma_start3A_8, %dma_start3A_9, %dma_start3A_10] : memref<32x10x2x8x128xi32, #tpu.memory_space<hbm>> -> memref<1x1x2x8x128xi32, #tpu.memory_space<hbm>>
    %dma_start3A_12 = tpu.memref_squeeze %dma_start3A_11 : memref<1x1x2x8x128xi32, #tpu.memory_space<hbm>> -> memref<2x8x128xi32, #tpu.memory_space<hbm>>
    tpu.enqueue_dma source(%dma_start3A_12 : memref<2x8x128xi32, #tpu.memory_space<hbm>>) target(%arg8 : memref<2x8x128xi32, #tpu.memory_space<vmem>>) target_semaphore(%arg16 : memref<!tpu.dma_semaphore, #tpu.memory_space<semaphore_mem>>)
    %scan3A = arith.constant 0 : i32
    %scan3A_13 = arith.constant 5 : i32
    %scan3A_14 = arith.addi %scan3A, %scan3A_13 : i32
    %scan3A_15 = arith.constant 1 : i32
    scf.for %scan3A_22 = %scan3A to %scan3A_14 step %scan3A_15  : i32 {
      %mul3A_23 = arith.constant 2 : i32
      %mul3A_24 = arith.muli %scan3A_22, %mul3A_23 : i32
      %add3A_25 = arith.constant 0 : i32
      %add3A_26 = arith.addi %add3A_25, %mul3A_24 : i32
      %gt3A = arith.constant 0 : i32
      %gt3A_27 = arith.cmpi sgt, %add3A_26, %gt3A : i32
      %convert_element_type3A = arith.extui %gt3A_27 : i1 to i32
      %cond3A = arith.constant 0 : i32
      %cond3A_28 = arith.cmpi ne, %convert_element_type3A, %cond3A : i32
      scf.if %cond3A_28 {
        %dma_wait3A_94 = arith.constant 0 : i32
        %dma_wait3A_95 = arith.constant 0 : i32
        %dma_wait3A_96 = arith.constant 0 : i32
        %dma_wait3A_97 = arith.constant 0 : i32
        %dma_wait3A_98 = tpu.memref_slice %arg3[%add3A, %dma_wait3A_94, %dma_wait3A_95, %dma_wait3A_96, %dma_wait3A_97] : memref<32x10x2x8x128xi32, #tpu.memory_space<hbm>> -> memref<1x1x2x8x128xi32, #tpu.memory_space<hbm>>
        %dma_wait3A_99 = tpu.memref_squeeze %dma_wait3A_98 : memref<1x1x2x8x128xi32, #tpu.memory_space<hbm>> -> memref<2x8x128xi32, #tpu.memory_space<hbm>>
        %dma_wait3A_100 = arith.constant 0 : i32
        %dma_wait3A_101 = arith.constant 0 : i32
        %dma_wait3A_102 = arith.constant 0 : i32
        %dma_wait3A_103 = tpu.memref_slice %arg3[%add3A, %dma_wait3A_94, %dma_wait3A_100, %dma_wait3A_101, %dma_wait3A_102] : memref<32x10x2x8x128xi32, #tpu.memory_space<hbm>> -> memref<1x1x2x8x128xi32, #tpu.memory_space<hbm>>
        %dma_wait3A_104 = tpu.memref_squeeze %dma_wait3A_103 : memref<1x1x2x8x128xi32, #tpu.memory_space<hbm>> -> memref<2x8x128xi32, #tpu.memory_space<hbm>>
        tpu.wait_dma2 semaphore(%arg15 : memref<!tpu.dma_semaphore, #tpu.memory_space<semaphore_mem>>) src(%dma_wait3A_104 : memref<2x8x128xi32, #tpu.memory_space<hbm>>) dst(%arg7 : memref<2x8x128xi32, #tpu.memory_space<vmem>>)
      } else {
      }
      %scan3A_29 = arith.constant 0 : i32
      %scan3A_30 = arith.constant 4 : i32
      %scan3A_31 = arith.addi %scan3A_29, %scan3A_30 : i32
      %scan3A_32 = arith.constant 1 : i32
      scf.for %scan3A_94 = %scan3A_29 to %scan3A_31 step %scan3A_32  : i32 {
        %mul3A_95 = arith.constant 2 : i32
        %mul3A_96 = arith.muli %scan3A_94, %mul3A_95 : i32
        %add3A_97 = arith.constant 0 : i32
        %add3A_98 = arith.addi %add3A_97, %mul3A_96 : i32
        %gt3A_99 = arith.constant 0 : i32
        %gt3A_100 = arith.cmpi sgt, %add3A_98, %gt3A_99 : i32
        %convert_element_type3A_101 = arith.extui %gt3A_100 : i1 to i32
        %cond3A_102 = arith.constant 0 : i32
        %cond3A_103 = arith.cmpi ne, %convert_element_type3A_101, %cond3A_102 : i32
        scf.if %cond3A_103 {
          %dma_wait3A_159 = arith.constant 1 : i32
          %dma_wait3A_160 = arith.constant 0 : i32
          %dma_wait3A_161 = arith.constant 0 : i32
          %dma_wait3A_162 = tpu.memref_slice %arg7[%dma_wait3A_159, %dma_wait3A_160, %dma_wait3A_161] : memref<2x8x128xi32, #tpu.memory_space<vmem>> -> memref<1x1x128xi32, #tpu.memory_space<vmem>>
          %dma_wait3A_163 = tpu.memref_squeeze %dma_wait3A_162 : memref<1x1x128xi32, #tpu.memory_space<vmem>> -> memref<128xi32, #tpu.memory_space<vmem>>
          %dma_wait3A_164 = arith.constant 0 : i32
          %dma_wait3A_165 = arith.constant 0 : i32
          %dma_wait3A_166 = tpu.memref_slice %arg6[%dma_wait3A_164, %dma_wait3A_165] : memref<10112x128xf32, #tpu.memory_space<vmem_shared>> -> memref<10112x128xf32, #tpu.memory_space<vmem_shared>>
          tpu.wait_indirect_dma semaphore(%arg13 : memref<!tpu.dma_semaphore, #tpu.memory_space<semaphore_mem>>) src(%arg9 : memref<128x128xf32, #tpu.memory_space<vmem>>) dst(%dma_wait3A_166 : memref<10112x128xf32, #tpu.memory_space<vmem_shared>>)
        } else {
        }
        %add3A_104 = arith.constant 0 : i32
        %add3A_105 = arith.addi %add3A_98, %add3A_104 : i32
        %dma_start3A_106 = arith.constant 0 : i32
        %dma_start3A_107 = arith.constant 0 : i32
        %dma_start3A_108 = tpu.memref_slice %arg7[%dma_start3A_106, %add3A_105, %dma_start3A_107] : memref<2x8x128xi32, #tpu.memory_space<vmem>> -> memref<1x1x128xi32, #tpu.memory_space<vmem>>
        %dma_start3A_109 = tpu.memref_squeeze %dma_start3A_108 : memref<1x1x128xi32, #tpu.memory_space<vmem>> -> memref<128xi32, #tpu.memory_space<vmem>>
        %dma_start3A_110 = arith.constant 0 : i32
        %dma_start3A_111 = arith.constant 0 : i32
        %dma_start3A_112 = tpu.memref_slice %arg2[%dma_start3A_110, %dma_start3A_111] : memref<10240x128xf32, #tpu.memory_space<hbm>> -> memref<10240x128xf32, #tpu.memory_space<hbm>>
        tpu.enqueue_indirect_dma source(%dma_start3A_112 : memref<10240x128xf32, #tpu.memory_space<hbm>>) target(%arg9 : memref<128x128xf32, #tpu.memory_space<vmem>>) offsets(%dma_start3A_109 : memref<128xi32, #tpu.memory_space<vmem>>) semaphore(%arg11 : memref<!tpu.dma_semaphore, #tpu.memory_space<semaphore_mem>>)
        %gt3A_113 = arith.constant 0 : i32
        %gt3A_114 = arith.cmpi sgt, %add3A_98, %gt3A_113 : i32
        %convert_element_type3A_115 = arith.extui %gt3A_114 : i1 to i32
        %cond3A_116 = arith.constant 0 : i32
        %cond3A_117 = arith.cmpi ne, %convert_element_type3A_115, %cond3A_116 : i32
        scf.if %cond3A_117 {
          %dma_wait3A_159 = arith.constant 1 : i32
          %dma_wait3A_160 = arith.constant 0 : i32
          %dma_wait3A_161 = arith.constant 0 : i32
          %dma_wait3A_162 = tpu.memref_slice %arg7[%dma_wait3A_159, %dma_wait3A_160, %dma_wait3A_161] : memref<2x8x128xi32, #tpu.memory_space<vmem>> -> memref<1x1x128xi32, #tpu.memory_space<vmem>>
          %dma_wait3A_163 = tpu.memref_squeeze %dma_wait3A_162 : memref<1x1x128xi32, #tpu.memory_space<vmem>> -> memref<128xi32, #tpu.memory_space<vmem>>
          %dma_wait3A_164 = arith.constant 0 : i32
          %dma_wait3A_165 = arith.constant 0 : i32
          %dma_wait3A_166 = tpu.memref_slice %arg6[%dma_wait3A_164, %dma_wait3A_165] : memref<10112x128xf32, #tpu.memory_space<vmem_shared>> -> memref<10112x128xf32, #tpu.memory_space<vmem_shared>>
          tpu.wait_indirect_dma semaphore(%arg14 : memref<!tpu.dma_semaphore, #tpu.memory_space<semaphore_mem>>) src(%arg10 : memref<128x128xf32, #tpu.memory_space<vmem>>) dst(%dma_wait3A_166 : memref<10112x128xf32, #tpu.memory_space<vmem_shared>>)
        } else {
        }
        %add3A_118 = arith.constant 1 : i32
        %add3A_119 = arith.addi %add3A_98, %add3A_118 : i32
        %dma_start3A_120 = arith.constant 0 : i32
        %dma_start3A_121 = arith.constant 0 : i32
        %dma_start3A_122 = tpu.memref_slice %arg7[%dma_start3A_120, %add3A_119, %dma_start3A_121] : memref<2x8x128xi32, #tpu.memory_space<vmem>> -> memref<1x1x128xi32, #tpu.memory_space<vmem>>
        %dma_start3A_123 = tpu.memref_squeeze %dma_start3A_122 : memref<1x1x128xi32, #tpu.memory_space<vmem>> -> memref<128xi32, #tpu.memory_space<vmem>>
        %dma_start3A_124 = arith.constant 0 : i32
        %dma_start3A_125 = arith.constant 0 : i32
        %dma_start3A_126 = tpu.memref_slice %arg2[%dma_start3A_124, %dma_start3A_125] : memref<10240x128xf32, #tpu.memory_space<hbm>> -> memref<10240x128xf32, #tpu.memory_space<hbm>>
        tpu.enqueue_indirect_dma source(%dma_start3A_126 : memref<10240x128xf32, #tpu.memory_space<hbm>>) target(%arg10 : memref<128x128xf32, #tpu.memory_space<vmem>>) offsets(%dma_start3A_123 : memref<128xi32, #tpu.memory_space<vmem>>) semaphore(%arg12 : memref<!tpu.dma_semaphore, #tpu.memory_space<semaphore_mem>>)
        %dma_wait3A_127 = arith.constant 0 : i32
        %dma_wait3A_128 = arith.constant 0 : i32
        %dma_wait3A_129 = tpu.memref_slice %arg7[%dma_wait3A_127, %add3A_105, %dma_wait3A_128] : memref<2x8x128xi32, #tpu.memory_space<vmem>> -> memref<1x1x128xi32, #tpu.memory_space<vmem>>
        %dma_wait3A_130 = tpu.memref_squeeze %dma_wait3A_129 : memref<1x1x128xi32, #tpu.memory_space<vmem>> -> memref<128xi32, #tpu.memory_space<vmem>>
        %dma_wait3A_131 = arith.constant 0 : i32
        %dma_wait3A_132 = arith.constant 0 : i32
        %dma_wait3A_133 = tpu.memref_slice %arg2[%dma_wait3A_131, %dma_wait3A_132] : memref<10240x128xf32, #tpu.memory_space<hbm>> -> memref<10240x128xf32, #tpu.memory_space<hbm>>
        tpu.wait_indirect_dma semaphore(%arg11 : memref<!tpu.dma_semaphore, #tpu.memory_space<semaphore_mem>>) src(%dma_wait3A_133 : memref<10240x128xf32, #tpu.memory_space<hbm>>) dst(%arg9 : memref<128x128xf32, #tpu.memory_space<vmem>>)
        %add3A_134 = arith.constant 0 : i32
        %add3A_135 = arith.addi %add3A_98, %add3A_134 : i32
        %dma_start3A_136 = arith.constant 1 : i32
        %dma_start3A_137 = arith.constant 0 : i32
        %dma_start3A_138 = tpu.memref_slice %arg7[%dma_start3A_136, %add3A_135, %dma_start3A_137] : memref<2x8x128xi32, #tpu.memory_space<vmem>> -> memref<1x1x128xi32, #tpu.memory_space<vmem>>
        %dma_start3A_139 = tpu.memref_squeeze %dma_start3A_138 : memref<1x1x128xi32, #tpu.memory_space<vmem>> -> memref<128xi32, #tpu.memory_space<vmem>>
        %dma_start3A_140 = arith.constant 0 : i32
        %dma_start3A_141 = arith.constant 0 : i32
        %dma_start3A_142 = tpu.memref_slice %arg6[%dma_start3A_140, %dma_start3A_141] : memref<10112x128xf32, #tpu.memory_space<vmem_shared>> -> memref<10112x128xf32, #tpu.memory_space<vmem_shared>>
        tpu.enqueue_indirect_dma source(%arg9 : memref<128x128xf32, #tpu.memory_space<vmem>>) target(%dma_start3A_142 : memref<10112x128xf32, #tpu.memory_space<vmem_shared>>) offsets(%dma_start3A_139 : memref<128xi32, #tpu.memory_space<vmem>>) semaphore(%arg13 : memref<!tpu.dma_semaphore, #tpu.memory_space<semaphore_mem>>) {add = true}
        %dma_wait3A_143 = arith.constant 0 : i32
        %dma_wait3A_144 = arith.constant 0 : i32
        %dma_wait3A_145 = tpu.memref_slice %arg7[%dma_wait3A_143, %add3A_119, %dma_wait3A_144] : memref<2x8x128xi32, #tpu.memory_space<vmem>> -> memref<1x1x128xi32, #tpu.memory_space<vmem>>
        %dma_wait3A_146 = tpu.memref_squeeze %dma_wait3A_145 : memref<1x1x128xi32, #tpu.memory_space<vmem>> -> memref<128xi32, #tpu.memory_space<vmem>>
        %dma_wait3A_147 = arith.constant 0 : i32
        %dma_wait3A_148 = arith.constant 0 : i32
        %dma_wait3A_149 = tpu.memref_slice %arg2[%dma_wait3A_147, %dma_wait3A_148] : memref<10240x128xf32, #tpu.memory_space<hbm>> -> memref<10240x128xf32, #tpu.memory_space<hbm>>
        tpu.wait_indirect_dma semaphore(%arg12 : memref<!tpu.dma_semaphore, #tpu.memory_space<semaphore_mem>>) src(%dma_wait3A_149 : memref<10240x128xf32, #tpu.memory_space<hbm>>) dst(%arg10 : memref<128x128xf32, #tpu.memory_space<vmem>>)
        %add3A_150 = arith.constant 1 : i32
        %add3A_151 = arith.addi %add3A_98, %add3A_150 : i32
        %dma_start3A_152 = arith.constant 1 : i32
        %dma_start3A_153 = arith.constant 0 : i32
        %dma_start3A_154 = tpu.memref_slice %arg7[%dma_start3A_152, %add3A_151, %dma_start3A_153] : memref<2x8x128xi32, #tpu.memory_space<vmem>> -> memref<1x1x128xi32, #tpu.memory_space<vmem>>
        %dma_start3A_155 = tpu.memref_squeeze %dma_start3A_154 : memref<1x1x128xi32, #tpu.memory_space<vmem>> -> memref<128xi32, #tpu.memory_space<vmem>>
        %dma_start3A_156 = arith.constant 0 : i32
        %dma_start3A_157 = arith.constant 0 : i32
        %dma_start3A_158 = tpu.memref_slice %arg6[%dma_start3A_156, %dma_start3A_157] : memref<10112x128xf32, #tpu.memory_space<vmem_shared>> -> memref<10112x128xf32, #tpu.memory_space<vmem_shared>>
        tpu.enqueue_indirect_dma source(%arg10 : memref<128x128xf32, #tpu.memory_space<vmem>>) target(%dma_start3A_158 : memref<10112x128xf32, #tpu.memory_space<vmem_shared>>) offsets(%dma_start3A_155 : memref<128xi32, #tpu.memory_space<vmem>>) semaphore(%arg14 : memref<!tpu.dma_semaphore, #tpu.memory_space<semaphore_mem>>) {add = true}
      }
      %scan3A_33 = arith.constant 4 : i32
      %dma_wait3A = arith.constant 1 : i32
      %dma_wait3A_34 = arith.constant 0 : i32
      %dma_wait3A_35 = arith.constant 0 : i32
      %dma_wait3A_36 = tpu.memref_slice %arg7[%dma_wait3A, %dma_wait3A_34, %dma_wait3A_35] : memref<2x8x128xi32, #tpu.memory_space<vmem>> -> memref<1x1x128xi32, #tpu.memory_space<vmem>>
      %dma_wait3A_37 = tpu.memref_squeeze %dma_wait3A_36 : memref<1x1x128xi32, #tpu.memory_space<vmem>> -> memref<128xi32, #tpu.memory_space<vmem>>
      %dma_wait3A_38 = arith.constant 0 : i32
      %dma_wait3A_39 = arith.constant 0 : i32
      %dma_wait3A_40 = tpu.memref_slice %arg6[%dma_wait3A_38, %dma_wait3A_39] : memref<10112x128xf32, #tpu.memory_space<vmem_shared>> -> memref<10112x128xf32, #tpu.memory_space<vmem_shared>>
      tpu.wait_indirect_dma semaphore(%arg13 : memref<!tpu.dma_semaphore, #tpu.memory_space<semaphore_mem>>) src(%arg9 : memref<128x128xf32, #tpu.memory_space<vmem>>) dst(%dma_wait3A_40 : memref<10112x128xf32, #tpu.memory_space<vmem_shared>>)
      %dma_wait3A_41 = arith.constant 1 : i32
      %dma_wait3A_42 = arith.constant 0 : i32
      %dma_wait3A_43 = arith.constant 0 : i32
      %dma_wait3A_44 = tpu.memref_slice %arg7[%dma_wait3A_41, %dma_wait3A_42, %dma_wait3A_43] : memref<2x8x128xi32, #tpu.memory_space<vmem>> -> memref<1x1x128xi32, #tpu.memory_space<vmem>>
      %dma_wait3A_45 = tpu.memref_squeeze %dma_wait3A_44 : memref<1x1x128xi32, #tpu.memory_space<vmem>> -> memref<128xi32, #tpu.memory_space<vmem>>
      %dma_wait3A_46 = arith.constant 0 : i32
      %dma_wait3A_47 = arith.constant 0 : i32
      %dma_wait3A_48 = tpu.memref_slice %arg6[%dma_wait3A_46, %dma_wait3A_47] : memref<10112x128xf32, #tpu.memory_space<vmem_shared>> -> memref<10112x128xf32, #tpu.memory_space<vmem_shared>>
      tpu.wait_indirect_dma semaphore(%arg14 : memref<!tpu.dma_semaphore, #tpu.memory_space<semaphore_mem>>) src(%arg10 : memref<128x128xf32, #tpu.memory_space<vmem>>) dst(%dma_wait3A_48 : memref<10112x128xf32, #tpu.memory_space<vmem_shared>>)
      %add3A_49 = arith.constant 2 : i32
      %add3A_50 = arith.addi %add3A_26, %add3A_49 : i32
      %lt3A = arith.constant 10 : i32
      %lt3A_51 = arith.cmpi slt, %add3A_50, %lt3A : i32
      %convert_element_type3A_52 = arith.extui %lt3A_51 : i1 to i32
      %cond3A_53 = arith.constant 0 : i32
      %cond3A_54 = arith.cmpi ne, %convert_element_type3A_52, %cond3A_53 : i32
      scf.if %cond3A_54 {
        %add3A_94 = arith.constant 2 : i32
        %add3A_95 = arith.addi %add3A_26, %add3A_94 : i32
        %dma_start3A_96 = arith.constant 0 : i32
        %dma_start3A_97 = arith.constant 0 : i32
        %dma_start3A_98 = arith.constant 0 : i32
        %dma_start3A_99 = tpu.memref_slice %arg3[%add3A, %add3A_95, %dma_start3A_96, %dma_start3A_97, %dma_start3A_98] : memref<32x10x2x8x128xi32, #tpu.memory_space<hbm>> -> memref<1x1x2x8x128xi32, #tpu.memory_space<hbm>>
        %dma_start3A_100 = tpu.memref_squeeze %dma_start3A_99 : memref<1x1x2x8x128xi32, #tpu.memory_space<hbm>> -> memref<2x8x128xi32, #tpu.memory_space<hbm>>
        %dma_start3A_101 = arith.constant 0 : i32
        %dma_start3A_102 = arith.constant 0 : i32
        %dma_start3A_103 = arith.constant 0 : i32
        %dma_start3A_104 = tpu.memref_slice %arg3[%add3A, %add3A_95, %dma_start3A_101, %dma_start3A_102, %dma_start3A_103] : memref<32x10x2x8x128xi32, #tpu.memory_space<hbm>> -> memref<1x1x2x8x128xi32, #tpu.memory_space<hbm>>
        %dma_start3A_105 = tpu.memref_squeeze %dma_start3A_104 : memref<1x1x2x8x128xi32, #tpu.memory_space<hbm>> -> memref<2x8x128xi32, #tpu.memory_space<hbm>>
        tpu.enqueue_dma source(%dma_start3A_105 : memref<2x8x128xi32, #tpu.memory_space<hbm>>) target(%arg7 : memref<2x8x128xi32, #tpu.memory_space<vmem>>) target_semaphore(%arg15 : memref<!tpu.dma_semaphore, #tpu.memory_space<semaphore_mem>>)
      } else {
      }
      %dma_wait3A_55 = arith.constant 0 : i32
      %dma_wait3A_56 = arith.constant 0 : i32
      %dma_wait3A_57 = arith.constant 0 : i32
      %dma_wait3A_58 = arith.constant 0 : i32
      %dma_wait3A_59 = tpu.memref_slice %arg3[%add3A, %dma_wait3A_55, %dma_wait3A_56, %dma_wait3A_57, %dma_wait3A_58] : memref<32x10x2x8x128xi32, #tpu.memory_space<hbm>> -> memref<1x1x2x8x128xi32, #tpu.memory_space<hbm>>
      %dma_wait3A_60 = tpu.memref_squeeze %dma_wait3A_59 : memref<1x1x2x8x128xi32, #tpu.memory_space<hbm>> -> memref<2x8x128xi32, #tpu.memory_space<hbm>>
      %dma_wait3A_61 = arith.constant 0 : i32
      %dma_wait3A_62 = arith.constant 0 : i32
      %dma_wait3A_63 = arith.constant 0 : i32
      %dma_wait3A_64 = tpu.memref_slice %arg3[%add3A, %dma_wait3A_55, %dma_wait3A_61, %dma_wait3A_62, %dma_wait3A_63] : memref<32x10x2x8x128xi32, #tpu.memory_space<hbm>> -> memref<1x1x2x8x128xi32, #tpu.memory_space<hbm>>
      %dma_wait3A_65 = tpu.memref_squeeze %dma_wait3A_64 : memref<1x1x2x8x128xi32, #tpu.memory_space<hbm>> -> memref<2x8x128xi32, #tpu.memory_space<hbm>>
      tpu.wait_dma2 semaphore(%arg16 : memref<!tpu.dma_semaphore, #tpu.memory_space<semaphore_mem>>) src(%dma_wait3A_65 : memref<2x8x128xi32, #tpu.memory_space<hbm>>) dst(%arg8 : memref<2x8x128xi32, #tpu.memory_space<vmem>>)
      %scan3A_66 = arith.constant 0 : i32
      %scan3A_67 = arith.constant 4 : i32
      %scan3A_68 = arith.addi %scan3A_66, %scan3A_67 : i32
      %scan3A_69 = arith.constant 1 : i32
      scf.for %scan3A_94 = %scan3A_66 to %scan3A_68 step %scan3A_69  : i32 {
        %mul3A_95 = arith.constant 2 : i32
        %mul3A_96 = arith.muli %scan3A_94, %mul3A_95 : i32
        %add3A_97 = arith.constant 0 : i32
        %add3A_98 = arith.addi %add3A_97, %mul3A_96 : i32
        %gt3A_99 = arith.constant 0 : i32
        %gt3A_100 = arith.cmpi sgt, %add3A_98, %gt3A_99 : i32
        %convert_element_type3A_101 = arith.extui %gt3A_100 : i1 to i32
        %cond3A_102 = arith.constant 0 : i32
        %cond3A_103 = arith.cmpi ne, %convert_element_type3A_101, %cond3A_102 : i32
        scf.if %cond3A_103 {
          %dma_wait3A_159 = arith.constant 1 : i32
          %dma_wait3A_160 = arith.constant 0 : i32
          %dma_wait3A_161 = arith.constant 0 : i32
          %dma_wait3A_162 = tpu.memref_slice %arg8[%dma_wait3A_159, %dma_wait3A_160, %dma_wait3A_161] : memref<2x8x128xi32, #tpu.memory_space<vmem>> -> memref<1x1x128xi32, #tpu.memory_space<vmem>>
          %dma_wait3A_163 = tpu.memref_squeeze %dma_wait3A_162 : memref<1x1x128xi32, #tpu.memory_space<vmem>> -> memref<128xi32, #tpu.memory_space<vmem>>
          %dma_wait3A_164 = arith.constant 0 : i32
          %dma_wait3A_165 = arith.constant 0 : i32
          %dma_wait3A_166 = tpu.memref_slice %arg6[%dma_wait3A_164, %dma_wait3A_165] : memref<10112x128xf32, #tpu.memory_space<vmem_shared>> -> memref<10112x128xf32, #tpu.memory_space<vmem_shared>>
          tpu.wait_indirect_dma semaphore(%arg13 : memref<!tpu.dma_semaphore, #tpu.memory_space<semaphore_mem>>) src(%arg9 : memref<128x128xf32, #tpu.memory_space<vmem>>) dst(%dma_wait3A_166 : memref<10112x128xf32, #tpu.memory_space<vmem_shared>>)
        } else {
        }
        %add3A_104 = arith.constant 0 : i32
        %add3A_105 = arith.addi %add3A_98, %add3A_104 : i32
        %dma_start3A_106 = arith.constant 0 : i32
        %dma_start3A_107 = arith.constant 0 : i32
        %dma_start3A_108 = tpu.memref_slice %arg8[%dma_start3A_106, %add3A_105, %dma_start3A_107] : memref<2x8x128xi32, #tpu.memory_space<vmem>> -> memref<1x1x128xi32, #tpu.memory_space<vmem>>
        %dma_start3A_109 = tpu.memref_squeeze %dma_start3A_108 : memref<1x1x128xi32, #tpu.memory_space<vmem>> -> memref<128xi32, #tpu.memory_space<vmem>>
        %dma_start3A_110 = arith.constant 0 : i32
        %dma_start3A_111 = arith.constant 0 : i32
        %dma_start3A_112 = tpu.memref_slice %arg2[%dma_start3A_110, %dma_start3A_111] : memref<10240x128xf32, #tpu.memory_space<hbm>> -> memref<10240x128xf32, #tpu.memory_space<hbm>>
        tpu.enqueue_indirect_dma source(%dma_start3A_112 : memref<10240x128xf32, #tpu.memory_space<hbm>>) target(%arg9 : memref<128x128xf32, #tpu.memory_space<vmem>>) offsets(%dma_start3A_109 : memref<128xi32, #tpu.memory_space<vmem>>) semaphore(%arg11 : memref<!tpu.dma_semaphore, #tpu.memory_space<semaphore_mem>>)
        %gt3A_113 = arith.constant 0 : i32
        %gt3A_114 = arith.cmpi sgt, %add3A_98, %gt3A_113 : i32
        %convert_element_type3A_115 = arith.extui %gt3A_114 : i1 to i32
        %cond3A_116 = arith.constant 0 : i32
        %cond3A_117 = arith.cmpi ne, %convert_element_type3A_115, %cond3A_116 : i32
        scf.if %cond3A_117 {
          %dma_wait3A_159 = arith.constant 1 : i32
          %dma_wait3A_160 = arith.constant 0 : i32
          %dma_wait3A_161 = arith.constant 0 : i32
          %dma_wait3A_162 = tpu.memref_slice %arg8[%dma_wait3A_159, %dma_wait3A_160, %dma_wait3A_161] : memref<2x8x128xi32, #tpu.memory_space<vmem>> -> memref<1x1x128xi32, #tpu.memory_space<vmem>>
          %dma_wait3A_163 = tpu.memref_squeeze %dma_wait3A_162 : memref<1x1x128xi32, #tpu.memory_space<vmem>> -> memref<128xi32, #tpu.memory_space<vmem>>
          %dma_wait3A_164 = arith.constant 0 : i32
          %dma_wait3A_165 = arith.constant 0 : i32
          %dma_wait3A_166 = tpu.memref_slice %arg6[%dma_wait3A_164, %dma_wait3A_165] : memref<10112x128xf32, #tpu.memory_space<vmem_shared>> -> memref<10112x128xf32, #tpu.memory_space<vmem_shared>>
          tpu.wait_indirect_dma semaphore(%arg14 : memref<!tpu.dma_semaphore, #tpu.memory_space<semaphore_mem>>) src(%arg10 : memref<128x128xf32, #tpu.memory_space<vmem>>) dst(%dma_wait3A_166 : memref<10112x128xf32, #tpu.memory_space<vmem_shared>>)
        } else {
        }
        %add3A_118 = arith.constant 1 : i32
        %add3A_119 = arith.addi %add3A_98, %add3A_118 : i32
        %dma_start3A_120 = arith.constant 0 : i32
        %dma_start3A_121 = arith.constant 0 : i32
        %dma_start3A_122 = tpu.memref_slice %arg8[%dma_start3A_120, %add3A_119, %dma_start3A_121] : memref<2x8x128xi32, #tpu.memory_space<vmem>> -> memref<1x1x128xi32, #tpu.memory_space<vmem>>
        %dma_start3A_123 = tpu.memref_squeeze %dma_start3A_122 : memref<1x1x128xi32, #tpu.memory_space<vmem>> -> memref<128xi32, #tpu.memory_space<vmem>>
        %dma_start3A_124 = arith.constant 0 : i32
        %dma_start3A_125 = arith.constant 0 : i32
        %dma_start3A_126 = tpu.memref_slice %arg2[%dma_start3A_124, %dma_start3A_125] : memref<10240x128xf32, #tpu.memory_space<hbm>> -> memref<10240x128xf32, #tpu.memory_space<hbm>>
        tpu.enqueue_indirect_dma source(%dma_start3A_126 : memref<10240x128xf32, #tpu.memory_space<hbm>>) target(%arg10 : memref<128x128xf32, #tpu.memory_space<vmem>>) offsets(%dma_start3A_123 : memref<128xi32, #tpu.memory_space<vmem>>) semaphore(%arg12 : memref<!tpu.dma_semaphore, #tpu.memory_space<semaphore_mem>>)
        %dma_wait3A_127 = arith.constant 0 : i32
        %dma_wait3A_128 = arith.constant 0 : i32
        %dma_wait3A_129 = tpu.memref_slice %arg8[%dma_wait3A_127, %add3A_105, %dma_wait3A_128] : memref<2x8x128xi32, #tpu.memory_space<vmem>> -> memref<1x1x128xi32, #tpu.memory_space<vmem>>
        %dma_wait3A_130 = tpu.memref_squeeze %dma_wait3A_129 : memref<1x1x128xi32, #tpu.memory_space<vmem>> -> memref<128xi32, #tpu.memory_space<vmem>>
        %dma_wait3A_131 = arith.constant 0 : i32
        %dma_wait3A_132 = arith.constant 0 : i32
        %dma_wait3A_133 = tpu.memref_slice %arg2[%dma_wait3A_131, %dma_wait3A_132] : memref<10240x128xf32, #tpu.memory_space<hbm>> -> memref<10240x128xf32, #tpu.memory_space<hbm>>
        tpu.wait_indirect_dma semaphore(%arg11 : memref<!tpu.dma_semaphore, #tpu.memory_space<semaphore_mem>>) src(%dma_wait3A_133 : memref<10240x128xf32, #tpu.memory_space<hbm>>) dst(%arg9 : memref<128x128xf32, #tpu.memory_space<vmem>>)
        %add3A_134 = arith.constant 0 : i32
        %add3A_135 = arith.addi %add3A_98, %add3A_134 : i32
        %dma_start3A_136 = arith.constant 1 : i32
        %dma_start3A_137 = arith.constant 0 : i32
        %dma_start3A_138 = tpu.memref_slice %arg8[%dma_start3A_136, %add3A_135, %dma_start3A_137] : memref<2x8x128xi32, #tpu.memory_space<vmem>> -> memref<1x1x128xi32, #tpu.memory_space<vmem>>
        %dma_start3A_139 = tpu.memref_squeeze %dma_start3A_138 : memref<1x1x128xi32, #tpu.memory_space<vmem>> -> memref<128xi32, #tpu.memory_space<vmem>>
        %dma_start3A_140 = arith.constant 0 : i32
        %dma_start3A_141 = arith.constant 0 : i32
        %dma_start3A_142 = tpu.memref_slice %arg6[%dma_start3A_140, %dma_start3A_141] : memref<10112x128xf32, #tpu.memory_space<vmem_shared>> -> memref<10112x128xf32, #tpu.memory_space<vmem_shared>>
        tpu.enqueue_indirect_dma source(%arg9 : memref<128x128xf32, #tpu.memory_space<vmem>>) target(%dma_start3A_142 : memref<10112x128xf32, #tpu.memory_space<vmem_shared>>) offsets(%dma_start3A_139 : memref<128xi32, #tpu.memory_space<vmem>>) semaphore(%arg13 : memref<!tpu.dma_semaphore, #tpu.memory_space<semaphore_mem>>) {add = true}
        %dma_wait3A_143 = arith.constant 0 : i32
        %dma_wait3A_144 = arith.constant 0 : i32
        %dma_wait3A_145 = tpu.memref_slice %arg8[%dma_wait3A_143, %add3A_119, %dma_wait3A_144] : memref<2x8x128xi32, #tpu.memory_space<vmem>> -> memref<1x1x128xi32, #tpu.memory_space<vmem>>
        %dma_wait3A_146 = tpu.memref_squeeze %dma_wait3A_145 : memref<1x1x128xi32, #tpu.memory_space<vmem>> -> memref<128xi32, #tpu.memory_space<vmem>>
        %dma_wait3A_147 = arith.constant 0 : i32
        %dma_wait3A_148 = arith.constant 0 : i32
        %dma_wait3A_149 = tpu.memref_slice %arg2[%dma_wait3A_147, %dma_wait3A_148] : memref<10240x128xf32, #tpu.memory_space<hbm>> -> memref<10240x128xf32, #tpu.memory_space<hbm>>
        tpu.wait_indirect_dma semaphore(%arg12 : memref<!tpu.dma_semaphore, #tpu.memory_space<semaphore_mem>>) src(%dma_wait3A_149 : memref<10240x128xf32, #tpu.memory_space<hbm>>) dst(%arg10 : memref<128x128xf32, #tpu.memory_space<vmem>>)
        %add3A_150 = arith.constant 1 : i32
        %add3A_151 = arith.addi %add3A_98, %add3A_150 : i32
        %dma_start3A_152 = arith.constant 1 : i32
        %dma_start3A_153 = arith.constant 0 : i32
        %dma_start3A_154 = tpu.memref_slice %arg8[%dma_start3A_152, %add3A_151, %dma_start3A_153] : memref<2x8x128xi32, #tpu.memory_space<vmem>> -> memref<1x1x128xi32, #tpu.memory_space<vmem>>
        %dma_start3A_155 = tpu.memref_squeeze %dma_start3A_154 : memref<1x1x128xi32, #tpu.memory_space<vmem>> -> memref<128xi32, #tpu.memory_space<vmem>>
        %dma_start3A_156 = arith.constant 0 : i32
        %dma_start3A_157 = arith.constant 0 : i32
        %dma_start3A_158 = tpu.memref_slice %arg6[%dma_start3A_156, %dma_start3A_157] : memref<10112x128xf32, #tpu.memory_space<vmem_shared>> -> memref<10112x128xf32, #tpu.memory_space<vmem_shared>>
        tpu.enqueue_indirect_dma source(%arg10 : memref<128x128xf32, #tpu.memory_space<vmem>>) target(%dma_start3A_158 : memref<10112x128xf32, #tpu.memory_space<vmem_shared>>) offsets(%dma_start3A_155 : memref<128xi32, #tpu.memory_space<vmem>>) semaphore(%arg14 : memref<!tpu.dma_semaphore, #tpu.memory_space<semaphore_mem>>) {add = true}
      }
      %scan3A_70 = arith.constant 4 : i32
      %dma_wait3A_71 = arith.constant 1 : i32
      %dma_wait3A_72 = arith.constant 0 : i32
      %dma_wait3A_73 = arith.constant 0 : i32
      %dma_wait3A_74 = tpu.memref_slice %arg8[%dma_wait3A_71, %dma_wait3A_72, %dma_wait3A_73] : memref<2x8x128xi32, #tpu.memory_space<vmem>> -> memref<1x1x128xi32, #tpu.memory_space<vmem>>
      %dma_wait3A_75 = tpu.memref_squeeze %dma_wait3A_74 : memref<1x1x128xi32, #tpu.memory_space<vmem>> -> memref<128xi32, #tpu.memory_space<vmem>>
      %dma_wait3A_76 = arith.constant 0 : i32
      %dma_wait3A_77 = arith.constant 0 : i32
      %dma_wait3A_78 = tpu.memref_slice %arg6[%dma_wait3A_76, %dma_wait3A_77] : memref<10112x128xf32, #tpu.memory_space<vmem_shared>> -> memref<10112x128xf32, #tpu.memory_space<vmem_shared>>
      tpu.wait_indirect_dma semaphore(%arg13 : memref<!tpu.dma_semaphore, #tpu.memory_space<semaphore_mem>>) src(%arg9 : memref<128x128xf32, #tpu.memory_space<vmem>>) dst(%dma_wait3A_78 : memref<10112x128xf32, #tpu.memory_space<vmem_shared>>)
      %dma_wait3A_79 = arith.constant 1 : i32
      %dma_wait3A_80 = arith.constant 0 : i32
      %dma_wait3A_81 = arith.constant 0 : i32
      %dma_wait3A_82 = tpu.memref_slice %arg8[%dma_wait3A_79, %dma_wait3A_80, %dma_wait3A_81] : memref<2x8x128xi32, #tpu.memory_space<vmem>> -> memref<1x1x128xi32, #tpu.memory_space<vmem>>
      %dma_wait3A_83 = tpu.memref_squeeze %dma_wait3A_82 : memref<1x1x128xi32, #tpu.memory_space<vmem>> -> memref<128xi32, #tpu.memory_space<vmem>>
      %dma_wait3A_84 = arith.constant 0 : i32
      %dma_wait3A_85 = arith.constant 0 : i32
      %dma_wait3A_86 = tpu.memref_slice %arg6[%dma_wait3A_84, %dma_wait3A_85] : memref<10112x128xf32, #tpu.memory_space<vmem_shared>> -> memref<10112x128xf32, #tpu.memory_space<vmem_shared>>
      tpu.wait_indirect_dma semaphore(%arg14 : memref<!tpu.dma_semaphore, #tpu.memory_space<semaphore_mem>>) src(%arg10 : memref<128x128xf32, #tpu.memory_space<vmem>>) dst(%dma_wait3A_86 : memref<10112x128xf32, #tpu.memory_space<vmem_shared>>)
      %add3A_87 = arith.constant 3 : i32
      %add3A_88 = arith.addi %add3A_26, %add3A_87 : i32
      %lt3A_89 = arith.constant 10 : i32
      %lt3A_90 = arith.cmpi slt, %add3A_88, %lt3A_89 : i32
      %convert_element_type3A_91 = arith.extui %lt3A_90 : i1 to i32
      %cond3A_92 = arith.constant 0 : i32
      %cond3A_93 = arith.cmpi ne, %convert_element_type3A_91, %cond3A_92 : i32
      scf.if %cond3A_93 {
        %add3A_94 = arith.constant 3 : i32
        %add3A_95 = arith.addi %add3A_26, %add3A_94 : i32
        %dma_start3A_96 = arith.constant 0 : i32
        %dma_start3A_97 = arith.constant 0 : i32
        %dma_start3A_98 = arith.constant 0 : i32
        %dma_start3A_99 = tpu.memref_slice %arg3[%add3A, %add3A_95, %dma_start3A_96, %dma_start3A_97, %dma_start3A_98] : memref<32x10x2x8x128xi32, #tpu.memory_space<hbm>> -> memref<1x1x2x8x128xi32, #tpu.memory_space<hbm>>
        %dma_start3A_100 = tpu.memref_squeeze %dma_start3A_99 : memref<1x1x2x8x128xi32, #tpu.memory_space<hbm>> -> memref<2x8x128xi32, #tpu.memory_space<hbm>>
        %dma_start3A_101 = arith.constant 0 : i32
        %dma_start3A_102 = arith.constant 0 : i32
        %dma_start3A_103 = arith.constant 0 : i32
        %dma_start3A_104 = tpu.memref_slice %arg3[%add3A, %add3A_95, %dma_start3A_101, %dma_start3A_102, %dma_start3A_103] : memref<32x10x2x8x128xi32, #tpu.memory_space<hbm>> -> memref<1x1x2x8x128xi32, #tpu.memory_space<hbm>>
        %dma_start3A_105 = tpu.memref_squeeze %dma_start3A_104 : memref<1x1x2x8x128xi32, #tpu.memory_space<hbm>> -> memref<2x8x128xi32, #tpu.memory_space<hbm>>
        tpu.enqueue_dma source(%dma_start3A_105 : memref<2x8x128xi32, #tpu.memory_space<hbm>>) target(%arg8 : memref<2x8x128xi32, #tpu.memory_space<vmem>>) target_semaphore(%arg16 : memref<!tpu.dma_semaphore, #tpu.memory_space<semaphore_mem>>)
      } else {
      }
    }
    %scan3A_16 = arith.constant 5 : i32
    %barrier3A_17 = arith.constant 0 : index
    tpu.barrier barrier_id(%barrier3A_17)
    %mul3A_18 = arith.constant 632 : i32
    %mul3A_19 = arith.muli %arg1, %mul3A_18 : i32
    %mul3A_20 = arith.constant 632 : i32
    %mul3A_21 = arith.muli %arg1, %mul3A_20 : i32
    "tpu.region"() ({
      %run_scoped3A_22 = tpu.sem_alloc : memref<!tpu.dma_semaphore, #tpu.memory_space<semaphore_mem>>
      %dma_start3A_23 = arith.constant 0 : i32
      %dma_start3A_24 = tpu.memref_slice %arg5[%arg0, %mul3A_21, %dma_start3A_23] : memref<2x10240x128xf32, #tpu.memory_space<hbm>> -> memref<1x632x128xf32, #tpu.memory_space<hbm>>
      %dma_start3A_25 = tpu.memref_squeeze %dma_start3A_24 : memref<1x632x128xf32, #tpu.memory_space<hbm>> -> memref<632x128xf32, #tpu.memory_space<hbm>>
      %dma_start3A_26 = arith.constant 0 : i32
      %dma_start3A_27 = tpu.memref_slice %arg6[%mul3A_19, %dma_start3A_26] : memref<10112x128xf32, #tpu.memory_space<vmem_shared>> -> memref<632x128xf32, #tpu.memory_space<vmem_shared>>
      tpu.enqueue_dma source(%dma_start3A_27 : memref<632x128xf32, #tpu.memory_space<vmem_shared>>) target(%dma_start3A_25 : memref<632x128xf32, #tpu.memory_space<hbm>>) target_semaphore(%run_scoped3A_22 : memref<!tpu.dma_semaphore, #tpu.memory_space<semaphore_mem>>)
      %dma_wait3A = arith.constant 0 : i32
      %dma_wait3A_28 = tpu.memref_slice %arg5[%arg0, %mul3A_21, %dma_wait3A] : memref<2x10240x128xf32, #tpu.memory_space<hbm>> -> memref<1x632x128xf32, #tpu.memory_space<hbm>>
      %dma_wait3A_29 = tpu.memref_squeeze %dma_wait3A_28 : memref<1x632x128xf32, #tpu.memory_space<hbm>> -> memref<632x128xf32, #tpu.memory_space<hbm>>
      %dma_wait3A_30 = arith.constant 0 : i32
      %dma_wait3A_31 = tpu.memref_slice %arg6[%mul3A_19, %dma_wait3A_30] : memref<10112x128xf32, #tpu.memory_space<vmem_shared>> -> memref<632x128xf32, #tpu.memory_space<vmem_shared>>
      tpu.wait_dma2 semaphore(%run_scoped3A_22 : memref<!tpu.dma_semaphore, #tpu.memory_space<semaphore_mem>>) src(%dma_wait3A_31 : memref<632x128xf32, #tpu.memory_space<vmem_shared>>) dst(%dma_wait3A_29 : memref<632x128xf32, #tpu.memory_space<hbm>>)
      tpu.yield
    }) : () -> ()
    return
  }
}

module attributes {stable_mosaic.version = 14 : i64} {
  func.func @_prep_body(%arg0: i32, %arg1: memref<1024x128xf32, #tpu.memory_space<vmem>>, %arg2: memref<1024x2xf32, #tpu.memory_space<vmem>>, %arg3: memref<1024x2xf32, #tpu.memory_space<vmem>>, %arg4: memref<1024x128xf32, #tpu.memory_space<vmem>>, %arg5: memref<1024x2xf32, #tpu.memory_space<vmem>>) attributes {dimension_semantics = [#tpu.dimension_semantics<arbitrary>], iteration_bounds = array<i64: 10>, scalar_prefetch = 0 : i64, scratch_operands = 0 : i64, tpu.core_type = #tpu.core_type<tc>, window_params = [{transform_indices = @transform_0, window_bounds = array<i64: 1024, 128>}, {transform_indices = @transform_1, window_bounds = array<i64: 1024, 2>}, {transform_indices = @transform_2, window_bounds = array<i64: 1024, 2>}, {transform_indices = @transform_3, window_bounds = array<i64: 1024, 128>}, {transform_indices = @transform_4, window_bounds = array<i64: 1024, 2>}]} {
    %get3A = arith.constant 0 : index
    %get3A_0 = arith.constant 0 : index
    %get3A_1 = vector.load %arg2[%get3A, %get3A_0] : memref<1024x2xf32, #tpu.memory_space<vmem>>, vector<1024x1xf32>
    %get3A_2 = vector.shape_cast %get3A_1 : vector<1024x1xf32> to vector<1024xf32>
    %get3A_3 = arith.constant 0 : index
    %get3A_4 = arith.constant 1 : index
    %get3A_5 = vector.load %arg2[%get3A_3, %get3A_4] : memref<1024x2xf32, #tpu.memory_space<vmem>>, vector<1024x1xf32>
    %get3A_6 = vector.shape_cast %get3A_5 : vector<1024x1xf32> to vector<1024xf32>
    %add3A = arith.addf %get3A_2, %get3A_6 : vector<1024xf32>
    %max3A = arith.constant 1.000000e+00 : f32
    %max3A_7 = vector.broadcast %max3A : f32 to vector<1024xf32>
    %max3A_8 = arith.maximumf %add3A, %max3A_7 : vector<1024xf32>
    %rsqrt3A = math.rsqrt %max3A_8 : vector<1024xf32>
    %get3A_9 = arith.constant 0 : index
    %get3A_10 = arith.constant 0 : index
    %get3A_11 = vector.load %arg3[%get3A_9, %get3A_10] : memref<1024x2xf32, #tpu.memory_space<vmem>>, vector<1024x1xf32>
    %get3A_12 = vector.shape_cast %get3A_11 : vector<1024x1xf32> to vector<1024xf32>
    %get3A_13 = arith.constant 0 : index
    %get3A_14 = arith.constant 1 : index
    %get3A_15 = vector.load %arg3[%get3A_13, %get3A_14] : memref<1024x2xf32, #tpu.memory_space<vmem>>, vector<1024x1xf32>
    %get3A_16 = vector.shape_cast %get3A_15 : vector<1024x1xf32> to vector<1024xf32>
    %add3A_17 = arith.addf %get3A_12, %get3A_16 : vector<1024xf32>
    %max3A_18 = arith.constant 1.000000e+00 : f32
    %max3A_19 = vector.broadcast %max3A_18 : f32 to vector<1024xf32>
    %max3A_20 = arith.maximumf %add3A_17, %max3A_19 : vector<1024xf32>
    %rsqrt3A_21 = math.rsqrt %max3A_20 : vector<1024xf32>
    %get3A_22 = arith.constant 0 : index
    %get3A_23 = arith.constant 0 : index
    %get3A_24 = vector.load %arg1[%get3A_22, %get3A_23] : memref<1024x128xf32, #tpu.memory_space<vmem>>, vector<1024x128xf32>
    %broadcast_in_dim3A = vector.shape_cast %rsqrt3A : vector<1024xf32> to vector<1024x1xf32>
    %mul3A = vector.broadcast %broadcast_in_dim3A : vector<1024x1xf32> to vector<1024x128xf32>
    %mul3A_25 = arith.mulf %get3A_24, %mul3A : vector<1024x128xf32>
    %swap3A = arith.constant 0 : index
    %swap3A_26 = arith.constant 0 : index
    %swap3A_27 = vector.load %arg4[%swap3A, %swap3A_26] : memref<1024x128xf32, #tpu.memory_space<vmem>>, vector<1024x128xf32>
    tpu.vector_store %arg4[%swap3A, %swap3A_26], %mul3A_25 {strides = array<i32>} : memref<1024x128xf32, #tpu.memory_space<vmem>>, vector<1024x128xf32>,
    %broadcast_in_dim3A_28 = vector.shape_cast %rsqrt3A : vector<1024xf32> to vector<1024x1xf32>
    %broadcast_in_dim3A_29 = vector.shape_cast %rsqrt3A_21 : vector<1024xf32> to vector<1024x1xf32>
    %concatenate3A = tpu.concatenate %broadcast_in_dim3A_28, %broadcast_in_dim3A_29 in 1 : vector<1024x1xf32>, vector<1024x1xf32> -> vector<1024x2xf32>
    %swap3A_30 = arith.constant 0 : index
    %swap3A_31 = arith.constant 0 : index
    %swap3A_32 = vector.load %arg5[%swap3A_30, %swap3A_31] : memref<1024x2xf32, #tpu.memory_space<vmem>>, vector<1024x2xf32>
    tpu.vector_store %arg5[%swap3A_30, %swap3A_31], %concatenate3A {strides = array<i32>} : memref<1024x2xf32, #tpu.memory_space<vmem>>, vector<1024x2xf32>,
    return
  }
  func.func @transform_0(%arg0: i32) -> (i32, i32) {
    %c0_i32 = arith.constant 0 : i32
    %c0_i32_0 = arith.constant 0 : i32
    return %arg0, %c0_i32 : i32, i32
  }
  func.func @transform_1(%arg0: i32) -> (i32, i32) {
    %c0_i32 = arith.constant 0 : i32
    %c0_i32_0 = arith.constant 0 : i32
    return %arg0, %c0_i32 : i32, i32
  }
  func.func @transform_2(%arg0: i32) -> (i32, i32) {
    %add3A = arith.constant 10 : i32
    %add3A_0 = arith.addi %arg0, %add3A : i32
    %c0_i32 = arith.constant 0 : i32
    %c0_i32_1 = arith.constant 0 : i32
    return %add3A_0, %c0_i32 : i32, i32
  }
  func.func @transform_3(%arg0: i32) -> (i32, i32) {
    %c0_i32 = arith.constant 0 : i32
    %c0_i32_0 = arith.constant 0 : i32
    return %arg0, %c0_i32 : i32, i32
  }
  func.func @transform_4(%arg0: i32) -> (i32, i32) {
    %c0_i32 = arith.constant 0 : i32
    %c0_i32_0 = arith.constant 0 : i32
    return %arg0, %c0_i32 : i32, i32
  }
}

module attributes {stable_mosaic.version = 14 : i64} {
  func.func @_post_body(%arg0: i32, %arg1: memref<1x1024x128xf32, #tpu.memory_space<vmem>>, %arg2: memref<1x1024x128xf32, #tpu.memory_space<vmem>>, %arg3: memref<1024x2xf32, #tpu.memory_space<vmem>>, %arg4: memref<128x128xf32, #tpu.memory_space<vmem>>, %arg5: memref<1x128xf32, #tpu.memory_space<vmem>>, %arg6: memref<1024x128xf32, #tpu.memory_space<vmem>>) attributes {dimension_semantics = [#tpu.dimension_semantics<arbitrary>], iteration_bounds = array<i64: 10>, scalar_prefetch = 0 : i64, scratch_operands = 0 : i64, tpu.core_type = #tpu.core_type<tc>, window_params = [{transform_indices = @transform_0, window_bounds = array<i64: 1, 1024, 128>}, {transform_indices = @transform_1, window_bounds = array<i64: 1, 1024, 128>}, {transform_indices = @transform_2, window_bounds = array<i64: 1024, 2>}, {pipeline_mode = #tpu.pipeline_mode<synchronous>, transform_indices = @transform_3, window_bounds = array<i64: 128, 128>}, {pipeline_mode = #tpu.pipeline_mode<synchronous>, transform_indices = @transform_4, window_bounds = array<i64: 1, 128>}, {transform_indices = @transform_5, window_bounds = array<i64: 1024, 128>}]} {
    %get3A = arith.constant 0 : index
    %get3A_0 = arith.constant 0 : index
    %get3A_1 = arith.constant 0 : index
    %get3A_2 = vector.load %arg1[%get3A, %get3A_0, %get3A_1] : memref<1x1024x128xf32, #tpu.memory_space<vmem>>, vector<1x1024x128xf32>
    %get3A_3 = vector.shape_cast %get3A_2 : vector<1x1024x128xf32> to vector<1024x128xf32>
    %get3A_4 = arith.constant 0 : index
    %get3A_5 = arith.constant 0 : index
    %get3A_6 = arith.constant 0 : index
    %get3A_7 = vector.load %arg2[%get3A_4, %get3A_5, %get3A_6] : memref<1x1024x128xf32, #tpu.memory_space<vmem>>, vector<1x1024x128xf32>
    %get3A_8 = vector.shape_cast %get3A_7 : vector<1x1024x128xf32> to vector<1024x128xf32>
    %add3A = arith.addf %get3A_3, %get3A_8 : vector<1024x128xf32>
    %get3A_9 = arith.constant 0 : index
    %get3A_10 = arith.constant 1 : index
    %get3A_11 = vector.load %arg3[%get3A_9, %get3A_10] : memref<1024x2xf32, #tpu.memory_space<vmem>>, vector<1024x1xf32>
    %get3A_12 = vector.shape_cast %get3A_11 : vector<1024x1xf32> to vector<1024xf32>
    %broadcast_in_dim3A = vector.shape_cast %get3A_12 : vector<1024xf32> to vector<1024x1xf32>
    %mul3A = vector.broadcast %broadcast_in_dim3A : vector<1024x1xf32> to vector<1024x128xf32>
    %mul3A_13 = arith.mulf %add3A, %mul3A : vector<1024x128xf32>
    %get3A_14 = arith.constant 0 : index
    %get3A_15 = arith.constant 0 : index
    %get3A_16 = vector.load %arg4[%get3A_14, %get3A_15] : memref<128x128xf32, #tpu.memory_space<vmem>>, vector<128x128xf32>
    %dot_general3A = arith.constant dense<0.000000e+00> : vector<1024x128xf32>
    %dot_general3A_17 = tpu.matmul %mul3A_13, %get3A_16, %dot_general3A {dimension_numbers = #tpu.dot_dimension_numbers<[1], [0], [0], [1], [0, 0, 1, 1], [], []>, transpose_lhs_hint = false} : vector<1024x128xf32>, vector<128x128xf32>, vector<1024x128xf32> -> vector<1024x128xf32>
    %get3A_18 = arith.constant 0 : index
    %get3A_19 = arith.constant 0 : index
    %get3A_20 = vector.load %arg5[%get3A_18, %get3A_19] : memref<1x128xf32, #tpu.memory_space<vmem>>, vector<1x128xf32>
    %get3A_21 = vector.shape_cast %get3A_20 : vector<1x128xf32> to vector<128xf32>
    %broadcast_in_dim3A_22 = vector.shape_cast %get3A_21 : vector<128xf32> to vector<1x128xf32>
    %add3A_23 = vector.broadcast %broadcast_in_dim3A_22 : vector<1x128xf32> to vector<1024x128xf32>
    %add3A_24 = arith.addf %dot_general3A_17, %add3A_23 : vector<1024x128xf32>
    %swap3A = arith.constant 0 : index
    %swap3A_25 = arith.constant 0 : index
    %swap3A_26 = vector.load %arg6[%swap3A, %swap3A_25] : memref<1024x128xf32, #tpu.memory_space<vmem>>, vector<1024x128xf32>
    tpu.vector_store %arg6[%swap3A, %swap3A_25], %add3A_24 {strides = array<i32>} : memref<1024x128xf32, #tpu.memory_space<vmem>>, vector<1024x128xf32>,
    return
  }
  func.func @transform_0(%arg0: i32) -> (i32, i32, i32) {
    %c0_i32 = arith.constant 0 : i32
    %c0_i32_0 = arith.constant 0 : i32
    %c0_i32_1 = arith.constant 0 : i32
    return %c0_i32, %arg0, %c0_i32_0 : i32, i32, i32
  }
  func.func @transform_1(%arg0: i32) -> (i32, i32, i32) {
    %c1_i32 = arith.constant 1 : i32
    %c0_i32 = arith.constant 0 : i32
    %c0_i32_0 = arith.constant 0 : i32
    return %c1_i32, %arg0, %c0_i32 : i32, i32, i32
  }
  func.func @transform_2(%arg0: i32) -> (i32, i32) {
    %c0_i32 = arith.constant 0 : i32
    %c0_i32_0 = arith.constant 0 : i32
    return %arg0, %c0_i32 : i32, i32
  }
  func.func @transform_3(%arg0: i32) -> (i32, i32) {
    %c0_i32 = arith.constant 0 : i32
    %c0_i32_0 = arith.constant 0 : i32
    %c0_i32_1 = arith.constant 0 : i32
    return %c0_i32, %c0_i32_0 : i32, i32
  }
  func.func @transform_4(%arg0: i32) -> (i32, i32) {
    %c0_i32 = arith.constant 0 : i32
    %c0_i32_0 = arith.constant 0 : i32
    %c0_i32_1 = arith.constant 0 : i32
    return %c0_i32, %c0_i32_0 : i32, i32
  }
  func.func @transform_5(%arg0: i32) -> (i32, i32) {
    %c0_i32 = arith.constant 0 : i32
    %c0_i32_0 = arith.constant 0 : i32
    return %arg0, %c0_i32 : i32, i32
  }
}

module attributes {stable_mosaic.version = 14 : i64} {
  func.func @_post_body(%arg0: i32, %arg1: memref<1x1024x128xf32, #tpu.memory_space<vmem>>, %arg2: memref<1x1024x128xf32, #tpu.memory_space<vmem>>, %arg3: memref<1024x2xf32, #tpu.memory_space<vmem>>, %arg4: memref<128x128xf32, #tpu.memory_space<vmem>>, %arg5: memref<1x128xf32, #tpu.memory_space<vmem>>, %arg6: memref<1024x128xf32, #tpu.memory_space<vmem>>) attributes {dimension_semantics = [#tpu.dimension_semantics<arbitrary>], iteration_bounds = array<i64: 10>, scalar_prefetch = 0 : i64, scratch_operands = 0 : i64, tpu.core_type = #tpu.core_type<tc>, window_params = [{transform_indices = @transform_0, window_bounds = array<i64: 1, 1024, 128>}, {transform_indices = @transform_1, window_bounds = array<i64: 1, 1024, 128>}, {transform_indices = @transform_2, window_bounds = array<i64: 1024, 2>}, {pipeline_mode = #tpu.pipeline_mode<synchronous>, transform_indices = @transform_3, window_bounds = array<i64: 128, 128>}, {pipeline_mode = #tpu.pipeline_mode<synchronous>, transform_indices = @transform_4, window_bounds = array<i64: 1, 128>}, {transform_indices = @transform_5, window_bounds = array<i64: 1024, 128>}]} {
    %get3A = arith.constant 0 : index
    %get3A_0 = arith.constant 0 : index
    %get3A_1 = arith.constant 0 : index
    %get3A_2 = vector.load %arg1[%get3A, %get3A_0, %get3A_1] : memref<1x1024x128xf32, #tpu.memory_space<vmem>>, vector<1x1024x128xf32>
    %get3A_3 = vector.shape_cast %get3A_2 : vector<1x1024x128xf32> to vector<1024x128xf32>
    %get3A_4 = arith.constant 0 : index
    %get3A_5 = arith.constant 0 : index
    %get3A_6 = arith.constant 0 : index
    %get3A_7 = vector.load %arg2[%get3A_4, %get3A_5, %get3A_6] : memref<1x1024x128xf32, #tpu.memory_space<vmem>>, vector<1x1024x128xf32>
    %get3A_8 = vector.shape_cast %get3A_7 : vector<1x1024x128xf32> to vector<1024x128xf32>
    %add3A = arith.addf %get3A_3, %get3A_8 : vector<1024x128xf32>
    %get3A_9 = arith.constant 0 : index
    %get3A_10 = arith.constant 1 : index
    %get3A_11 = vector.load %arg3[%get3A_9, %get3A_10] : memref<1024x2xf32, #tpu.memory_space<vmem>>, vector<1024x1xf32>
    %get3A_12 = vector.shape_cast %get3A_11 : vector<1024x1xf32> to vector<1024xf32>
    %broadcast_in_dim3A = vector.shape_cast %get3A_12 : vector<1024xf32> to vector<1024x1xf32>
    %mul3A = vector.broadcast %broadcast_in_dim3A : vector<1024x1xf32> to vector<1024x128xf32>
    %mul3A_13 = arith.mulf %add3A, %mul3A : vector<1024x128xf32>
    %get3A_14 = arith.constant 0 : index
    %get3A_15 = arith.constant 0 : index
    %get3A_16 = vector.load %arg4[%get3A_14, %get3A_15] : memref<128x128xf32, #tpu.memory_space<vmem>>, vector<128x128xf32>
    %dot_general3A = arith.constant dense<0.000000e+00> : vector<1024x128xf32>
    %dot_general3A_17 = tpu.matmul %mul3A_13, %get3A_16, %dot_general3A {dimension_numbers = #tpu.dot_dimension_numbers<[1], [0], [0], [1], [0, 0, 1, 1], [], []>, transpose_lhs_hint = false} : vector<1024x128xf32>, vector<128x128xf32>, vector<1024x128xf32> -> vector<1024x128xf32>
    %get3A_18 = arith.constant 0 : index
    %get3A_19 = arith.constant 0 : index
    %get3A_20 = vector.load %arg5[%get3A_18, %get3A_19] : memref<1x128xf32, #tpu.memory_space<vmem>>, vector<1x128xf32>
    %get3A_21 = vector.shape_cast %get3A_20 : vector<1x128xf32> to vector<128xf32>
    %broadcast_in_dim3A_22 = vector.shape_cast %get3A_21 : vector<128xf32> to vector<1x128xf32>
    %add3A_23 = vector.broadcast %broadcast_in_dim3A_22 : vector<1x128xf32> to vector<1024x128xf32>
    %add3A_24 = arith.addf %dot_general3A_17, %add3A_23 : vector<1024x128xf32>
    %max3A = arith.constant 0.000000e+00 : f32
    %max3A_25 = vector.broadcast %max3A : f32 to vector<1024x128xf32>
    %max3A_26 = arith.maximumf %add3A_24, %max3A_25 : vector<1024x128xf32>
    %get3A_27 = arith.constant 0 : index
    %get3A_28 = arith.constant 0 : index
    %get3A_29 = vector.load %arg3[%get3A_27, %get3A_28] : memref<1024x2xf32, #tpu.memory_space<vmem>>, vector<1024x1xf32>
    %get3A_30 = vector.shape_cast %get3A_29 : vector<1024x1xf32> to vector<1024xf32>
    %broadcast_in_dim3A_31 = vector.shape_cast %get3A_30 : vector<1024xf32> to vector<1024x1xf32>
    %mul3A_32 = vector.broadcast %broadcast_in_dim3A_31 : vector<1024x1xf32> to vector<1024x128xf32>
    %mul3A_33 = arith.mulf %max3A_26, %mul3A_32 : vector<1024x128xf32>
    %swap3A = arith.constant 0 : index
    %swap3A_34 = arith.constant 0 : index
    %swap3A_35 = vector.load %arg6[%swap3A, %swap3A_34] : memref<1024x128xf32, #tpu.memory_space<vmem>>, vector<1024x128xf32>
    tpu.vector_store %arg6[%swap3A, %swap3A_34], %mul3A_33 {strides = array<i32>} : memref<1024x128xf32, #tpu.memory_space<vmem>>, vector<1024x128xf32>,
    return
  }
  func.func @transform_0(%arg0: i32) -> (i32, i32, i32) {
    %c0_i32 = arith.constant 0 : i32
    %c0_i32_0 = arith.constant 0 : i32
    %c0_i32_1 = arith.constant 0 : i32
    return %c0_i32, %arg0, %c0_i32_0 : i32, i32, i32
  }
  func.func @transform_1(%arg0: i32) -> (i32, i32, i32) {
    %c1_i32 = arith.constant 1 : i32
    %c0_i32 = arith.constant 0 : i32
    %c0_i32_0 = arith.constant 0 : i32
    return %c1_i32, %arg0, %c0_i32 : i32, i32, i32
  }
  func.func @transform_2(%arg0: i32) -> (i32, i32) {
    %c0_i32 = arith.constant 0 : i32
    %c0_i32_0 = arith.constant 0 : i32
    return %arg0, %c0_i32 : i32, i32
  }
  func.func @transform_3(%arg0: i32) -> (i32, i32) {
    %c0_i32 = arith.constant 0 : i32
    %c0_i32_0 = arith.constant 0 : i32
    %c0_i32_1 = arith.constant 0 : i32
    return %c0_i32, %c0_i32_0 : i32, i32
  }
  func.func @transform_4(%arg0: i32) -> (i32, i32) {
    %c0_i32 = arith.constant 0 : i32
    %c0_i32_0 = arith.constant 0 : i32
    %c0_i32_1 = arith.constant 0 : i32
    return %c0_i32, %c0_i32_0 : i32, i32
  }
  func.func @transform_5(%arg0: i32) -> (i32, i32) {
    %c0_i32 = arith.constant 0 : i32
    %c0_i32_0 = arith.constant 0 : i32
    return %arg0, %c0_i32 : i32, i32
  }
}

</mosaic_0001>

<sc_bundles>
// kernel: kernel.10.cloned.1.call-start
scs
__scs_entry_jumppad:
0x0: {  	(pc) =	sbr.rel $0x88, $3  }
0x1: {  	(tag) =	ssettag $0x0;
	lr =	simm.s32 $0x1  }
0x2: {  	[smem:$0x3F99] =	sst lr;
	_ =	strace $0xD0000000  }
0x3: {  	_ = 	snop  }
0x4: {  	_ = 	snop  }
0x5: {  	_ = 	snop  }
0x6: {  	_ = 	snop  }
0x7: {  	_ = 	snop  }
__scs_overlays_trampoline_lowered:
0x8: {  	[smem:$0x3FA8] =	sst s0  }
0x9: {  	[smem:$0x3FA9] =	sst s1  }
0xa: {  	[smem:$0x3FAA] =	sst s2  }
0xb: {  	[smem:$0x3FAB] =	sst s3  }
0xc: {  	[smem:$0x3FAC] =	sst s4  }
0xd: {  	[smem:$0x3FAD] =	sst s5  }
0xe: {  	[smem:$0x3FAE] =	sst s6  }
0xf: {  	[smem:$0x3FAF] =	sst s7  }
0x10: {  	[smem:$0x3FB0] =	sst s8  }
0x11: {  	[smem:$0x3FB1] =	sst s9;
	s0 =	simm.s32 @!p0 $0x0  }
0x12: {  	s1 =	sld [smem:$0x3F97];
	s0 =	simm.s32 @p0 $0x1  }
0x13: {  	[smem:$0x3FB2] =	sst s0;
	s0 =	simm.s32 @!p1 $0x0  }
0x14: {  	s2 =	sld [smem:$0x3F96];
	s0 =	simm.s32 @p1 $0x1  }
0x15: {  	[smem:$0x3FB3] =	sst s0;
	s0 =	simm.s32 @!p2 $0x0  }
0x16: {  	s3 =	sld [smem:$0x3FDB];
	s0 =	simm.s32 @p2 $0x1  }
0x17: {  	s4 =	simm.s32 $0x1BF5;
	[smem:$0x3FB5] =	sst s0  }
0x18: {  	s0 =	sld [smem:$0x3F98];
	_ =	swait.ge [sflag:s4], $0x0  }
0x19: {  	s7 =	sld [smem:$0x3F99]  }
0x1a: {  	s8 =	sadd.s32 $0xFFFFE003, lr  }
0x1b: {  	s9 =	sadd.s32 $0xFFFFFEF7, lr;
	s5 =	simm.s32 $0xFFFFFFFF;
	p2 =	slt.u32 s8, $0xFFFFF086  }
0x1c: {  	p1 =	slt.u32 s9, $0xF7A;
	s5 =	simm.s32 @!p2 $0x0  }
0x1d: {  	s5 =	simm.s32 @p1 $0x1;
	p0 =	seq.s32 s7, s2  }
0x1e: {  	s7 =	smul.u32 @!p0 $0xF7A, s2;
	p2 =	seq.s32 @!p0 s5, $0x0  }
0x1f: {  	s9 =	smul.u32 $0xF7A, s1;
	s8 =	simm.s32 @!p0 $0x1BF5;
	p2 =	por !p2, p0  }
0x20: {  	[sflag:s8] =	ssyncset.s32 @!p0 $0xFFFFF086;
	s6 =	sadd.s32 @!p0 s3, s7;
	s7 =	simm.s32 @!p0 $0x108  }
0x21: {  	s3 =	sadd.s32 s3, s9;
	s6 =	sadd.s32 @!p0 $0x88, s6;
	s7 =	simm.s32 @p2 $0x1082  }
0x22: {  	[simem:s7], [sflag:s8] =	dma.local @!p0 [hbm:s6], $0xF7A  }
0x23: {  	s9 =	sor.u32 $0xD0000000, s2;
	s6 =	simm.s32 $0x108;
	_ =	swait.ge @!p0 [sflag:s8], $0x0  }
0x24: {  	s3 =	sadd.s32 $0x88, s3;
	s6 =	simm.s32 @!p1 $0x1082;
	[sflag:s4] =	ssyncset.s32 $0xFFFFF086  }
0x25: {  	[simem:s6], [sflag:s4] =	dma.local [hbm:s3], $0xF7A  }
0x26: {  	[smem:$0x3F99] =	sst s1;
	(tag) =	ssettag s2;
	_ =	strace s9  }
0x27: {  	s1 =	sld [smem:$0x3FA9]  }
0x28: {  	s2 =	sld [smem:$0x3FAA]  }
0x29: {  	s4 =	sld [smem:$0x3FAC]  }
0x2a: {  	p0 =	seq.s32 s5, $0x0;
	s5 =	sld [smem:$0x3FAD]  }
0x2b: {  	s6 =	sld [smem:$0x3FAE]  }
0x2c: {  	s7 =	sld [smem:$0x3FAF]  }
0x2d: {  	s3 =	simm.s32 $0x108;
	s8 =	sld [smem:$0x3FB0]  }
0x2e: {  	s3 =	simm.s32 @!p0 $0x1082;
	s9 =	sld [smem:$0x3FB1]  }
0x2f: {  	lr =	sadd.s32 s0, s3;
	s0 =	sld [smem:$0x3FA8]  }
0x30: {  	s3 =	sld [smem:$0x3FAB]  }
0x31: {  	[smem:$0x3FB4] =	sst s10  }
0x32: {  	s10 =	sld [smem:$0x3FB2];
	_ =	sdelay $0x3  }
0x33: {  	p0 =	seq.s32 s10, $0x1;
	s10 =	sld [smem:$0x3FB4];
	_ =	sdelay $0x3  }
0x34: {  	[smem:$0x3FB4] =	sst s10  }
0x35: {  	s10 =	sld [smem:$0x3FB3];
	_ =	sdelay $0x3  }
0x36: {  	p1 =	seq.s32 s10, $0x1;
	s10 =	sld [smem:$0x3FB4];
	_ =	sdelay $0x3  }
0x37: {  	[smem:$0x3FB4] =	sst s10  }
0x38: {  	s10 =	sld [smem:$0x3FB5]  }
0x39: {  	_ = 	snop;
	(pc) =	sbr.ind lr, $3  }
0x3a: {  	_ = 	snop  }
0x3b: {  	_ = 	snop  }
0x3c: {  	p2 =	seq.s32 s10, $0x1;
	s10 =	sld [smem:$0x3FB4]  }
0x3d: {  	_ =	shalt  }
0x3e: {  	_ =	shalt  }
0x3f: {  	_ =	shalt  }
0x40: {  	_ =	shalt  }
0x41: {  	_ =	shalt  }
0x42: {  	_ =	shalt  }
0x43: {  	_ =	shalt  }
0x44: {  	_ =	shalt  }
0x45: {  	_ =	shalt  }
0x46: {  	_ =	shalt  }
0x47: {  	_ =	shalt  }
0x48: {  	_ =	shalt  }
0x49: {  	_ =	shalt  }
0x4a: {  	_ =	shalt  }
0x4b: {  	_ =	shalt  }
0x4c: {  	_ =	shalt  }
0x4d: {  	_ =	shalt  }
0x4e: {  	_ =	shalt  }
0x4f: {  	_ =	shalt  }
0x50: {  	_ =	shalt  }
0x51: {  	_ =	shalt  }
0x52: {  	_ =	shalt  }
0x53: {  	_ =	shalt  }
0x54: {  	_ =	shalt  }
0x55: {  	_ =	shalt  }
0x56: {  	_ =	shalt  }
0x57: {  	_ =	shalt  }
0x58: {  	_ =	shalt  }
0x59: {  	_ =	shalt  }
0x5a: {  	_ =	shalt  }
0x5b: {  	_ =	shalt  }
0x5c: {  	_ =	shalt  }
0x5d: {  	_ =	shalt  }
0x5e: {  	_ =	shalt  }
0x5f: {  	_ =	shalt  }
0x60: {  	_ =	shalt  }
0x61: {  	_ =	shalt  }
0x62: {  	_ =	shalt  }
0x63: {  	_ =	shalt  }
0x64: {  	_ =	shalt  }
0x65: {  	_ =	shalt  }
0x66: {  	_ =	shalt  }
0x67: {  	_ =	shalt  }
0x68: {  	_ =	shalt  }
0x69: {  	_ =	shalt  }
0x6a: {  	_ =	shalt  }
0x6b: {  	_ =	shalt  }
0x6c: {  	_ =	shalt  }
0x6d: {  	_ =	shalt  }
0x6e: {  	_ =	shalt  }
0x6f: {  	_ =	shalt  }
0x70: {  	_ =	shalt  }
0x71: {  	_ =	shalt  }
0x72: {  	_ =	shalt  }
0x73: {  	_ =	shalt  }
0x74: {  	_ =	shalt  }
0x75: {  	_ =	shalt  }
0x76: {  	_ =	shalt  }
0x77: {  	_ =	shalt  }
0x78: {  	_ =	shalt  }
0x79: {  	_ =	shalt  }
0x7a: {  	_ =	shalt  }
0x7b: {  	_ =	shalt  }
0x7c: {  	_ =	shalt  }
0x7d: {  	_ =	shalt  }
0x7e: {  	_ =	shalt  }
0x7f: {  	_ =	shalt  }
0x80: {  	_ =	shalt  }
0x81: {  	_ =	shalt  }
0x82: {  	_ =	shalt  }
0x83: {  	_ =	shalt  }
0x84: {  	_ =	shalt  }
0x85: {  	_ =	shalt  }
0x86: {  	_ =	shalt  }
0x87: {  	_ =	shalt  }
.Lfunc_end0:
.L_simem_size_0:
called_computation_lowered:
.L_overlay_start_0:
0x88: {  	s2 =	sld [smem:$0x3FD9]  }
0x89: {  	s3 =	sld [smem:$0x3FFE];
	_ =	sdelay $0x1  }
0x8a: {  	s1 =	srdreg.scid  }
0x8b: {  	s0 =	sand.u32 $0x1, s1  }
0x8c: {  	s17 =	sshll.u32 s0, $0xA;
	s2 =	sadd.s32 s3, s2  }
0x8d: {  	s2 =	sadd.s32 s2, s17  }
0x8e: {  	[smem:$0x3FC0] =	sst s2  }
0x8f: {  	_ = 	snop  }
0x90: {  	s2 =	sld [smem:$0x3FD0];
	(tm) =	ssettm $0x1  }
0x91: {  	s18 =	sld [smem:$0x3FFB];
	_ =	sdelay $0x3  }
0x92: {  	_ =	strace s18  }
0x93: {  	s3 =	sld [smem:$0x3FFC];
	_ =	sdelay $0x3  }
0x94: {  	_ =	strace s3  }
0x95: {  	s3 =	sld [smem:$0x3FFD];
	_ =	sdelay $0x3  }
0x96: {  	_ =	strace s3  }
0x97: {  	_ =	strace $0x8FFFFFFF  }
0x98: {  	s19 =	sld [smem:$0x3FDB];
	_ =	sdelay $0x1  }
0x99: {  	s4 =	simm.s32 $_scs_section_size  }
0x9a: {  	s5 =	simm.s32 $_size__tile_overlayer_lowered;
	s6 =	simm.s32 $_tile_overlayer_lowered  }
0x9b: {  	s22 =	simm.s32 $0x1BFF;
	s21 =	sshll.u32 s6, $0x1;
	s3 =	sadd.s32 s4, s19  }
0x9c: {  	s7 =	simm.s32 $0x0;
	s20 =	sshll.u32 s5, $0x1;
	s5 =	sadd.s32 s21, s3  }
0x9d: {  	[timem:s7], [sflag:s22] =	dma.local [hbm:s5], s20  }
0x9e: {  	_ =	swait.ge [sflag:s22], s20  }
0x9f: {  	s4 =	ssub.s32 $0x0, s20;
	[sflag:s22] =	ssyncset.done $0x0  }
0xa0: {  	[sflag:s22] =	ssyncadd.s32 s4;
	_ =	sdelay $0x1  }
0xa1: {  	s23 =	simm.s32 $0x1B8B  }
0xa2: {  	_ =	swait.ge [sflag:s23], $0x1  }
0xa3: {  	[sflag:s23] =	ssyncset.done $0x0  }
0xa4: {  	s25 =	simm.s32 $0x1B8E;
	s24 =	sld [smem:$0x3FFE];
	[sflag:s23] =	ssyncadd.s32 $0xFFFFFFFF  }
0xa5: {  	s26 =	simm.s32 $execute0_lowered;
	[smem:$0x3FD2] =	sst s25  }
0xa6: {  	s5 =	sshll.u32 s26, $0x1;
	_ =	strace $0x80000046;
	[dreg:$0x1] =	wrdreg $0xFFFFFFFF  }
0xa7: {  	s28 =	simm.s32 $_size_execute0_lowered;
	s3 =	sadd.s32 s3, s5;
	[dreg:$0x0] =	wrdreg $0x0  }
0xa8: {  	s5 =	sshll.u32 s28, $0x1;
	[dreg:$0x2] =	wrdreg s3  }
0xa9: {  	[dreg:$0x3] =	wrdreg s5  }
0xaa: {  	[dreg:$0x4] =	wrdreg $0xC0  }
0xab: {  	_ =	task [dreg:s7], $0x5FFFF  }
0xac: {  	[dreg:$0x1] =	wrdreg $0xFFFFFFFF  }
0xad: {  	[dreg:$0x0] =	wrdreg $0x60  }
0xae: {  	[dreg:$0x2] =	wrdreg s2  }
0xaf: {  	[dreg:$0x3] =	wrdreg s24  }
0xb0: {  	[dreg:$0x4] =	wrdreg $0x0  }
0xb1: {  	[dreg:$0x5] =	wrdreg $0x9  }
0xb2: {  	_ =	task.clear_ibuf [dreg:s7], $0x6FFFF;
	_ =	strace $0x90000046  }
0xb3: {  	s29 =	simm.s32 $0x9;
	_ =	strace $0x80000048  }
0xb4: {  	_ =	swait.ge [sflag:s29], $0x1  }
0xb5: {  	[sflag:s29] =	ssyncadd.s32 $0xFFFFFFFF  }
0xb6: {  	_ =	strace $0x90000048  }
0xb7: {  	_ =	sfence  }
0xb8: {  	s30 =	sld [smem:$0x0];
	_ =	sdelay $0x2  }
0xb9: {  	s31 =	sshll.u32 s1, $0xD;
	s1 =	sshrl.u32 s1, $0x2  }
0xba: {  	s3 =	sand.u32 $0x4000, s31;
	s1 =	sadd.s32 s1, s30  }
0xbb: {  	s0 =	sor.u32 s3, s0;
	s1 =	sshll.u32 s1, $0x11  }
0xbc: {  	s0 =	sor.u32 s1, s0  }
0xbd: {  	s0 =	sadd.s32 $0x8F2B, s0  }
0xbe: {  	[sflag:s0] =	ssyncadd.remote.s32 $0x1  }
0xbf: {  	_ =	sfence.sel $0xFFFF  }
0xc0: {  	[dreg:$0x0] =	wrdreg $0xFFFFFFFF;
	(pc) =	sbr.abs _section_cstart, $3  }
0xc1: {  	[dreg:$0x1] =	wrdreg $0xFFFFFFFF  }
0xc2: {  	_ =	task.clear_ibuf [dreg:s7], $0x2FFFF;
	_ =	strace $0x9FFFFFFF  }
0xc3: {  	(tm) =	ssettm $0x7FFFFFFF  }
tec
execute0_lowered:
.L_overlay_start_1:
0x0: {  	(tag) =	ssettag $0x1  }
0x1: {  	s6 =	rddreg [dreg:$0x0]  }
0x2: {  	s7 =	rddreg [dreg:$0x1]  }
0x3: {  	s2 =	rddreg [dreg:$0x2]  }
0x4: {  	s0 =	rddreg [dreg:$0x3];
	s3 =	simm.s32 $0x0;
	s4 =	srdreg.scid  }
0x5: {  	s1 =	stileid.u32;
	s13 =	simm.s32 $0x8500;
	s14 =	simm.s32 $0x50  }
0x6: {  	s15 =	simm.s32 $0x20;
	s16 =	simm.s32 $0x10;
	s17 =	simm.s32 $0x0  }
0x7: {  	[smem:$0x7FF] =	sst s3;
	s8 =	sand.u32 $0x1, s4;
	s5 =	smul.u32 $0xA00, s1  }
0x8: {  	s4 =	sadd.s32 $0x2600, s7;
	s10 =	smul.u32 $0x1400, s1;
	s31 =	sshll.u32 s1, $0xC  }
0x9: {  	s12 =	sshll.u32 s1, $0x6;
	_ =	strace $0x80000047;
	s9 =	sshll.u32 s8, $0x7  }
0xa: {  	s11 =	ssub.s32 $0x2, s8;
	s8 =	sshll.u32 s8, $0x10;
	s9 =	sor.u32 s9, s5  }
0xb: {  	s5 =	sadd.s32 $0x2800, s7;
	s30 =	sshrl.u32 s11, $0x1;
	s10 =	sshrl.u32 s10, $0x2  }
0xc: {  	s9 =	sshrl.u32 s9, $0x3;
	s11 =	ssub.s32 s11, s30;
	s10 =	sadd.s32 s10, s2  }
0xd: {  	s9 =	sadd.s32 s9, s7;
	s7 =	sadd.s32 s6, s31;
	s6 =	sor.u32 $0x1C01, s12  }
0xe: {  	s10 =	sshrl.u32 s10, $0x3;
	s12 =	simm.s32 $0x500;
	s7 =	sadd.s32 s8, s7  }
0xf: {  	s8 =	sadd.s32 $0x2A00, s9;
	s9 =	smax.u32 s11, $0x1;
	s11 =	simm.s32 $0x1  }
.LBB2_1:
0x10: {  	[spmem:s10], [sflag:s6] =	dma.local [hbm:s5], $0xA0  }
0x11: {  	_ =	swait.ge [sflag:s11], $0xA0  }
0x12: {  	[sflag:s11] =	ssyncset.done $0x0  }
0x13: {  	[sflag:s11] =	ssyncadd.s32 $0xFFFFFF60  }
0x14: {  	[tilespmem:s12], [sflag:$0x1] =	stream.linear.gather [hbm4b:s7+s3], $0x7D00, $0x38;
	[tilespmem:$0x8580] =	vst v63  }
0x15: {  	_ =	swait.ge [sflag:s11], $0x7D00  }
0x16: {  	[sflag:s11] =	ssyncset.done $0x0  }
0x17: {  	[sflag:s11] =	ssyncadd.s32 $0xFFFF8300  }
0x18: {  	[tilespmem:s13], [sflag:$0x1] =	stream.linear.gather [hbm4b:s4+s3], $0x80, $0x38;
	[tilespmem:$0x8580] =	vst v63  }
0x19: {  	_ =	swait.ge [sflag:s11], $0x80  }
0x1a: {  	[sflag:s11] =	ssyncset.done $0x0  }
0x1b: {  	[sflag:s11] =	ssyncadd.s32 $0xFFFFFF80  }
0x1c: {  	s18 =	simm.s32 $0x500;
	[bflag:$0x0] =	sbarrier.arrive $0xFFFF  }
0x1d: {  	[spmem:s2] =	stream.indirect.scatter.add.f32 [tilespmem:s13], [sflag:$0x1], $0x1, s18, s14, $0xb8;
	[tilespmem:$0x8580] =	vst v63  }
0x1e: {  	s18 =	simm.s32 $0x200;
	_ =	swait.ge [sflag:s11], $0x50  }
.LBB2_2:
0x1f: {  	s19 =	sshra.s32 s18, $0x2;
	[sflag:s11] =	ssyncset.done $0x0;
	p0 =	sne.s32 s18, $0x1F200  }
.Ltmp0:
0x20: {  	s19 =	sadd.s32 $0x500, s19;
	[sflag:s11] =	ssyncadd.s32 $0xFFFFFFB0;
	(pc) =	sbr.rel @p0 .LBB2_2-.Ltmp0, $3  }
0x21: {  	[spmem:s2] =	stream.indirect.scatter.add.f32 [tilespmem:s13], [sflag:$0x1], $0x1, s19, s14, $0xb8;
	[tilespmem:$0x8580] =	vst v63  }
0x22: {  	s18 =	sadd.s32 $0x200, s18;
	_ =	sdelay $0x1  }
0x23: {  	_ =	swait.ge [sflag:s11], $0x50  }
0x24: {  	[sflag:s11] =	ssyncset.done $0x0;
	s17 =	sadd.s32 $0x1, s17  }
0x25: {  	[sflag:s11] =	ssyncadd.s32 $0xFFFFFFB0;
	p0 =	sne.s32 s17, s9  }
.Ltmp1:
0x26: {  	[bflag:$0x0] =	sbarrier.arrive $0xFFFF;
	(pc) =	sbr.rel @p0 .LBB2_1-.Ltmp1, $4  }
0x27: {  	[hbm:s8@s15], [sflag:s6] =	dma.strided [spmem:s10@s16], $0xA0, s11, $0x10   }
0x28: {  	_ =	swait.ge [sflag:s11], $0xA0  }
0x29: {  	[sflag:s11] =	ssyncset.done $0x0  }
0x2a: {  	[sflag:s11] =	ssyncadd.s32 $0xFFFFFF60  }
0x2b: {  	_ =	sfence.sel $0x180000  }
0x2c: {  	[bflag:$0x0] =	sbarrier.arrive $0xFFFF  }
0x2d: {  	p0 =	sne.s32 s1, $0x0;
	_ =	strace $0x90000047  }
0x2e: {  	s0 =	sadd.s32 @!p0 $0x100000, s0;
	[bflag:$0x2] =	sbarrier.arrive $0xFFFF  }
0x2f: {  	[sflag:s0] =	ssyncadd.tile.s32 @!p0 $0x1;
	_ =	shalt  }
.Lfunc_end2:
_tile_overlayer_lowered:
.L_overlay_start_2:
0x30: {  	(tag) =	ssettag $0x2  }
0x31: {  	s0 =	rddreg [dreg:$0x0];
	s2 =	stileid.u32  }
0x32: {  	s1 =	rddreg [dreg:$0x1];
	p0 =	sne.s32 s2, $0x0  }
0x33: {  	s3 =	rddreg [dreg:$0x2];
	[bflag:$0x3] =	sbarrier.arrive $0xFFFF;
	s2 =	simm.s32 @!p0 $0x1C01  }
0x34: {  	[timem:s3], [sflag:s2] =	dma.local @!p0 [hbm:s0], s1  }
0x35: {  	s0 =	simm.s32 @!p0 $0x1  }
0x36: {  	_ =	swait.ge @!p0 [sflag:s0], s1  }
0x37: {  	s1 =	ssub.s32 @!p0 $0x0, s1;
	[sflag:s0] =	ssyncset.done @!p0 $0x0  }
0x38: {  	[sflag:s0] =	ssyncadd.s32 @!p0 s1  }
0x39: {  	[bflag:$0x3] =	sbarrier.arrive $0xFFFF  }
0x3a: {  	_ =	shalt  }

// kernel: kernel.13.cloned.1.call-start
scs
__scs_entry_jumppad:
0x0: {  	(pc) =	sbr.rel $0x88, $3  }
0x1: {  	(tag) =	ssettag $0x0;
	lr =	simm.s32 $0x1  }
0x2: {  	[smem:$0x3F99] =	sst lr;
	_ =	strace $0xD0000000  }
0x3: {  	_ = 	snop  }
0x4: {  	_ = 	snop  }
0x5: {  	_ = 	snop  }
0x6: {  	_ = 	snop  }
0x7: {  	_ = 	snop  }
__scs_overlays_trampoline_lowered:
0x8: {  	[smem:$0x3FA8] =	sst s0  }
0x9: {  	[smem:$0x3FA9] =	sst s1  }
0xa: {  	[smem:$0x3FAA] =	sst s2  }
0xb: {  	[smem:$0x3FAB] =	sst s3  }
0xc: {  	[smem:$0x3FAC] =	sst s4  }
0xd: {  	[smem:$0x3FAD] =	sst s5  }
0xe: {  	[smem:$0x3FAE] =	sst s6  }
0xf: {  	[smem:$0x3FAF] =	sst s7  }
0x10: {  	[smem:$0x3FB0] =	sst s8  }
0x11: {  	[smem:$0x3FB1] =	sst s9;
	s0 =	simm.s32 @!p0 $0x0  }
0x12: {  	s1 =	sld [smem:$0x3F97];
	s0 =	simm.s32 @p0 $0x1  }
0x13: {  	[smem:$0x3FB2] =	sst s0;
	s0 =	simm.s32 @!p1 $0x0  }
0x14: {  	s2 =	sld [smem:$0x3F96];
	s0 =	simm.s32 @p1 $0x1  }
0x15: {  	[smem:$0x3FB3] =	sst s0;
	s0 =	simm.s32 @!p2 $0x0  }
0x16: {  	s3 =	sld [smem:$0x3FDB];
	s0 =	simm.s32 @p2 $0x1  }
0x17: {  	s4 =	simm.s32 $0x1BF5;
	[smem:$0x3FB5] =	sst s0  }
0x18: {  	s0 =	sld [smem:$0x3F98];
	_ =	swait.ge [sflag:s4], $0x0  }
0x19: {  	s7 =	sld [smem:$0x3F99]  }
0x1a: {  	s8 =	sadd.s32 $0xFFFFE003, lr  }
0x1b: {  	s9 =	sadd.s32 $0xFFFFFEF7, lr;
	s5 =	simm.s32 $0xFFFFFFFF;
	p2 =	slt.u32 s8, $0xFFFFF086  }
0x1c: {  	p1 =	slt.u32 s9, $0xF7A;
	s5 =	simm.s32 @!p2 $0x0  }
0x1d: {  	s5 =	simm.s32 @p1 $0x1;
	p0 =	seq.s32 s7, s2  }
0x1e: {  	s7 =	smul.u32 @!p0 $0xF7A, s2;
	p2 =	seq.s32 @!p0 s5, $0x0  }
0x1f: {  	s9 =	smul.u32 $0xF7A, s1;
	s8 =	simm.s32 @!p0 $0x1BF5;
	p2 =	por !p2, p0  }
0x20: {  	[sflag:s8] =	ssyncset.s32 @!p0 $0xFFFFF086;
	s6 =	sadd.s32 @!p0 s3, s7;
	s7 =	simm.s32 @!p0 $0x108  }
0x21: {  	s3 =	sadd.s32 s3, s9;
	s6 =	sadd.s32 @!p0 $0x88, s6;
	s7 =	simm.s32 @p2 $0x1082  }
0x22: {  	[simem:s7], [sflag:s8] =	dma.local @!p0 [hbm:s6], $0xF7A  }
0x23: {  	s9 =	sor.u32 $0xD0000000, s2;
	s6 =	simm.s32 $0x108;
	_ =	swait.ge @!p0 [sflag:s8], $0x0  }
0x24: {  	s3 =	sadd.s32 $0x88, s3;
	s6 =	simm.s32 @!p1 $0x1082;
	[sflag:s4] =	ssyncset.s32 $0xFFFFF086  }
0x25: {  	[simem:s6], [sflag:s4] =	dma.local [hbm:s3], $0xF7A  }
0x26: {  	[smem:$0x3F99] =	sst s1;
	(tag) =	ssettag s2;
	_ =	strace s9  }
0x27: {  	s1 =	sld [smem:$0x3FA9]  }
0x28: {  	s2 =	sld [smem:$0x3FAA]  }
0x29: {  	s4 =	sld [smem:$0x3FAC]  }
0x2a: {  	p0 =	seq.s32 s5, $0x0;
	s5 =	sld [smem:$0x3FAD]  }
0x2b: {  	s6 =	sld [smem:$0x3FAE]  }
0x2c: {  	s7 =	sld [smem:$0x3FAF]  }
0x2d: {  	s3 =	simm.s32 $0x108;
	s8 =	sld [smem:$0x3FB0]  }
0x2e: {  	s3 =	simm.s32 @!p0 $0x1082;
	s9 =	sld [smem:$0x3FB1]  }
0x2f: {  	lr =	sadd.s32 s0, s3;
	s0 =	sld [smem:$0x3FA8]  }
0x30: {  	s3 =	sld [smem:$0x3FAB]  }
0x31: {  	[smem:$0x3FB4] =	sst s10  }
0x32: {  	s10 =	sld [smem:$0x3FB2];
	_ =	sdelay $0x3  }
0x33: {  	p0 =	seq.s32 s10, $0x1;
	s10 =	sld [smem:$0x3FB4];
	_ =	sdelay $0x3  }
0x34: {  	[smem:$0x3FB4] =	sst s10  }
0x35: {  	s10 =	sld [smem:$0x3FB3];
	_ =	sdelay $0x3  }
0x36: {  	p1 =	seq.s32 s10, $0x1;
	s10 =	sld [smem:$0x3FB4];
	_ =	sdelay $0x3  }
0x37: {  	[smem:$0x3FB4] =	sst s10  }
0x38: {  	s10 =	sld [smem:$0x3FB5]  }
0x39: {  	_ = 	snop;
	(pc) =	sbr.ind lr, $3  }
0x3a: {  	_ = 	snop  }
0x3b: {  	_ = 	snop  }
0x3c: {  	p2 =	seq.s32 s10, $0x1;
	s10 =	sld [smem:$0x3FB4]  }
0x3d: {  	_ =	shalt  }
0x3e: {  	_ =	shalt  }
0x3f: {  	_ =	shalt  }
0x40: {  	_ =	shalt  }
0x41: {  	_ =	shalt  }
0x42: {  	_ =	shalt  }
0x43: {  	_ =	shalt  }
0x44: {  	_ =	shalt  }
0x45: {  	_ =	shalt  }
0x46: {  	_ =	shalt  }
0x47: {  	_ =	shalt  }
0x48: {  	_ =	shalt  }
0x49: {  	_ =	shalt  }
0x4a: {  	_ =	shalt  }
0x4b: {  	_ =	shalt  }
0x4c: {  	_ =	shalt  }
0x4d: {  	_ =	shalt  }
0x4e: {  	_ =	shalt  }
0x4f: {  	_ =	shalt  }
0x50: {  	_ =	shalt  }
0x51: {  	_ =	shalt  }
0x52: {  	_ =	shalt  }
0x53: {  	_ =	shalt  }
0x54: {  	_ =	shalt  }
0x55: {  	_ =	shalt  }
0x56: {  	_ =	shalt  }
0x57: {  	_ =	shalt  }
0x58: {  	_ =	shalt  }
0x59: {  	_ =	shalt  }
0x5a: {  	_ =	shalt  }
0x5b: {  	_ =	shalt  }
0x5c: {  	_ =	shalt  }
0x5d: {  	_ =	shalt  }
0x5e: {  	_ =	shalt  }
0x5f: {  	_ =	shalt  }
0x60: {  	_ =	shalt  }
0x61: {  	_ =	shalt  }
0x62: {  	_ =	shalt  }
0x63: {  	_ =	shalt  }
0x64: {  	_ =	shalt  }
0x65: {  	_ =	shalt  }
0x66: {  	_ =	shalt  }
0x67: {  	_ =	shalt  }
0x68: {  	_ =	shalt  }
0x69: {  	_ =	shalt  }
0x6a: {  	_ =	shalt  }
0x6b: {  	_ =	shalt  }
0x6c: {  	_ =	shalt  }
0x6d: {  	_ =	shalt  }
0x6e: {  	_ =	shalt  }
0x6f: {  	_ =	shalt  }
0x70: {  	_ =	shalt  }
0x71: {  	_ =	shalt  }
0x72: {  	_ =	shalt  }
0x73: {  	_ =	shalt  }
0x74: {  	_ =	shalt  }
0x75: {  	_ =	shalt  }
0x76: {  	_ =	shalt  }
0x77: {  	_ =	shalt  }
0x78: {  	_ =	shalt  }
0x79: {  	_ =	shalt  }
0x7a: {  	_ =	shalt  }
0x7b: {  	_ =	shalt  }
0x7c: {  	_ =	shalt  }
0x7d: {  	_ =	shalt  }
0x7e: {  	_ =	shalt  }
0x7f: {  	_ =	shalt  }
0x80: {  	_ =	shalt  }
0x81: {  	_ =	shalt  }
0x82: {  	_ =	shalt  }
0x83: {  	_ =	shalt  }
0x84: {  	_ =	shalt  }
0x85: {  	_ =	shalt  }
0x86: {  	_ =	shalt  }
0x87: {  	_ =	shalt  }
.Lfunc_end0:
.L_simem_size_0:
called_computation.1_lowered:
.L_overlay_start_0:
0x88: {  	s2 =	sld [smem:$0x3FD9]  }
0x89: {  	s3 =	sld [smem:$0x3FFE];
	_ =	sdelay $0x1  }
0x8a: {  	s1 =	srdreg.scid  }
0x8b: {  	s0 =	sand.u32 $0x1, s1  }
0x8c: {  	s17 =	sshll.u32 s0, $0xA;
	s2 =	sadd.s32 s3, s2  }
0x8d: {  	s2 =	sadd.s32 s2, s17  }
0x8e: {  	[smem:$0x3FC0] =	sst s2  }
0x8f: {  	_ = 	snop  }
0x90: {  	s2 =	sld [smem:$0x3FD0];
	(tm) =	ssettm $0x1  }
0x91: {  	s18 =	sld [smem:$0x3FFB];
	_ =	sdelay $0x3  }
0x92: {  	_ =	strace s18  }
0x93: {  	s3 =	sld [smem:$0x3FFC];
	_ =	sdelay $0x3  }
0x94: {  	_ =	strace s3  }
0x95: {  	s3 =	sld [smem:$0x3FFD];
	_ =	sdelay $0x3  }
0x96: {  	_ =	strace s3  }
0x97: {  	_ =	strace $0x8FFFFFFF  }
0x98: {  	s19 =	sld [smem:$0x3FDB];
	_ =	sdelay $0x1  }
0x99: {  	s4 =	simm.s32 $_scs_section_size  }
0x9a: {  	s5 =	simm.s32 $_size__tile_overlayer_lowered;
	s6 =	simm.s32 $_tile_overlayer_lowered  }
0x9b: {  	s22 =	simm.s32 $0x1BFF;
	s21 =	sshll.u32 s6, $0x1;
	s3 =	sadd.s32 s4, s19  }
0x9c: {  	s7 =	simm.s32 $0x0;
	s20 =	sshll.u32 s5, $0x1;
	s5 =	sadd.s32 s21, s3  }
0x9d: {  	[timem:s7], [sflag:s22] =	dma.local [hbm:s5], s20  }
0x9e: {  	_ =	swait.ge [sflag:s22], s20  }
0x9f: {  	s4 =	ssub.s32 $0x0, s20;
	[sflag:s22] =	ssyncset.done $0x0  }
0xa0: {  	[sflag:s22] =	ssyncadd.s32 s4;
	_ =	sdelay $0x1  }
0xa1: {  	s23 =	simm.s32 $0x1B8B  }
0xa2: {  	_ =	swait.ge [sflag:s23], $0x1  }
0xa3: {  	[sflag:s23] =	ssyncset.done $0x0  }
0xa4: {  	s25 =	simm.s32 $0x1B8E;
	s24 =	sld [smem:$0x3FFE];
	[sflag:s23] =	ssyncadd.s32 $0xFFFFFFFF  }
0xa5: {  	s26 =	simm.s32 $execute0_lowered;
	[smem:$0x3FD2] =	sst s25  }
0xa6: {  	s5 =	sshll.u32 s26, $0x1;
	_ =	strace $0x80000049;
	[dreg:$0x1] =	wrdreg $0xFFFFFFFF  }
0xa7: {  	s28 =	simm.s32 $_size_execute0_lowered;
	s3 =	sadd.s32 s3, s5;
	[dreg:$0x0] =	wrdreg $0x0  }
0xa8: {  	s5 =	sshll.u32 s28, $0x1;
	[dreg:$0x2] =	wrdreg s3  }
0xa9: {  	[dreg:$0x3] =	wrdreg s5  }
0xaa: {  	[dreg:$0x4] =	wrdreg $0xC0  }
0xab: {  	_ =	task [dreg:s7], $0x5FFFF  }
0xac: {  	[dreg:$0x1] =	wrdreg $0xFFFFFFFF  }
0xad: {  	[dreg:$0x0] =	wrdreg $0x60  }
0xae: {  	[dreg:$0x2] =	wrdreg s24  }
0xaf: {  	[dreg:$0x3] =	wrdreg s2  }
0xb0: {  	[dreg:$0x4] =	wrdreg $0x0  }
0xb1: {  	[dreg:$0x5] =	wrdreg $0x9  }
0xb2: {  	_ =	task.clear_ibuf [dreg:s7], $0x6FFFF;
	_ =	strace $0x90000049  }
0xb3: {  	s29 =	simm.s32 $0x9;
	_ =	strace $0x8000004B  }
0xb4: {  	_ =	swait.ge [sflag:s29], $0x1  }
0xb5: {  	[sflag:s29] =	ssyncadd.s32 $0xFFFFFFFF  }
0xb6: {  	_ =	strace $0x9000004B  }
0xb7: {  	_ =	sfence  }
0xb8: {  	s30 =	sld [smem:$0x0];
	_ =	sdelay $0x2  }
0xb9: {  	s31 =	sshll.u32 s1, $0xD;
	s1 =	sshrl.u32 s1, $0x2  }
0xba: {  	s3 =	sand.u32 $0x4000, s31;
	s1 =	sadd.s32 s1, s30  }
0xbb: {  	s0 =	sor.u32 s3, s0;
	s1 =	sshll.u32 s1, $0x11  }
0xbc: {  	s0 =	sor.u32 s1, s0  }
0xbd: {  	s0 =	sadd.s32 $0x8F2B, s0  }
0xbe: {  	[sflag:s0] =	ssyncadd.remote.s32 $0x1  }
0xbf: {  	_ =	sfence.sel $0xFFFF  }
0xc0: {  	[dreg:$0x0] =	wrdreg $0xFFFFFFFF;
	(pc) =	sbr.abs _section_cstart, $3  }
0xc1: {  	[dreg:$0x1] =	wrdreg $0xFFFFFFFF  }
0xc2: {  	_ =	task.clear_ibuf [dreg:s7], $0x2FFFF;
	_ =	strace $0x9FFFFFFF  }
0xc3: {  	(tm) =	ssettm $0x7FFFFFFF  }
tec
execute0_lowered:
.L_overlay_start_1:
0x0: {  	(tag) =	ssettag $0x1  }
0x1: {  	s0 =	rddreg [dreg:$0x0]  }
0x2: {  	s2 =	rddreg [dreg:$0x2]  }
0x3: {  	s1 =	srdreg.scid;
	s4 =	simm.s32 $0x0;
	s10 =	stileid.u32  }
0x4: {  	s13 =	simm.s32 $0x7;
	s17 =	simm.s32 $0x14400;
	s18 =	simm.s32 $0x80  }
0x5: {  	s29 =	simm.s32 $0x4;
	s14 =	simm.s32 $0x6;
	s16 =	simm.s32 $0x14580  }
0x6: {  	s28 =	simm.s32 $0x14980;
	s30 =	simm.s32 $0x14600;
	s31 =	simm.s32 $0x14680  }
0x7: {  	s11 =	simm.s32 $0x14B80;
	s15 =	simm.s32 $0x0;
	s19 =	smul.u32 $0x13C00, s10  }
0x8: {  	s1 =	sand.u32 $0x1, s1;
	[smem:$0x7FF] =	sst s4;
	s7 =	smul.u32 $0x4F000, s10  }
0x9: {  	s5 =	sadd.s32 $0x17E00, s0;
	s9 =	smul.u32 $0x5000, s10;
	s22 =	sshll.u32 s10, $0x6  }
0xa: {  	s3 =	smul.u32 $0x140000, s1;
	_ =	strace $0x8000004A;
	s6 =	sshll.u32 s1, $0x4  }
0xb: {  	s21 =	ssub.s32 $0x2, s1;
	s1 =	smul.u32 $0x50000, s1;
	s20 =	sor.u32 s10, s6  }
0xc: {  	s6 =	sadd.s32 $0x3E00, s0;
	s8 =	sshrl.u32 s21, $0x1;
	s7 =	sshrl.u32 s7, $0x2  }
0xd: {  	s10 =	simm.s32 $0x14B00;
	s3 =	sadd.s32 s19, s3;
	s4 =	smul.u32 $0x5000, s20  }
0xe: {  	s7 =	sadd.s32 s7, s2;
	s1 =	sadd.s32 s9, s1;
	s19 =	simm.s32 $0x14C00  }
0xf: {  	s9 =	simm.s32 $0x14780;
	s20 =	simm.s32 $0x0;
	s3 =	sshrl.u32 s3, $0x3  }
0x10: {  	s23 =	sadd.s32 $0x1800, s1;
	s26 =	sadd.s32 $0x1000, s1;
	s7 =	sshrl.u32 s7, $0x3  }
0x11: {  	s1 =	simm.s32 $0x14700;
	s0 =	sadd.s32 s3, s0;
	s3 =	ssub.s32 s21, s8  }
0x12: {  	s4 =	sshrl.u32 s4, $0x3;
	s8 =	sor.u32 $0x1C07, s22;
	s25 =	sshrl.u32 s23, $0x3  }
0x13: {  	[dreg:$0x9] =	wrdreg s26;
	s21 =	simm.s32 $0x18C00;
	s22 =	simm.s32 $0x1  }
0x14: {  	s26 =	simm.s32 $0x3;
	s23 =	simm.s32 $0x14500;
	[dreg:$0xa] =	wrdreg s7  }
.Ltmp0:
0x15: {  	s4 =	sadd.s32 s6, s4;
	[dreg:$0x5] =	wrdreg s8;
	(pc) =	sbr.rel .LBB2_1-.Ltmp0, $4  }
0x16: {  	s0 =	sadd.s32 $0x3FE00, s0;
	s24 =	smax.u32 s3, $0x1;
	[dreg:$0x4] =	wrdreg s4  }
0x17: {  	s12 =	sadd.s32 s25, s6;
	s25 =	simm.s32 $0x14900;
	[dreg:$0x7] =	wrdreg s0  }
0x18: {  	s3 =	simm.s32 $0x14A80;
	s4 =	sadd.s32 $0x100, s4;
	[dreg:$0x8] =	wrdreg s24  }
0x19: {  	s24 =	simm.s32 $0x2;
	s0 =	simm.s32 $0x14A00;
	[dreg:$0x6] =	wrdreg s4  }
.LBB2_4:
0x1a: {  	[bflag:$0x0] =	sbarrier.arrive $0xFFFF  }
0x1b: {  	s8 =	rddreg [dreg:$0x5]  }
0x1c: {  	s4 =	rddreg [dreg:$0x7]  }
0x1d: {  	s13 =	simm.s32 $0x7;
	s7 =	rddreg [dreg:$0xa]  }
0x1e: {  	[hbm:s4], [sflag:s8] =	dma.local [spmem:s7], $0x2780  }
0x1f: {  	_ =	swait.ge [sflag:s13], $0x2780  }
0x20: {  	s15 =	rddreg [dreg:$0xb]  }
0x21: {  	s4 =	rddreg [dreg:$0x8];
	s15 =	sadd.s32 $0x1, s15  }
0x22: {  	p0 =	sne.s32 s15, s4  }
.Ltmp1:
0x23: {  	_ = 	snop;
	(pc) =	sbr.rel @!p0 .LBB2_5-.Ltmp1, $3  }
0x24: {  	_ =	sdelay $0x1  }
0x25: {  	[sflag:s13] =	ssyncset.done $0x0  }
0x26: {  	[sflag:s13] =	ssyncadd.s32 $0xFFFFD880  }
.LBB2_1:
0x27: {  	[dreg:$0xb] =	wrdreg s15  }
0x28: {  	s4 =	rddreg [dreg:$0x1]  }
0x29: {  	[spmem:s7], [sflag:s8] =	dma.local [hbm:s4], $0x2780  }
0x2a: {  	_ =	swait.ge [sflag:s13], $0x2780  }
0x2b: {  	[sflag:s13] =	ssyncset.done $0x0  }
0x2c: {  	[sflag:s13] =	ssyncadd.s32 $0xFFFFD880  }
0x2d: {  	[bflag:$0x0] =	sbarrier.arrive $0xFFFF  }
0x2e: {  	s15 =	simm.s32 $0x13C00;
	s4 =	simm.s32 $0x0;
	s8 =	rddreg [dreg:$0x4]  }
0x2f: {  	[tilespmem:s15], [sflag:$0x7] =	stream.linear.gather [hbm4b:s8+s4], $0x800, $0x38;
	[tilespmem:$0x1CC00] =	vst v63  }
0x30: {  	_ =	swait.ge [sflag:s13], $0x800  }
0x31: {  	[sflag:s13] =	ssyncset.done $0x0;
	s15 =	rddreg [dreg:$0x6]  }
0x32: {  	s7 =	rddreg [dreg:$0x9];
	[sflag:s13] =	ssyncadd.s32 $0xFFFFF800;
	s13 =	simm.s32 $0x0  }
0x33: {  	[tilespmem:s17], [sflag:$0x6] =	stream.linear.gather [hbm4b:s15+s4], $0x800, $0x38;
	[tilespmem:$0x1CC00] =	vst v63  }
.LBB2_2:
0x34: {  	p0 =	seq.s32 s13, $0x0  }
0x35: {  	s8 =	simm.s32 @!p0 $0x5  }
0x36: {  	_ =	swait.ge @!p0 [sflag:s8], $0x800  }
0x37: {  	[sflag:s8] =	ssyncset.done @!p0 $0x0  }
0x38: {  	s4 =	simm.s32 $0x13C00;
	[sflag:s8] =	ssyncadd.s32 @!p0 $0xFFFFF800  }
0x39: {  	[tilespmem:s19], [sflag:$0x1] =	stream.indirect.gather [hbm4b:s5+s18], $0x80, s4, s18, $0xb8;
	[tilespmem:$0x1CC00] =	vst v63  }
0x3a: {  	s8 =	simm.s32 $0x13C80  }
0x3b: {  	[tilespmem:s21], [sflag:$0x2] =	stream.indirect.gather [hbm4b:s5+s18], $0x80, s8, s18, $0xb8;
	[tilespmem:$0x1CC00] =	vst v63  }
0x3c: {  	_ =	swait.ge [sflag:s22], $0x4000  }
0x3d: {  	[sflag:s22] =	ssyncset.done $0x0  }
0x3e: {  	s15 =	simm.s32 $0x14000;
	[sflag:s22] =	ssyncadd.s32 $0xFFFFC000  }
0x3f: {  	[spmem:s2] =	stream.indirect.scatter.add.f32 [tilespmem:s19], [sflag:$0x3], $0x80, s15, s18, $0xb8;
	[tilespmem:$0x1CC00] =	vst v63  }
0x40: {  	_ =	swait.ge [sflag:s24], $0x4000  }
0x41: {  	[sflag:s24] =	ssyncset.done $0x0  }
0x42: {  	s8 =	simm.s32 $0x14080;
	[sflag:s24] =	ssyncadd.s32 $0xFFFFC000  }
0x43: {  	[spmem:s2] =	stream.indirect.scatter.add.f32 [tilespmem:s21], [sflag:$0x4], $0x80, s8, s18, $0xb8;
	[tilespmem:$0x1CC00] =	vst v63  }
0x44: {  	_ =	swait.ge [sflag:s26], $0x4000  }
0x45: {  	[sflag:s26] =	ssyncset.done $0x0  }
0x46: {  	s15 =	simm.s32 $0x13D00;
	[sflag:s26] =	ssyncadd.s32 $0xFFFFC000  }
0x47: {  	[tilespmem:s19], [sflag:$0x1] =	stream.indirect.gather [hbm4b:s5+s18], $0x80, s15, s18, $0xb8;
	[tilespmem:$0x1CC00] =	vst v63  }
0x48: {  	_ =	swait.ge [sflag:s29], $0x4000  }
0x49: {  	[sflag:s29] =	ssyncset.done $0x0  }
0x4a: {  	s8 =	simm.s32 $0x13D80;
	[sflag:s29] =	ssyncadd.s32 $0xFFFFC000  }
0x4b: {  	[tilespmem:s21], [sflag:$0x2] =	stream.indirect.gather [hbm4b:s5+s18], $0x80, s8, s18, $0xb8;
	[tilespmem:$0x1CC00] =	vst v63  }
0x4c: {  	_ =	swait.ge [sflag:s22], $0x4000  }
0x4d: {  	[sflag:s22] =	ssyncset.done $0x0  }
0x4e: {  	s15 =	simm.s32 $0x14100;
	[sflag:s22] =	ssyncadd.s32 $0xFFFFC000  }
0x4f: {  	[spmem:s2] =	stream.indirect.scatter.add.f32 [tilespmem:s19], [sflag:$0x3], $0x80, s15, s18, $0xb8;
	[tilespmem:$0x1CC00] =	vst v63  }
0x50: {  	_ =	swait.ge [sflag:s24], $0x4000  }
0x51: {  	[sflag:s24] =	ssyncset.done $0x0  }
0x52: {  	s8 =	simm.s32 $0x14180;
	[sflag:s24] =	ssyncadd.s32 $0xFFFFC000  }
0x53: {  	[spmem:s2] =	stream.indirect.scatter.add.f32 [tilespmem:s21], [sflag:$0x4], $0x80, s8, s18, $0xb8;
	[tilespmem:$0x1CC00] =	vst v63  }
0x54: {  	_ =	swait.ge [sflag:s26], $0x4000  }
0x55: {  	[sflag:s26] =	ssyncset.done $0x0  }
0x56: {  	s15 =	simm.s32 $0x13E00;
	[sflag:s26] =	ssyncadd.s32 $0xFFFFC000  }
0x57: {  	[tilespmem:s19], [sflag:$0x1] =	stream.indirect.gather [hbm4b:s5+s18], $0x80, s15, s18, $0xb8;
	[tilespmem:$0x1CC00] =	vst v63  }
0x58: {  	_ =	swait.ge [sflag:s29], $0x4000  }
0x59: {  	[sflag:s29] =	ssyncset.done $0x0  }
0x5a: {  	s8 =	simm.s32 $0x13E80;
	[sflag:s29] =	ssyncadd.s32 $0xFFFFC000  }
0x5b: {  	[tilespmem:s21], [sflag:$0x2] =	stream.indirect.gather [hbm4b:s5+s18], $0x80, s8, s18, $0xb8;
	[tilespmem:$0x1CC00] =	vst v63  }
0x5c: {  	_ =	swait.ge [sflag:s22], $0x4000  }
0x5d: {  	[sflag:s22] =	ssyncset.done $0x0  }
0x5e: {  	s15 =	simm.s32 $0x14200;
	[sflag:s22] =	ssyncadd.s32 $0xFFFFC000  }
0x5f: {  	[spmem:s2] =	stream.indirect.scatter.add.f32 [tilespmem:s19], [sflag:$0x3], $0x80, s15, s18, $0xb8;
	[tilespmem:$0x1CC00] =	vst v63  }
0x60: {  	_ =	swait.ge [sflag:s24], $0x4000  }
0x61: {  	[sflag:s24] =	ssyncset.done $0x0  }
0x62: {  	s8 =	simm.s32 $0x14280;
	[sflag:s24] =	ssyncadd.s32 $0xFFFFC000  }
0x63: {  	[spmem:s2] =	stream.indirect.scatter.add.f32 [tilespmem:s21], [sflag:$0x4], $0x80, s8, s18, $0xb8;
	[tilespmem:$0x1CC00] =	vst v63  }
0x64: {  	_ =	swait.ge [sflag:s26], $0x4000  }
0x65: {  	[sflag:s26] =	ssyncset.done $0x0  }
0x66: {  	s15 =	simm.s32 $0x13F00;
	[sflag:s26] =	ssyncadd.s32 $0xFFFFC000  }
0x67: {  	[tilespmem:s19], [sflag:$0x1] =	stream.indirect.gather [hbm4b:s5+s18], $0x80, s15, s18, $0xb8;
	[tilespmem:$0x1CC00] =	vst v63  }
0x68: {  	_ =	swait.ge [sflag:s29], $0x4000  }
0x69: {  	[sflag:s29] =	ssyncset.done $0x0  }
0x6a: {  	s8 =	simm.s32 $0x13F80;
	[sflag:s29] =	ssyncadd.s32 $0xFFFFC000  }
0x6b: {  	[tilespmem:s21], [sflag:$0x2] =	stream.indirect.gather [hbm4b:s5+s18], $0x80, s8, s18, $0xb8;
	[tilespmem:$0x1CC00] =	vst v63  }
0x6c: {  	_ =	swait.ge [sflag:s22], $0x4000  }
0x6d: {  	[sflag:s22] =	ssyncset.done $0x0  }
0x6e: {  	s15 =	simm.s32 $0x14300;
	[sflag:s22] =	ssyncadd.s32 $0xFFFFC000  }
0x6f: {  	[spmem:s2] =	stream.indirect.scatter.add.f32 [tilespmem:s19], [sflag:$0x3], $0x80, s15, s18, $0xb8;
	[tilespmem:$0x1CC00] =	vst v63  }
0x70: {  	_ =	swait.ge [sflag:s24], $0x4000  }
0x71: {  	[sflag:s24] =	ssyncset.done $0x0  }
0x72: {  	s8 =	simm.s32 $0x14380;
	[sflag:s24] =	ssyncadd.s32 $0xFFFFC000  }
0x73: {  	[spmem:s2] =	stream.indirect.scatter.add.f32 [tilespmem:s21], [sflag:$0x4], $0x80, s8, s18, $0xb8;
	[tilespmem:$0x1CC00] =	vst v63  }
0x74: {  	_ =	swait.ge [sflag:s26], $0x4000  }
0x75: {  	[sflag:s26] =	ssyncset.done $0x0  }
0x76: {  	[sflag:s26] =	ssyncadd.s32 $0xFFFFC000  }
0x77: {  	p0 =	seq.s32 s13, $0x800;
	_ =	swait.ge [sflag:s29], $0x4000  }
0x78: {  	s4 =	simm.s32 @!p0 $0x13C00;
	s8 =	sshrl.u32 @!p0 s7, $0x3;
	[sflag:s29] =	ssyncset.done $0x0  }
0x79: {  	s15 =	simm.s32 @!p0 $0x0;
	s8 =	sadd.s32 @!p0 s6, s8;
	[sflag:s29] =	ssyncadd.s32 $0xFFFFC000  }
0x7a: {  	[tilespmem:s4], [sflag:$0x5] =	stream.linear.gather @!p0 [hbm4b:s8+s15], $0x800, $0x38;
	[tilespmem:$0x1CC00] =	vst v63  }
0x7b: {  	_ =	swait.ge [sflag:s14], $0x800  }
0x7c: {  	[sflag:s14] =	ssyncset.done $0x0  }
0x7d: {  	[sflag:s14] =	ssyncadd.s32 $0xFFFFF800  }
0x7e: {  	[tilespmem:s19], [sflag:$0x1] =	stream.indirect.gather [hbm4b:s5+s18], $0x80, s17, s18, $0xb8;
	[tilespmem:$0x1CC00] =	vst v63  }
0x7f: {  	s15 =	simm.s32 $0x14480  }
0x80: {  	[tilespmem:s21], [sflag:$0x2] =	stream.indirect.gather [hbm4b:s5+s18], $0x80, s15, s18, $0xb8;
	[tilespmem:$0x1CC00] =	vst v63  }
0x81: {  	_ =	swait.ge [sflag:s22], $0x4000  }
0x82: {  	[sflag:s22] =	ssyncset.done $0x0  }
0x83: {  	s8 =	simm.s32 $0x14800;
	[sflag:s22] =	ssyncadd.s32 $0xFFFFC000  }
0x84: {  	[spmem:s2] =	stream.indirect.scatter.add.f32 [tilespmem:s19], [sflag:$0x3], $0x80, s8, s18, $0xb8;
	[tilespmem:$0x1CC00] =	vst v63  }
0x85: {  	_ =	swait.ge [sflag:s24], $0x4000  }
0x86: {  	[sflag:s24] =	ssyncset.done $0x0  }
0x87: {  	s15 =	simm.s32 $0x14880;
	[sflag:s24] =	ssyncadd.s32 $0xFFFFC000  }
0x88: {  	[spmem:s2] =	stream.indirect.scatter.add.f32 [tilespmem:s21], [sflag:$0x4], $0x80, s15, s18, $0xb8;
	[tilespmem:$0x1CC00] =	vst v63  }
0x89: {  	_ =	swait.ge [sflag:s26], $0x4000  }
0x8a: {  	[sflag:s26] =	ssyncset.done $0x0  }
0x8b: {  	[sflag:s26] =	ssyncadd.s32 $0xFFFFC000  }
0x8c: {  	[tilespmem:s19], [sflag:$0x1] =	stream.indirect.gather [hbm4b:s5+s18], $0x80, s23, s18, $0xb8;
	[tilespmem:$0x1CC00] =	vst v63  }
0x8d: {  	_ =	swait.ge [sflag:s29], $0x4000  }
0x8e: {  	[sflag:s29] =	ssyncset.done $0x0  }
0x8f: {  	[sflag:s29] =	ssyncadd.s32 $0xFFFFC000  }
0x90: {  	[tilespmem:s21], [sflag:$0x2] =	stream.indirect.gather [hbm4b:s5+s18], $0x80, s16, s18, $0xb8;
	[tilespmem:$0x1CC00] =	vst v63  }
0x91: {  	_ =	swait.ge [sflag:s22], $0x4000  }
0x92: {  	[sflag:s22] =	ssyncset.done $0x0  }
0x93: {  	[sflag:s22] =	ssyncadd.s32 $0xFFFFC000  }
0x94: {  	[spmem:s2] =	stream.indirect.scatter.add.f32 [tilespmem:s19], [sflag:$0x3], $0x80, s25, s18, $0xb8;
	[tilespmem:$0x1CC00] =	vst v63  }
0x95: {  	_ =	swait.ge [sflag:s24], $0x4000  }
0x96: {  	[sflag:s24] =	ssyncset.done $0x0  }
0x97: {  	[sflag:s24] =	ssyncadd.s32 $0xFFFFC000  }
0x98: {  	[spmem:s2] =	stream.indirect.scatter.add.f32 [tilespmem:s21], [sflag:$0x4], $0x80, s28, s18, $0xb8;
	[tilespmem:$0x1CC00] =	vst v63  }
0x99: {  	_ =	swait.ge [sflag:s26], $0x4000  }
0x9a: {  	[sflag:s26] =	ssyncset.done $0x0  }
0x9b: {  	[sflag:s26] =	ssyncadd.s32 $0xFFFFC000  }
0x9c: {  	[tilespmem:s19], [sflag:$0x1] =	stream.indirect.gather [hbm4b:s5+s18], $0x80, s30, s18, $0xb8;
	[tilespmem:$0x1CC00] =	vst v63  }
0x9d: {  	_ =	swait.ge [sflag:s29], $0x4000  }
0x9e: {  	[sflag:s29] =	ssyncset.done $0x0  }
0x9f: {  	[sflag:s29] =	ssyncadd.s32 $0xFFFFC000  }
0xa0: {  	[tilespmem:s21], [sflag:$0x2] =	stream.indirect.gather [hbm4b:s5+s18], $0x80, s31, s18, $0xb8;
	[tilespmem:$0x1CC00] =	vst v63  }
0xa1: {  	_ =	swait.ge [sflag:s22], $0x4000  }
0xa2: {  	[sflag:s22] =	ssyncset.done $0x0  }
0xa3: {  	[sflag:s22] =	ssyncadd.s32 $0xFFFFC000  }
0xa4: {  	[spmem:s2] =	stream.indirect.scatter.add.f32 [tilespmem:s19], [sflag:$0x3], $0x80, s0, s18, $0xb8;
	[tilespmem:$0x1CC00] =	vst v63  }
0xa5: {  	_ =	swait.ge [sflag:s24], $0x4000  }
0xa6: {  	[sflag:s24] =	ssyncset.done $0x0  }
0xa7: {  	[sflag:s24] =	ssyncadd.s32 $0xFFFFC000  }
0xa8: {  	[spmem:s2] =	stream.indirect.scatter.add.f32 [tilespmem:s21], [sflag:$0x4], $0x80, s3, s18, $0xb8;
	[tilespmem:$0x1CC00] =	vst v63  }
0xa9: {  	_ =	swait.ge [sflag:s26], $0x4000  }
0xaa: {  	[sflag:s26] =	ssyncset.done $0x0  }
0xab: {  	[sflag:s26] =	ssyncadd.s32 $0xFFFFC000  }
0xac: {  	[tilespmem:s19], [sflag:$0x1] =	stream.indirect.gather [hbm4b:s5+s18], $0x80, s1, s18, $0xb8;
	[tilespmem:$0x1CC00] =	vst v63  }
0xad: {  	_ =	swait.ge [sflag:s29], $0x4000  }
0xae: {  	[sflag:s29] =	ssyncset.done $0x0  }
0xaf: {  	[sflag:s29] =	ssyncadd.s32 $0xFFFFC000  }
0xb0: {  	[tilespmem:s21], [sflag:$0x2] =	stream.indirect.gather [hbm4b:s5+s18], $0x80, s9, s18, $0xb8;
	[tilespmem:$0x1CC00] =	vst v63  }
0xb1: {  	_ =	swait.ge [sflag:s22], $0x4000  }
0xb2: {  	[sflag:s22] =	ssyncset.done $0x0  }
0xb3: {  	[sflag:s22] =	ssyncadd.s32 $0xFFFFC000  }
0xb4: {  	[spmem:s2] =	stream.indirect.scatter.add.f32 [tilespmem:s19], [sflag:$0x3], $0x80, s10, s18, $0xb8;
	[tilespmem:$0x1CC00] =	vst v63  }
0xb5: {  	_ =	swait.ge [sflag:s24], $0x4000  }
0xb6: {  	[sflag:s24] =	ssyncset.done $0x0  }
0xb7: {  	[sflag:s24] =	ssyncadd.s32 $0xFFFFC000  }
0xb8: {  	[spmem:s2] =	stream.indirect.scatter.add.f32 [tilespmem:s21], [sflag:$0x4], $0x80, s11, s18, $0xb8;
	[tilespmem:$0x1CC00] =	vst v63  }
0xb9: {  	_ =	swait.ge [sflag:s26], $0x4000  }
.Ltmp2:
0xba: {  	[sflag:s26] =	ssyncset.done $0x0;
	(pc) =	sbr.rel @p0 .LBB2_4-.Ltmp2, $4  }
0xbb: {  	[sflag:s26] =	ssyncadd.s32 $0xFFFFC000  }
0xbc: {  	_ =	swait.ge [sflag:s29], $0x4000  }
0xbd: {  	[sflag:s29] =	ssyncset.done $0x0  }
0xbe: {  	[sflag:s29] =	ssyncadd.s32 $0xFFFFC000  }
.Ltmp3:
0xbf: {  	(pc) =	sbr.rel .LBB2_2-.Ltmp3, $3  }
0xc0: {  	_ =	sdelay $0x1  }
0xc1: {  	s4 =	sadd.s32 s13, s12;
	s13 =	sadd.s32 $0x200, s13;
	s7 =	sadd.s32 $0x1000, s7  }
0xc2: {  	[tilespmem:s17], [sflag:$0x6] =	stream.linear.gather [hbm4b:s4+s20], $0x800, $0x38;
	[tilespmem:$0x1CC00] =	vst v63  }
.LBB2_5:
0xc3: {  	_ =	sfence.sel $0x180000  }
0xc4: {  	[bflag:$0x0] =	sbarrier.arrive $0xFFFF  }
0xc5: {  	_ =	strace $0x9000004A  }
0xc6: {  	s0 =	stileid.u32;
	[bflag:$0x2] =	sbarrier.arrive $0xFFFF  }
0xc7: {  	p0 =	sne.s32 s0, $0x0;
	s0 =	rddreg [dreg:$0x3]  }
0xc8: {  	s0 =	sadd.s32 @!p0 $0x100000, s0  }
0xc9: {  	[sflag:s0] =	ssyncadd.tile.s32 @!p0 $0x1;
	_ =	shalt  }
.Lfunc_end2:
_tile_overlayer_lowered:
.L_overlay_start_2:
0xca: {  	(tag) =	ssettag $0x2  }
0xcb: {  	s0 =	rddreg [dreg:$0x0];
	s2 =	stileid.u32  }
0xcc: {  	s1 =	rddreg [dreg:$0x1];
	p0 =	sne.s32 s2, $0x0  }
0xcd: {  	s3 =	rddreg [dreg:$0x2];
	[bflag:$0x3] =	sbarrier.arrive $0xFFFF;
	s2 =	simm.s32 @!p0 $0x1C07  }
0xce: {  	[timem:s3], [sflag:s2] =	dma.local @!p0 [hbm:s0], s1  }
0xcf: {  	s0 =	simm.s32 @!p0 $0x7  }
0xd0: {  	_ =	swait.ge @!p0 [sflag:s0], s1  }
0xd1: {  	s1 =	ssub.s32 @!p0 $0x0, s1;
	[sflag:s0] =	ssyncset.done @!p0 $0x0  }
0xd2: {  	[sflag:s0] =	ssyncadd.s32 @!p0 s1  }
0xd3: {  	[bflag:$0x3] =	sbarrier.arrive $0xFFFF  }
0xd4: {  	_ =	shalt  }

// kernel: kernel.16.cloned.1.call-start
scs
__scs_entry_jumppad:
0x0: {  	(pc) =	sbr.rel $0x88, $3  }
0x1: {  	(tag) =	ssettag $0x0;
	lr =	simm.s32 $0x1  }
0x2: {  	[smem:$0x3F99] =	sst lr;
	_ =	strace $0xD0000000  }
0x3: {  	_ = 	snop  }
0x4: {  	_ = 	snop  }
0x5: {  	_ = 	snop  }
0x6: {  	_ = 	snop  }
0x7: {  	_ = 	snop  }
__scs_overlays_trampoline_lowered:
0x8: {  	[smem:$0x3FA8] =	sst s0  }
0x9: {  	[smem:$0x3FA9] =	sst s1  }
0xa: {  	[smem:$0x3FAA] =	sst s2  }
0xb: {  	[smem:$0x3FAB] =	sst s3  }
0xc: {  	[smem:$0x3FAC] =	sst s4  }
0xd: {  	[smem:$0x3FAD] =	sst s5  }
0xe: {  	[smem:$0x3FAE] =	sst s6  }
0xf: {  	[smem:$0x3FAF] =	sst s7  }
0x10: {  	[smem:$0x3FB0] =	sst s8  }
0x11: {  	[smem:$0x3FB1] =	sst s9;
	s0 =	simm.s32 @!p0 $0x0  }
0x12: {  	s1 =	sld [smem:$0x3F97];
	s0 =	simm.s32 @p0 $0x1  }
0x13: {  	[smem:$0x3FB2] =	sst s0;
	s0 =	simm.s32 @!p1 $0x0  }
0x14: {  	s2 =	sld [smem:$0x3F96];
	s0 =	simm.s32 @p1 $0x1  }
0x15: {  	[smem:$0x3FB3] =	sst s0;
	s0 =	simm.s32 @!p2 $0x0  }
0x16: {  	s3 =	sld [smem:$0x3FDB];
	s0 =	simm.s32 @p2 $0x1  }
0x17: {  	s4 =	simm.s32 $0x1BF5;
	[smem:$0x3FB5] =	sst s0  }
0x18: {  	s0 =	sld [smem:$0x3F98];
	_ =	swait.ge [sflag:s4], $0x0  }
0x19: {  	s7 =	sld [smem:$0x3F99]  }
0x1a: {  	s8 =	sadd.s32 $0xFFFFE003, lr  }
0x1b: {  	s9 =	sadd.s32 $0xFFFFFEF7, lr;
	s5 =	simm.s32 $0xFFFFFFFF;
	p2 =	slt.u32 s8, $0xFFFFF086  }
0x1c: {  	p1 =	slt.u32 s9, $0xF7A;
	s5 =	simm.s32 @!p2 $0x0  }
0x1d: {  	s5 =	simm.s32 @p1 $0x1;
	p0 =	seq.s32 s7, s2  }
0x1e: {  	s7 =	smul.u32 @!p0 $0xF7A, s2;
	p2 =	seq.s32 @!p0 s5, $0x0  }
0x1f: {  	s9 =	smul.u32 $0xF7A, s1;
	s8 =	simm.s32 @!p0 $0x1BF5;
	p2 =	por !p2, p0  }
0x20: {  	[sflag:s8] =	ssyncset.s32 @!p0 $0xFFFFF086;
	s6 =	sadd.s32 @!p0 s3, s7;
	s7 =	simm.s32 @!p0 $0x108  }
0x21: {  	s3 =	sadd.s32 s3, s9;
	s6 =	sadd.s32 @!p0 $0x88, s6;
	s7 =	simm.s32 @p2 $0x1082  }
0x22: {  	[simem:s7], [sflag:s8] =	dma.local @!p0 [hbm:s6], $0xF7A  }
0x23: {  	s9 =	sor.u32 $0xD0000000, s2;
	s6 =	simm.s32 $0x108;
	_ =	swait.ge @!p0 [sflag:s8], $0x0  }
0x24: {  	s3 =	sadd.s32 $0x88, s3;
	s6 =	simm.s32 @!p1 $0x1082;
	[sflag:s4] =	ssyncset.s32 $0xFFFFF086  }
0x25: {  	[simem:s6], [sflag:s4] =	dma.local [hbm:s3], $0xF7A  }
0x26: {  	[smem:$0x3F99] =	sst s1;
	(tag) =	ssettag s2;
	_ =	strace s9  }
0x27: {  	s1 =	sld [smem:$0x3FA9]  }
0x28: {  	s2 =	sld [smem:$0x3FAA]  }
0x29: {  	s4 =	sld [smem:$0x3FAC]  }
0x2a: {  	p0 =	seq.s32 s5, $0x0;
	s5 =	sld [smem:$0x3FAD]  }
0x2b: {  	s6 =	sld [smem:$0x3FAE]  }
0x2c: {  	s7 =	sld [smem:$0x3FAF]  }
0x2d: {  	s3 =	simm.s32 $0x108;
	s8 =	sld [smem:$0x3FB0]  }
0x2e: {  	s3 =	simm.s32 @!p0 $0x1082;
	s9 =	sld [smem:$0x3FB1]  }
0x2f: {  	lr =	sadd.s32 s0, s3;
	s0 =	sld [smem:$0x3FA8]  }
0x30: {  	s3 =	sld [smem:$0x3FAB]  }
0x31: {  	[smem:$0x3FB4] =	sst s10  }
0x32: {  	s10 =	sld [smem:$0x3FB2];
	_ =	sdelay $0x3  }
0x33: {  	p0 =	seq.s32 s10, $0x1;
	s10 =	sld [smem:$0x3FB4];
	_ =	sdelay $0x3  }
0x34: {  	[smem:$0x3FB4] =	sst s10  }
0x35: {  	s10 =	sld [smem:$0x3FB3];
	_ =	sdelay $0x3  }
0x36: {  	p1 =	seq.s32 s10, $0x1;
	s10 =	sld [smem:$0x3FB4];
	_ =	sdelay $0x3  }
0x37: {  	[smem:$0x3FB4] =	sst s10  }
0x38: {  	s10 =	sld [smem:$0x3FB5]  }
0x39: {  	_ = 	snop;
	(pc) =	sbr.ind lr, $3  }
0x3a: {  	_ = 	snop  }
0x3b: {  	_ = 	snop  }
0x3c: {  	p2 =	seq.s32 s10, $0x1;
	s10 =	sld [smem:$0x3FB4]  }
0x3d: {  	_ =	shalt  }
0x3e: {  	_ =	shalt  }
0x3f: {  	_ =	shalt  }
0x40: {  	_ =	shalt  }
0x41: {  	_ =	shalt  }
0x42: {  	_ =	shalt  }
0x43: {  	_ =	shalt  }
0x44: {  	_ =	shalt  }
0x45: {  	_ =	shalt  }
0x46: {  	_ =	shalt  }
0x47: {  	_ =	shalt  }
0x48: {  	_ =	shalt  }
0x49: {  	_ =	shalt  }
0x4a: {  	_ =	shalt  }
0x4b: {  	_ =	shalt  }
0x4c: {  	_ =	shalt  }
0x4d: {  	_ =	shalt  }
0x4e: {  	_ =	shalt  }
0x4f: {  	_ =	shalt  }
0x50: {  	_ =	shalt  }
0x51: {  	_ =	shalt  }
0x52: {  	_ =	shalt  }
0x53: {  	_ =	shalt  }
0x54: {  	_ =	shalt  }
0x55: {  	_ =	shalt  }
0x56: {  	_ =	shalt  }
0x57: {  	_ =	shalt  }
0x58: {  	_ =	shalt  }
0x59: {  	_ =	shalt  }
0x5a: {  	_ =	shalt  }
0x5b: {  	_ =	shalt  }
0x5c: {  	_ =	shalt  }
0x5d: {  	_ =	shalt  }
0x5e: {  	_ =	shalt  }
0x5f: {  	_ =	shalt  }
0x60: {  	_ =	shalt  }
0x61: {  	_ =	shalt  }
0x62: {  	_ =	shalt  }
0x63: {  	_ =	shalt  }
0x64: {  	_ =	shalt  }
0x65: {  	_ =	shalt  }
0x66: {  	_ =	shalt  }
0x67: {  	_ =	shalt  }
0x68: {  	_ =	shalt  }
0x69: {  	_ =	shalt  }
0x6a: {  	_ =	shalt  }
0x6b: {  	_ =	shalt  }
0x6c: {  	_ =	shalt  }
0x6d: {  	_ =	shalt  }
0x6e: {  	_ =	shalt  }
0x6f: {  	_ =	shalt  }
0x70: {  	_ =	shalt  }
0x71: {  	_ =	shalt  }
0x72: {  	_ =	shalt  }
0x73: {  	_ =	shalt  }
0x74: {  	_ =	shalt  }
0x75: {  	_ =	shalt  }
0x76: {  	_ =	shalt  }
0x77: {  	_ =	shalt  }
0x78: {  	_ =	shalt  }
0x79: {  	_ =	shalt  }
0x7a: {  	_ =	shalt  }
0x7b: {  	_ =	shalt  }
0x7c: {  	_ =	shalt  }
0x7d: {  	_ =	shalt  }
0x7e: {  	_ =	shalt  }
0x7f: {  	_ =	shalt  }
0x80: {  	_ =	shalt  }
0x81: {  	_ =	shalt  }
0x82: {  	_ =	shalt  }
0x83: {  	_ =	shalt  }
0x84: {  	_ =	shalt  }
0x85: {  	_ =	shalt  }
0x86: {  	_ =	shalt  }
0x87: {  	_ =	shalt  }
.Lfunc_end0:
.L_simem_size_0:
called_computation.2_lowered:
.L_overlay_start_0:
0x88: {  	s2 =	sld [smem:$0x3FD9]  }
0x89: {  	s3 =	sld [smem:$0x3FFE];
	_ =	sdelay $0x1  }
0x8a: {  	s1 =	srdreg.scid  }
0x8b: {  	s0 =	sand.u32 $0x1, s1  }
0x8c: {  	s17 =	sshll.u32 s0, $0xA;
	s2 =	sadd.s32 s3, s2  }
0x8d: {  	s2 =	sadd.s32 s2, s17  }
0x8e: {  	[smem:$0x3FC0] =	sst s2  }
0x8f: {  	_ = 	snop  }
0x90: {  	s2 =	sld [smem:$0x3FD0];
	(tm) =	ssettm $0x1  }
0x91: {  	s18 =	sld [smem:$0x3FFB];
	_ =	sdelay $0x3  }
0x92: {  	_ =	strace s18  }
0x93: {  	s3 =	sld [smem:$0x3FFC];
	_ =	sdelay $0x3  }
0x94: {  	_ =	strace s3  }
0x95: {  	s3 =	sld [smem:$0x3FFD];
	_ =	sdelay $0x3  }
0x96: {  	_ =	strace s3  }
0x97: {  	_ =	strace $0x8FFFFFFF  }
0x98: {  	s19 =	sld [smem:$0x3FDB];
	_ =	sdelay $0x1  }
0x99: {  	s4 =	simm.s32 $_scs_section_size  }
0x9a: {  	s5 =	simm.s32 $_size__tile_overlayer_lowered;
	s6 =	simm.s32 $_tile_overlayer_lowered  }
0x9b: {  	s22 =	simm.s32 $0x1BFF;
	s21 =	sshll.u32 s6, $0x1;
	s3 =	sadd.s32 s4, s19  }
0x9c: {  	s7 =	simm.s32 $0x0;
	s20 =	sshll.u32 s5, $0x1;
	s5 =	sadd.s32 s21, s3  }
0x9d: {  	[timem:s7], [sflag:s22] =	dma.local [hbm:s5], s20  }
0x9e: {  	_ =	swait.ge [sflag:s22], s20  }
0x9f: {  	s4 =	ssub.s32 $0x0, s20;
	[sflag:s22] =	ssyncset.done $0x0  }
0xa0: {  	[sflag:s22] =	ssyncadd.s32 s4;
	_ =	sdelay $0x1  }
0xa1: {  	s23 =	simm.s32 $0x1B8B  }
0xa2: {  	_ =	swait.ge [sflag:s23], $0x1  }
0xa3: {  	[sflag:s23] =	ssyncset.done $0x0  }
0xa4: {  	s25 =	simm.s32 $0x1B8E;
	s24 =	sld [smem:$0x3FFE];
	[sflag:s23] =	ssyncadd.s32 $0xFFFFFFFF  }
0xa5: {  	s26 =	simm.s32 $execute0_lowered;
	[smem:$0x3FD2] =	sst s25  }
0xa6: {  	s5 =	sshll.u32 s26, $0x1;
	_ =	strace $0x8000004C;
	[dreg:$0x1] =	wrdreg $0xFFFFFFFF  }
0xa7: {  	s28 =	simm.s32 $_size_execute0_lowered;
	s3 =	sadd.s32 s3, s5;
	[dreg:$0x0] =	wrdreg $0x0  }
0xa8: {  	s5 =	sshll.u32 s28, $0x1;
	[dreg:$0x2] =	wrdreg s3  }
0xa9: {  	[dreg:$0x3] =	wrdreg s5  }
0xaa: {  	[dreg:$0x4] =	wrdreg $0xC0  }
0xab: {  	_ =	task [dreg:s7], $0x5FFFF  }
0xac: {  	[dreg:$0x1] =	wrdreg $0xFFFFFFFF  }
0xad: {  	[dreg:$0x0] =	wrdreg $0x60  }
0xae: {  	[dreg:$0x2] =	wrdreg s24  }
0xaf: {  	[dreg:$0x3] =	wrdreg s2  }
0xb0: {  	[dreg:$0x4] =	wrdreg $0x0  }
0xb1: {  	[dreg:$0x5] =	wrdreg $0x9  }
0xb2: {  	_ =	task.clear_ibuf [dreg:s7], $0x6FFFF;
	_ =	strace $0x9000004C  }
0xb3: {  	s29 =	simm.s32 $0x9;
	_ =	strace $0x8000004E  }
0xb4: {  	_ =	swait.ge [sflag:s29], $0x1  }
0xb5: {  	[sflag:s29] =	ssyncadd.s32 $0xFFFFFFFF  }
0xb6: {  	_ =	strace $0x9000004E  }
0xb7: {  	_ =	sfence  }
0xb8: {  	s30 =	sld [smem:$0x0];
	_ =	sdelay $0x2  }
0xb9: {  	s31 =	sshll.u32 s1, $0xD;
	s1 =	sshrl.u32 s1, $0x2  }
0xba: {  	s3 =	sand.u32 $0x4000, s31;
	s1 =	sadd.s32 s1, s30  }
0xbb: {  	s0 =	sor.u32 s3, s0;
	s1 =	sshll.u32 s1, $0x11  }
0xbc: {  	s0 =	sor.u32 s1, s0  }
0xbd: {  	s0 =	sadd.s32 $0x8F2B, s0  }
0xbe: {  	[sflag:s0] =	ssyncadd.remote.s32 $0x1  }
0xbf: {  	_ =	sfence.sel $0xFFFF  }
0xc0: {  	[dreg:$0x0] =	wrdreg $0xFFFFFFFF;
	(pc) =	sbr.abs _section_cstart, $3  }
0xc1: {  	[dreg:$0x1] =	wrdreg $0xFFFFFFFF  }
0xc2: {  	_ =	task.clear_ibuf [dreg:s7], $0x2FFFF;
	_ =	strace $0x9FFFFFFF  }
0xc3: {  	(tm) =	ssettm $0x7FFFFFFF  }
tec
execute0_lowered:
.L_overlay_start_1:
0x0: {  	(tag) =	ssettag $0x1  }
0x1: {  	s0 =	rddreg [dreg:$0x0]  }
0x2: {  	s2 =	rddreg [dreg:$0x2]  }
0x3: {  	s1 =	srdreg.scid;
	s4 =	simm.s32 $0x0;
	s10 =	stileid.u32  }
0x4: {  	s13 =	simm.s32 $0x7;
	s17 =	simm.s32 $0x14400;
	s18 =	simm.s32 $0x80  }
0x5: {  	s29 =	simm.s32 $0x4;
	s14 =	simm.s32 $0x6;
	s16 =	simm.s32 $0x14580  }
0x6: {  	s28 =	simm.s32 $0x14980;
	s30 =	simm.s32 $0x14600;
	s31 =	simm.s32 $0x14680  }
0x7: {  	s11 =	simm.s32 $0x14B80;
	s15 =	simm.s32 $0x0;
	s19 =	smul.u32 $0x13C00, s10  }
0x8: {  	s1 =	sand.u32 $0x1, s1;
	[smem:$0x7FF] =	sst s4;
	s7 =	smul.u32 $0x4F000, s10  }
0x9: {  	s5 =	sadd.s32 $0x17E00, s0;
	s9 =	smul.u32 $0x5000, s10;
	s22 =	sshll.u32 s10, $0x6  }
0xa: {  	s3 =	smul.u32 $0x140000, s1;
	_ =	strace $0x8000004D;
	s6 =	sshll.u32 s1, $0x4  }
0xb: {  	s21 =	ssub.s32 $0x2, s1;
	s1 =	smul.u32 $0x50000, s1;
	s20 =	sor.u32 s10, s6  }
0xc: {  	s6 =	sadd.s32 $0x3E00, s0;
	s8 =	sshrl.u32 s21, $0x1;
	s7 =	sshrl.u32 s7, $0x2  }
0xd: {  	s10 =	simm.s32 $0x14B00;
	s3 =	sadd.s32 s19, s3;
	s4 =	smul.u32 $0x5000, s20  }
0xe: {  	s7 =	sadd.s32 s7, s2;
	s1 =	sadd.s32 s9, s1;
	s19 =	simm.s32 $0x14C00  }
0xf: {  	s9 =	simm.s32 $0x14780;
	s20 =	simm.s32 $0x0;
	s3 =	sshrl.u32 s3, $0x3  }
0x10: {  	s23 =	sadd.s32 $0x1800, s1;
	s26 =	sadd.s32 $0x1000, s1;
	s7 =	sshrl.u32 s7, $0x3  }
0x11: {  	s1 =	simm.s32 $0x14700;
	s0 =	sadd.s32 s3, s0;
	s3 =	ssub.s32 s21, s8  }
0x12: {  	s4 =	sshrl.u32 s4, $0x3;
	s8 =	sor.u32 $0x1C07, s22;
	s25 =	sshrl.u32 s23, $0x3  }
0x13: {  	[dreg:$0x9] =	wrdreg s26;
	s21 =	simm.s32 $0x18C00;
	s22 =	simm.s32 $0x1  }
0x14: {  	s26 =	simm.s32 $0x3;
	s23 =	simm.s32 $0x14500;
	[dreg:$0xa] =	wrdreg s7  }
.Ltmp0:
0x15: {  	s4 =	sadd.s32 s6, s4;
	[dreg:$0x5] =	wrdreg s8;
	(pc) =	sbr.rel .LBB2_1-.Ltmp0, $4  }
0x16: {  	s0 =	sadd.s32 $0x3FE00, s0;
	s24 =	smax.u32 s3, $0x1;
	[dreg:$0x4] =	wrdreg s4  }
0x17: {  	s12 =	sadd.s32 s25, s6;
	s25 =	simm.s32 $0x14900;
	[dreg:$0x7] =	wrdreg s0  }
0x18: {  	s3 =	simm.s32 $0x14A80;
	s4 =	sadd.s32 $0x100, s4;
	[dreg:$0x8] =	wrdreg s24  }
0x19: {  	s24 =	simm.s32 $0x2;
	s0 =	simm.s32 $0x14A00;
	[dreg:$0x6] =	wrdreg s4  }
.LBB2_4:
0x1a: {  	[bflag:$0x0] =	sbarrier.arrive $0xFFFF  }
0x1b: {  	s8 =	rddreg [dreg:$0x5]  }
0x1c: {  	s4 =	rddreg [dreg:$0x7]  }
0x1d: {  	s13 =	simm.s32 $0x7;
	s7 =	rddreg [dreg:$0xa]  }
0x1e: {  	[hbm:s4], [sflag:s8] =	dma.local [spmem:s7], $0x2780  }
0x1f: {  	_ =	swait.ge [sflag:s13], $0x2780  }
0x20: {  	s15 =	rddreg [dreg:$0xb]  }
0x21: {  	s4 =	rddreg [dreg:$0x8];
	s15 =	sadd.s32 $0x1, s15  }
0x22: {  	p0 =	sne.s32 s15, s4  }
.Ltmp1:
0x23: {  	_ = 	snop;
	(pc) =	sbr.rel @!p0 .LBB2_5-.Ltmp1, $3  }
0x24: {  	_ =	sdelay $0x1  }
0x25: {  	[sflag:s13] =	ssyncset.done $0x0  }
0x26: {  	[sflag:s13] =	ssyncadd.s32 $0xFFFFD880  }
.LBB2_1:
0x27: {  	[dreg:$0xb] =	wrdreg s15  }
0x28: {  	s4 =	rddreg [dreg:$0x1]  }
0x29: {  	[spmem:s7], [sflag:s8] =	dma.local [hbm:s4], $0x2780  }
0x2a: {  	_ =	swait.ge [sflag:s13], $0x2780  }
0x2b: {  	[sflag:s13] =	ssyncset.done $0x0  }
0x2c: {  	[sflag:s13] =	ssyncadd.s32 $0xFFFFD880  }
0x2d: {  	[bflag:$0x0] =	sbarrier.arrive $0xFFFF  }
0x2e: {  	s15 =	simm.s32 $0x13C00;
	s4 =	simm.s32 $0x0;
	s8 =	rddreg [dreg:$0x4]  }
0x2f: {  	[tilespmem:s15], [sflag:$0x7] =	stream.linear.gather [hbm4b:s8+s4], $0x800, $0x38;
	[tilespmem:$0x1CC00] =	vst v63  }
0x30: {  	_ =	swait.ge [sflag:s13], $0x800  }
0x31: {  	[sflag:s13] =	ssyncset.done $0x0;
	s15 =	rddreg [dreg:$0x6]  }
0x32: {  	s7 =	rddreg [dreg:$0x9];
	[sflag:s13] =	ssyncadd.s32 $0xFFFFF800;
	s13 =	simm.s32 $0x0  }
0x33: {  	[tilespmem:s17], [sflag:$0x6] =	stream.linear.gather [hbm4b:s15+s4], $0x800, $0x38;
	[tilespmem:$0x1CC00] =	vst v63  }
.LBB2_2:
0x34: {  	p0 =	seq.s32 s13, $0x0  }
0x35: {  	s8 =	simm.s32 @!p0 $0x5  }
0x36: {  	_ =	swait.ge @!p0 [sflag:s8], $0x800  }
0x37: {  	[sflag:s8] =	ssyncset.done @!p0 $0x0  }
0x38: {  	s4 =	simm.s32 $0x13C00;
	[sflag:s8] =	ssyncadd.s32 @!p0 $0xFFFFF800  }
0x39: {  	[tilespmem:s19], [sflag:$0x1] =	stream.indirect.gather [hbm4b:s5+s18], $0x80, s4, s18, $0xb8;
	[tilespmem:$0x1CC00] =	vst v63  }
0x3a: {  	s8 =	simm.s32 $0x13C80  }
0x3b: {  	[tilespmem:s21], [sflag:$0x2] =	stream.indirect.gather [hbm4b:s5+s18], $0x80, s8, s18, $0xb8;
	[tilespmem:$0x1CC00] =	vst v63  }
0x3c: {  	_ =	swait.ge [sflag:s22], $0x4000  }
0x3d: {  	[sflag:s22] =	ssyncset.done $0x0  }
0x3e: {  	s15 =	simm.s32 $0x14000;
	[sflag:s22] =	ssyncadd.s32 $0xFFFFC000  }
0x3f: {  	[spmem:s2] =	stream.indirect.scatter.add.f32 [tilespmem:s19], [sflag:$0x3], $0x80, s15, s18, $0xb8;
	[tilespmem:$0x1CC00] =	vst v63  }
0x40: {  	_ =	swait.ge [sflag:s24], $0x4000  }
0x41: {  	[sflag:s24] =	ssyncset.done $0x0  }
0x42: {  	s8 =	simm.s32 $0x14080;
	[sflag:s24] =	ssyncadd.s32 $0xFFFFC000  }
0x43: {  	[spmem:s2] =	stream.indirect.scatter.add.f32 [tilespmem:s21], [sflag:$0x4], $0x80, s8, s18, $0xb8;
	[tilespmem:$0x1CC00] =	vst v63  }
0x44: {  	_ =	swait.ge [sflag:s26], $0x4000  }
0x45: {  	[sflag:s26] =	ssyncset.done $0x0  }
0x46: {  	s15 =	simm.s32 $0x13D00;
	[sflag:s26] =	ssyncadd.s32 $0xFFFFC000  }
0x47: {  	[tilespmem:s19], [sflag:$0x1] =	stream.indirect.gather [hbm4b:s5+s18], $0x80, s15, s18, $0xb8;
	[tilespmem:$0x1CC00] =	vst v63  }
0x48: {  	_ =	swait.ge [sflag:s29], $0x4000  }
0x49: {  	[sflag:s29] =	ssyncset.done $0x0  }
0x4a: {  	s8 =	simm.s32 $0x13D80;
	[sflag:s29] =	ssyncadd.s32 $0xFFFFC000  }
0x4b: {  	[tilespmem:s21], [sflag:$0x2] =	stream.indirect.gather [hbm4b:s5+s18], $0x80, s8, s18, $0xb8;
	[tilespmem:$0x1CC00] =	vst v63  }
0x4c: {  	_ =	swait.ge [sflag:s22], $0x4000  }
0x4d: {  	[sflag:s22] =	ssyncset.done $0x0  }
0x4e: {  	s15 =	simm.s32 $0x14100;
	[sflag:s22] =	ssyncadd.s32 $0xFFFFC000  }
0x4f: {  	[spmem:s2] =	stream.indirect.scatter.add.f32 [tilespmem:s19], [sflag:$0x3], $0x80, s15, s18, $0xb8;
	[tilespmem:$0x1CC00] =	vst v63  }
0x50: {  	_ =	swait.ge [sflag:s24], $0x4000  }
0x51: {  	[sflag:s24] =	ssyncset.done $0x0  }
0x52: {  	s8 =	simm.s32 $0x14180;
	[sflag:s24] =	ssyncadd.s32 $0xFFFFC000  }
0x53: {  	[spmem:s2] =	stream.indirect.scatter.add.f32 [tilespmem:s21], [sflag:$0x4], $0x80, s8, s18, $0xb8;
	[tilespmem:$0x1CC00] =	vst v63  }
0x54: {  	_ =	swait.ge [sflag:s26], $0x4000  }
0x55: {  	[sflag:s26] =	ssyncset.done $0x0  }
0x56: {  	s15 =	simm.s32 $0x13E00;
	[sflag:s26] =	ssyncadd.s32 $0xFFFFC000  }
0x57: {  	[tilespmem:s19], [sflag:$0x1] =	stream.indirect.gather [hbm4b:s5+s18], $0x80, s15, s18, $0xb8;
	[tilespmem:$0x1CC00] =	vst v63  }
0x58: {  	_ =	swait.ge [sflag:s29], $0x4000  }
0x59: {  	[sflag:s29] =	ssyncset.done $0x0  }
0x5a: {  	s8 =	simm.s32 $0x13E80;
	[sflag:s29] =	ssyncadd.s32 $0xFFFFC000  }
0x5b: {  	[tilespmem:s21], [sflag:$0x2] =	stream.indirect.gather [hbm4b:s5+s18], $0x80, s8, s18, $0xb8;
	[tilespmem:$0x1CC00] =	vst v63  }
0x5c: {  	_ =	swait.ge [sflag:s22], $0x4000  }
0x5d: {  	[sflag:s22] =	ssyncset.done $0x0  }
0x5e: {  	s15 =	simm.s32 $0x14200;
	[sflag:s22] =	ssyncadd.s32 $0xFFFFC000  }
0x5f: {  	[spmem:s2] =	stream.indirect.scatter.add.f32 [tilespmem:s19], [sflag:$0x3], $0x80, s15, s18, $0xb8;
	[tilespmem:$0x1CC00] =	vst v63  }
0x60: {  	_ =	swait.ge [sflag:s24], $0x4000  }
0x61: {  	[sflag:s24] =	ssyncset.done $0x0  }
0x62: {  	s8 =	simm.s32 $0x14280;
	[sflag:s24] =	ssyncadd.s32 $0xFFFFC000  }
0x63: {  	[spmem:s2] =	stream.indirect.scatter.add.f32 [tilespmem:s21], [sflag:$0x4], $0x80, s8, s18, $0xb8;
	[tilespmem:$0x1CC00] =	vst v63  }
0x64: {  	_ =	swait.ge [sflag:s26], $0x4000  }
0x65: {  	[sflag:s26] =	ssyncset.done $0x0  }
0x66: {  	s15 =	simm.s32 $0x13F00;
	[sflag:s26] =	ssyncadd.s32 $0xFFFFC000  }
0x67: {  	[tilespmem:s19], [sflag:$0x1] =	stream.indirect.gather [hbm4b:s5+s18], $0x80, s15, s18, $0xb8;
	[tilespmem:$0x1CC00] =	vst v63  }
0x68: {  	_ =	swait.ge [sflag:s29], $0x4000  }
0x69: {  	[sflag:s29] =	ssyncset.done $0x0  }
0x6a: {  	s8 =	simm.s32 $0x13F80;
	[sflag:s29] =	ssyncadd.s32 $0xFFFFC000  }
0x6b: {  	[tilespmem:s21], [sflag:$0x2] =	stream.indirect.gather [hbm4b:s5+s18], $0x80, s8, s18, $0xb8;
	[tilespmem:$0x1CC00] =	vst v63  }
0x6c: {  	_ =	swait.ge [sflag:s22], $0x4000  }
0x6d: {  	[sflag:s22] =	ssyncset.done $0x0  }
0x6e: {  	s15 =	simm.s32 $0x14300;
	[sflag:s22] =	ssyncadd.s32 $0xFFFFC000  }
0x6f: {  	[spmem:s2] =	stream.indirect.scatter.add.f32 [tilespmem:s19], [sflag:$0x3], $0x80, s15, s18, $0xb8;
	[tilespmem:$0x1CC00] =	vst v63  }
0x70: {  	_ =	swait.ge [sflag:s24], $0x4000  }
0x71: {  	[sflag:s24] =	ssyncset.done $0x0  }
0x72: {  	s8 =	simm.s32 $0x14380;
	[sflag:s24] =	ssyncadd.s32 $0xFFFFC000  }
0x73: {  	[spmem:s2] =	stream.indirect.scatter.add.f32 [tilespmem:s21], [sflag:$0x4], $0x80, s8, s18, $0xb8;
	[tilespmem:$0x1CC00] =	vst v63  }
0x74: {  	_ =	swait.ge [sflag:s26], $0x4000  }
0x75: {  	[sflag:s26] =	ssyncset.done $0x0  }
0x76: {  	[sflag:s26] =	ssyncadd.s32 $0xFFFFC000  }
0x77: {  	p0 =	seq.s32 s13, $0x800;
	_ =	swait.ge [sflag:s29], $0x4000  }
0x78: {  	s4 =	simm.s32 @!p0 $0x13C00;
	s8 =	sshrl.u32 @!p0 s7, $0x3;
	[sflag:s29] =	ssyncset.done $0x0  }
0x79: {  	s15 =	simm.s32 @!p0 $0x0;
	s8 =	sadd.s32 @!p0 s6, s8;
	[sflag:s29] =	ssyncadd.s32 $0xFFFFC000  }
0x7a: {  	[tilespmem:s4], [sflag:$0x5] =	stream.linear.gather @!p0 [hbm4b:s8+s15], $0x800, $0x38;
	[tilespmem:$0x1CC00] =	vst v63  }
0x7b: {  	_ =	swait.ge [sflag:s14], $0x800  }
0x7c: {  	[sflag:s14] =	ssyncset.done $0x0  }
0x7d: {  	[sflag:s14] =	ssyncadd.s32 $0xFFFFF800  }
0x7e: {  	[tilespmem:s19], [sflag:$0x1] =	stream.indirect.gather [hbm4b:s5+s18], $0x80, s17, s18, $0xb8;
	[tilespmem:$0x1CC00] =	vst v63  }
0x7f: {  	s15 =	simm.s32 $0x14480  }
0x80: {  	[tilespmem:s21], [sflag:$0x2] =	stream.indirect.gather [hbm4b:s5+s18], $0x80, s15, s18, $0xb8;
	[tilespmem:$0x1CC00] =	vst v63  }
0x81: {  	_ =	swait.ge [sflag:s22], $0x4000  }
0x82: {  	[sflag:s22] =	ssyncset.done $0x0  }
0x83: {  	s8 =	simm.s32 $0x14800;
	[sflag:s22] =	ssyncadd.s32 $0xFFFFC000  }
0x84: {  	[spmem:s2] =	stream.indirect.scatter.add.f32 [tilespmem:s19], [sflag:$0x3], $0x80, s8, s18, $0xb8;
	[tilespmem:$0x1CC00] =	vst v63  }
0x85: {  	_ =	swait.ge [sflag:s24], $0x4000  }
0x86: {  	[sflag:s24] =	ssyncset.done $0x0  }
0x87: {  	s15 =	simm.s32 $0x14880;
	[sflag:s24] =	ssyncadd.s32 $0xFFFFC000  }
0x88: {  	[spmem:s2] =	stream.indirect.scatter.add.f32 [tilespmem:s21], [sflag:$0x4], $0x80, s15, s18, $0xb8;
	[tilespmem:$0x1CC00] =	vst v63  }
0x89: {  	_ =	swait.ge [sflag:s26], $0x4000  }
0x8a: {  	[sflag:s26] =	ssyncset.done $0x0  }
0x8b: {  	[sflag:s26] =	ssyncadd.s32 $0xFFFFC000  }
0x8c: {  	[tilespmem:s19], [sflag:$0x1] =	stream.indirect.gather [hbm4b:s5+s18], $0x80, s23, s18, $0xb8;
	[tilespmem:$0x1CC00] =	vst v63  }
0x8d: {  	_ =	swait.ge [sflag:s29], $0x4000  }
0x8e: {  	[sflag:s29] =	ssyncset.done $0x0  }
0x8f: {  	[sflag:s29] =	ssyncadd.s32 $0xFFFFC000  }
0x90: {  	[tilespmem:s21], [sflag:$0x2] =	stream.indirect.gather [hbm4b:s5+s18], $0x80, s16, s18, $0xb8;
	[tilespmem:$0x1CC00] =	vst v63  }
0x91: {  	_ =	swait.ge [sflag:s22], $0x4000  }
0x92: {  	[sflag:s22] =	ssyncset.done $0x0  }
0x93: {  	[sflag:s22] =	ssyncadd.s32 $0xFFFFC000  }
0x94: {  	[spmem:s2] =	stream.indirect.scatter.add.f32 [tilespmem:s19], [sflag:$0x3], $0x80, s25, s18, $0xb8;
	[tilespmem:$0x1CC00] =	vst v63  }
0x95: {  	_ =	swait.ge [sflag:s24], $0x4000  }
0x96: {  	[sflag:s24] =	ssyncset.done $0x0  }
0x97: {  	[sflag:s24] =	ssyncadd.s32 $0xFFFFC000  }
0x98: {  	[spmem:s2] =	stream.indirect.scatter.add.f32 [tilespmem:s21], [sflag:$0x4], $0x80, s28, s18, $0xb8;
	[tilespmem:$0x1CC00] =	vst v63  }
0x99: {  	_ =	swait.ge [sflag:s26], $0x4000  }
0x9a: {  	[sflag:s26] =	ssyncset.done $0x0  }
0x9b: {  	[sflag:s26] =	ssyncadd.s32 $0xFFFFC000  }
0x9c: {  	[tilespmem:s19], [sflag:$0x1] =	stream.indirect.gather [hbm4b:s5+s18], $0x80, s30, s18, $0xb8;
	[tilespmem:$0x1CC00] =	vst v63  }
0x9d: {  	_ =	swait.ge [sflag:s29], $0x4000  }
0x9e: {  	[sflag:s29] =	ssyncset.done $0x0  }
0x9f: {  	[sflag:s29] =	ssyncadd.s32 $0xFFFFC000  }
0xa0: {  	[tilespmem:s21], [sflag:$0x2] =	stream.indirect.gather [hbm4b:s5+s18], $0x80, s31, s18, $0xb8;
	[tilespmem:$0x1CC00] =	vst v63  }
0xa1: {  	_ =	swait.ge [sflag:s22], $0x4000  }
0xa2: {  	[sflag:s22] =	ssyncset.done $0x0  }
0xa3: {  	[sflag:s22] =	ssyncadd.s32 $0xFFFFC000  }
0xa4: {  	[spmem:s2] =	stream.indirect.scatter.add.f32 [tilespmem:s19], [sflag:$0x3], $0x80, s0, s18, $0xb8;
	[tilespmem:$0x1CC00] =	vst v63  }
0xa5: {  	_ =	swait.ge [sflag:s24], $0x4000  }
0xa6: {  	[sflag:s24] =	ssyncset.done $0x0  }
0xa7: {  	[sflag:s24] =	ssyncadd.s32 $0xFFFFC000  }
0xa8: {  	[spmem:s2] =	stream.indirect.scatter.add.f32 [tilespmem:s21], [sflag:$0x4], $0x80, s3, s18, $0xb8;
	[tilespmem:$0x1CC00] =	vst v63  }
0xa9: {  	_ =	swait.ge [sflag:s26], $0x4000  }
0xaa: {  	[sflag:s26] =	ssyncset.done $0x0  }
0xab: {  	[sflag:s26] =	ssyncadd.s32 $0xFFFFC000  }
0xac: {  	[tilespmem:s19], [sflag:$0x1] =	stream.indirect.gather [hbm4b:s5+s18], $0x80, s1, s18, $0xb8;
	[tilespmem:$0x1CC00] =	vst v63  }
0xad: {  	_ =	swait.ge [sflag:s29], $0x4000  }
0xae: {  	[sflag:s29] =	ssyncset.done $0x0  }
0xaf: {  	[sflag:s29] =	ssyncadd.s32 $0xFFFFC000  }
0xb0: {  	[tilespmem:s21], [sflag:$0x2] =	stream.indirect.gather [hbm4b:s5+s18], $0x80, s9, s18, $0xb8;
	[tilespmem:$0x1CC00] =	vst v63  }
0xb1: {  	_ =	swait.ge [sflag:s22], $0x4000  }
0xb2: {  	[sflag:s22] =	ssyncset.done $0x0  }
0xb3: {  	[sflag:s22] =	ssyncadd.s32 $0xFFFFC000  }
0xb4: {  	[spmem:s2] =	stream.indirect.scatter.add.f32 [tilespmem:s19], [sflag:$0x3], $0x80, s10, s18, $0xb8;
	[tilespmem:$0x1CC00] =	vst v63  }
0xb5: {  	_ =	swait.ge [sflag:s24], $0x4000  }
0xb6: {  	[sflag:s24] =	ssyncset.done $0x0  }
0xb7: {  	[sflag:s24] =	ssyncadd.s32 $0xFFFFC000  }
0xb8: {  	[spmem:s2] =	stream.indirect.scatter.add.f32 [tilespmem:s21], [sflag:$0x4], $0x80, s11, s18, $0xb8;
	[tilespmem:$0x1CC00] =	vst v63  }
0xb9: {  	_ =	swait.ge [sflag:s26], $0x4000  }
.Ltmp2:
0xba: {  	[sflag:s26] =	ssyncset.done $0x0;
	(pc) =	sbr.rel @p0 .LBB2_4-.Ltmp2, $4  }
0xbb: {  	[sflag:s26] =	ssyncadd.s32 $0xFFFFC000  }
0xbc: {  	_ =	swait.ge [sflag:s29], $0x4000  }
0xbd: {  	[sflag:s29] =	ssyncset.done $0x0  }
0xbe: {  	[sflag:s29] =	ssyncadd.s32 $0xFFFFC000  }
.Ltmp3:
0xbf: {  	(pc) =	sbr.rel .LBB2_2-.Ltmp3, $3  }
0xc0: {  	_ =	sdelay $0x1  }
0xc1: {  	s4 =	sadd.s32 s13, s12;
	s13 =	sadd.s32 $0x200, s13;
	s7 =	sadd.s32 $0x1000, s7  }
0xc2: {  	[tilespmem:s17], [sflag:$0x6] =	stream.linear.gather [hbm4b:s4+s20], $0x800, $0x38;
	[tilespmem:$0x1CC00] =	vst v63  }
.LBB2_5:
0xc3: {  	_ =	sfence.sel $0x180000  }
0xc4: {  	[bflag:$0x0] =	sbarrier.arrive $0xFFFF  }
0xc5: {  	_ =	strace $0x9000004D  }
0xc6: {  	s0 =	stileid.u32;
	[bflag:$0x2] =	sbarrier.arrive $0xFFFF  }
0xc7: {  	p0 =	sne.s32 s0, $0x0;
	s0 =	rddreg [dreg:$0x3]  }
0xc8: {  	s0 =	sadd.s32 @!p0 $0x100000, s0  }
0xc9: {  	[sflag:s0] =	ssyncadd.tile.s32 @!p0 $0x1;
	_ =	shalt  }
.Lfunc_end2:
_tile_overlayer_lowered:
.L_overlay_start_2:
0xca: {  	(tag) =	ssettag $0x2  }
0xcb: {  	s0 =	rddreg [dreg:$0x0];
	s2 =	stileid.u32  }
0xcc: {  	s1 =	rddreg [dreg:$0x1];
	p0 =	sne.s32 s2, $0x0  }
0xcd: {  	s3 =	rddreg [dreg:$0x2];
	[bflag:$0x3] =	sbarrier.arrive $0xFFFF;
	s2 =	simm.s32 @!p0 $0x1C07  }
0xce: {  	[timem:s3], [sflag:s2] =	dma.local @!p0 [hbm:s0], s1  }
0xcf: {  	s0 =	simm.s32 @!p0 $0x7  }
0xd0: {  	_ =	swait.ge @!p0 [sflag:s0], s1  }
0xd1: {  	s1 =	ssub.s32 @!p0 $0x0, s1;
	[sflag:s0] =	ssyncset.done @!p0 $0x0  }
0xd2: {  	[sflag:s0] =	ssyncadd.s32 @!p0 s1  }
0xd3: {  	[bflag:$0x3] =	sbarrier.arrive $0xFFFF  }
0xd4: {  	_ =	shalt  }

// kernel: kernel.19.cloned.1.call-start
scs
__scs_entry_jumppad:
0x0: {  	(pc) =	sbr.rel $0x88, $3  }
0x1: {  	(tag) =	ssettag $0x0;
	lr =	simm.s32 $0x1  }
0x2: {  	[smem:$0x3F99] =	sst lr;
	_ =	strace $0xD0000000  }
0x3: {  	_ = 	snop  }
0x4: {  	_ = 	snop  }
0x5: {  	_ = 	snop  }
0x6: {  	_ = 	snop  }
0x7: {  	_ = 	snop  }
__scs_overlays_trampoline_lowered:
0x8: {  	[smem:$0x3FA8] =	sst s0  }
0x9: {  	[smem:$0x3FA9] =	sst s1  }
0xa: {  	[smem:$0x3FAA] =	sst s2  }
0xb: {  	[smem:$0x3FAB] =	sst s3  }
0xc: {  	[smem:$0x3FAC] =	sst s4  }
0xd: {  	[smem:$0x3FAD] =	sst s5  }
0xe: {  	[smem:$0x3FAE] =	sst s6  }
0xf: {  	[smem:$0x3FAF] =	sst s7  }
0x10: {  	[smem:$0x3FB0] =	sst s8  }
0x11: {  	[smem:$0x3FB1] =	sst s9;
	s0 =	simm.s32 @!p0 $0x0  }
0x12: {  	s1 =	sld [smem:$0x3F97];
	s0 =	simm.s32 @p0 $0x1  }
0x13: {  	[smem:$0x3FB2] =	sst s0;
	s0 =	simm.s32 @!p1 $0x0  }
0x14: {  	s2 =	sld [smem:$0x3F96];
	s0 =	simm.s32 @p1 $0x1  }
0x15: {  	[smem:$0x3FB3] =	sst s0;
	s0 =	simm.s32 @!p2 $0x0  }
0x16: {  	s3 =	sld [smem:$0x3FDB];
	s0 =	simm.s32 @p2 $0x1  }
0x17: {  	s4 =	simm.s32 $0x1BF5;
	[smem:$0x3FB5] =	sst s0  }
0x18: {  	s0 =	sld [smem:$0x3F98];
	_ =	swait.ge [sflag:s4], $0x0  }
0x19: {  	s7 =	sld [smem:$0x3F99]  }
0x1a: {  	s8 =	sadd.s32 $0xFFFFE003, lr  }
0x1b: {  	s9 =	sadd.s32 $0xFFFFFEF7, lr;
	s5 =	simm.s32 $0xFFFFFFFF;
	p2 =	slt.u32 s8, $0xFFFFF086  }
0x1c: {  	p1 =	slt.u32 s9, $0xF7A;
	s5 =	simm.s32 @!p2 $0x0  }
0x1d: {  	s5 =	simm.s32 @p1 $0x1;
	p0 =	seq.s32 s7, s2  }
0x1e: {  	s7 =	smul.u32 @!p0 $0xF7A, s2;
	p2 =	seq.s32 @!p0 s5, $0x0  }
0x1f: {  	s9 =	smul.u32 $0xF7A, s1;
	s8 =	simm.s32 @!p0 $0x1BF5;
	p2 =	por !p2, p0  }
0x20: {  	[sflag:s8] =	ssyncset.s32 @!p0 $0xFFFFF086;
	s6 =	sadd.s32 @!p0 s3, s7;
	s7 =	simm.s32 @!p0 $0x108  }
0x21: {  	s3 =	sadd.s32 s3, s9;
	s6 =	sadd.s32 @!p0 $0x88, s6;
	s7 =	simm.s32 @p2 $0x1082  }
0x22: {  	[simem:s7], [sflag:s8] =	dma.local @!p0 [hbm:s6], $0xF7A  }
0x23: {  	s9 =	sor.u32 $0xD0000000, s2;
	s6 =	simm.s32 $0x108;
	_ =	swait.ge @!p0 [sflag:s8], $0x0  }
0x24: {  	s3 =	sadd.s32 $0x88, s3;
	s6 =	simm.s32 @!p1 $0x1082;
	[sflag:s4] =	ssyncset.s32 $0xFFFFF086  }
0x25: {  	[simem:s6], [sflag:s4] =	dma.local [hbm:s3], $0xF7A  }
0x26: {  	[smem:$0x3F99] =	sst s1;
	(tag) =	ssettag s2;
	_ =	strace s9  }
0x27: {  	s1 =	sld [smem:$0x3FA9]  }
0x28: {  	s2 =	sld [smem:$0x3FAA]  }
0x29: {  	s4 =	sld [smem:$0x3FAC]  }
0x2a: {  	p0 =	seq.s32 s5, $0x0;
	s5 =	sld [smem:$0x3FAD]  }
0x2b: {  	s6 =	sld [smem:$0x3FAE]  }
0x2c: {  	s7 =	sld [smem:$0x3FAF]  }
0x2d: {  	s3 =	simm.s32 $0x108;
	s8 =	sld [smem:$0x3FB0]  }
0x2e: {  	s3 =	simm.s32 @!p0 $0x1082;
	s9 =	sld [smem:$0x3FB1]  }
0x2f: {  	lr =	sadd.s32 s0, s3;
	s0 =	sld [smem:$0x3FA8]  }
0x30: {  	s3 =	sld [smem:$0x3FAB]  }
0x31: {  	[smem:$0x3FB4] =	sst s10  }
0x32: {  	s10 =	sld [smem:$0x3FB2];
	_ =	sdelay $0x3  }
0x33: {  	p0 =	seq.s32 s10, $0x1;
	s10 =	sld [smem:$0x3FB4];
	_ =	sdelay $0x3  }
0x34: {  	[smem:$0x3FB4] =	sst s10  }
0x35: {  	s10 =	sld [smem:$0x3FB3];
	_ =	sdelay $0x3  }
0x36: {  	p1 =	seq.s32 s10, $0x1;
	s10 =	sld [smem:$0x3FB4];
	_ =	sdelay $0x3  }
0x37: {  	[smem:$0x3FB4] =	sst s10  }
0x38: {  	s10 =	sld [smem:$0x3FB5]  }
0x39: {  	_ = 	snop;
	(pc) =	sbr.ind lr, $3  }
0x3a: {  	_ = 	snop  }
0x3b: {  	_ = 	snop  }
0x3c: {  	p2 =	seq.s32 s10, $0x1;
	s10 =	sld [smem:$0x3FB4]  }
0x3d: {  	_ =	shalt  }
0x3e: {  	_ =	shalt  }
0x3f: {  	_ =	shalt  }
0x40: {  	_ =	shalt  }
0x41: {  	_ =	shalt  }
0x42: {  	_ =	shalt  }
0x43: {  	_ =	shalt  }
0x44: {  	_ =	shalt  }
0x45: {  	_ =	shalt  }
0x46: {  	_ =	shalt  }
0x47: {  	_ =	shalt  }
0x48: {  	_ =	shalt  }
0x49: {  	_ =	shalt  }
0x4a: {  	_ =	shalt  }
0x4b: {  	_ =	shalt  }
0x4c: {  	_ =	shalt  }
0x4d: {  	_ =	shalt  }
0x4e: {  	_ =	shalt  }
0x4f: {  	_ =	shalt  }
0x50: {  	_ =	shalt  }
0x51: {  	_ =	shalt  }
0x52: {  	_ =	shalt  }
0x53: {  	_ =	shalt  }
0x54: {  	_ =	shalt  }
0x55: {  	_ =	shalt  }
0x56: {  	_ =	shalt  }
0x57: {  	_ =	shalt  }
0x58: {  	_ =	shalt  }
0x59: {  	_ =	shalt  }
0x5a: {  	_ =	shalt  }
0x5b: {  	_ =	shalt  }
0x5c: {  	_ =	shalt  }
0x5d: {  	_ =	shalt  }
0x5e: {  	_ =	shalt  }
0x5f: {  	_ =	shalt  }
0x60: {  	_ =	shalt  }
0x61: {  	_ =	shalt  }
0x62: {  	_ =	shalt  }
0x63: {  	_ =	shalt  }
0x64: {  	_ =	shalt  }
0x65: {  	_ =	shalt  }
0x66: {  	_ =	shalt  }
0x67: {  	_ =	shalt  }
0x68: {  	_ =	shalt  }
0x69: {  	_ =	shalt  }
0x6a: {  	_ =	shalt  }
0x6b: {  	_ =	shalt  }
0x6c: {  	_ =	shalt  }
0x6d: {  	_ =	shalt  }
0x6e: {  	_ =	shalt  }
0x6f: {  	_ =	shalt  }
0x70: {  	_ =	shalt  }
0x71: {  	_ =	shalt  }
0x72: {  	_ =	shalt  }
0x73: {  	_ =	shalt  }
0x74: {  	_ =	shalt  }
0x75: {  	_ =	shalt  }
0x76: {  	_ =	shalt  }
0x77: {  	_ =	shalt  }
0x78: {  	_ =	shalt  }
0x79: {  	_ =	shalt  }
0x7a: {  	_ =	shalt  }
0x7b: {  	_ =	shalt  }
0x7c: {  	_ =	shalt  }
0x7d: {  	_ =	shalt  }
0x7e: {  	_ =	shalt  }
0x7f: {  	_ =	shalt  }
0x80: {  	_ =	shalt  }
0x81: {  	_ =	shalt  }
0x82: {  	_ =	shalt  }
0x83: {  	_ =	shalt  }
0x84: {  	_ =	shalt  }
0x85: {  	_ =	shalt  }
0x86: {  	_ =	shalt  }
0x87: {  	_ =	shalt  }
.Lfunc_end0:
.L_simem_size_0:
called_computation.3_lowered:
.L_overlay_start_0:
0x88: {  	s2 =	sld [smem:$0x3FD9]  }
0x89: {  	s3 =	sld [smem:$0x3FFE];
	_ =	sdelay $0x1  }
0x8a: {  	s1 =	srdreg.scid  }
0x8b: {  	s0 =	sand.u32 $0x1, s1  }
0x8c: {  	s17 =	sshll.u32 s0, $0xA;
	s2 =	sadd.s32 s3, s2  }
0x8d: {  	s2 =	sadd.s32 s2, s17  }
0x8e: {  	[smem:$0x3FC0] =	sst s2  }
0x8f: {  	_ = 	snop  }
0x90: {  	s2 =	sld [smem:$0x3FD0];
	(tm) =	ssettm $0x1  }
0x91: {  	s18 =	sld [smem:$0x3FFB];
	_ =	sdelay $0x3  }
0x92: {  	_ =	strace s18  }
0x93: {  	s3 =	sld [smem:$0x3FFC];
	_ =	sdelay $0x3  }
0x94: {  	_ =	strace s3  }
0x95: {  	s3 =	sld [smem:$0x3FFD];
	_ =	sdelay $0x3  }
0x96: {  	_ =	strace s3  }
0x97: {  	_ =	strace $0x8FFFFFFF  }
0x98: {  	s19 =	sld [smem:$0x3FDB];
	_ =	sdelay $0x1  }
0x99: {  	s4 =	simm.s32 $_scs_section_size  }
0x9a: {  	s5 =	simm.s32 $_size__tile_overlayer_lowered;
	s6 =	simm.s32 $_tile_overlayer_lowered  }
0x9b: {  	s22 =	simm.s32 $0x1BFF;
	s21 =	sshll.u32 s6, $0x1;
	s3 =	sadd.s32 s4, s19  }
0x9c: {  	s7 =	simm.s32 $0x0;
	s20 =	sshll.u32 s5, $0x1;
	s5 =	sadd.s32 s21, s3  }
0x9d: {  	[timem:s7], [sflag:s22] =	dma.local [hbm:s5], s20  }
0x9e: {  	_ =	swait.ge [sflag:s22], s20  }
0x9f: {  	s4 =	ssub.s32 $0x0, s20;
	[sflag:s22] =	ssyncset.done $0x0  }
0xa0: {  	[sflag:s22] =	ssyncadd.s32 s4;
	_ =	sdelay $0x1  }
0xa1: {  	s23 =	simm.s32 $0x1B8B  }
0xa2: {  	_ =	swait.ge [sflag:s23], $0x1  }
0xa3: {  	[sflag:s23] =	ssyncset.done $0x0  }
0xa4: {  	s25 =	simm.s32 $0x1B8E;
	s24 =	sld [smem:$0x3FFE];
	[sflag:s23] =	ssyncadd.s32 $0xFFFFFFFF  }
0xa5: {  	s26 =	simm.s32 $execute0_lowered;
	[smem:$0x3FD2] =	sst s25  }
0xa6: {  	s5 =	sshll.u32 s26, $0x1;
	_ =	strace $0x8000004F;
	[dreg:$0x1] =	wrdreg $0xFFFFFFFF  }
0xa7: {  	s28 =	simm.s32 $_size_execute0_lowered;
	s3 =	sadd.s32 s3, s5;
	[dreg:$0x0] =	wrdreg $0x0  }
0xa8: {  	s5 =	sshll.u32 s28, $0x1;
	[dreg:$0x2] =	wrdreg s3  }
0xa9: {  	[dreg:$0x3] =	wrdreg s5  }
0xaa: {  	[dreg:$0x4] =	wrdreg $0xC0  }
0xab: {  	_ =	task [dreg:s7], $0x5FFFF  }
0xac: {  	[dreg:$0x1] =	wrdreg $0xFFFFFFFF  }
0xad: {  	[dreg:$0x0] =	wrdreg $0x60  }
0xae: {  	[dreg:$0x2] =	wrdreg s24  }
0xaf: {  	[dreg:$0x3] =	wrdreg s2  }
0xb0: {  	[dreg:$0x4] =	wrdreg $0x0  }
0xb1: {  	[dreg:$0x5] =	wrdreg $0x9  }
0xb2: {  	_ =	task.clear_ibuf [dreg:s7], $0x6FFFF;
	_ =	strace $0x9000004F  }
0xb3: {  	s29 =	simm.s32 $0x9;
	_ =	strace $0x80000051  }
0xb4: {  	_ =	swait.ge [sflag:s29], $0x1  }
0xb5: {  	[sflag:s29] =	ssyncadd.s32 $0xFFFFFFFF  }
0xb6: {  	_ =	strace $0x90000051  }
0xb7: {  	_ =	sfence  }
0xb8: {  	s30 =	sld [smem:$0x0];
	_ =	sdelay $0x2  }
0xb9: {  	s31 =	sshll.u32 s1, $0xD;
	s1 =	sshrl.u32 s1, $0x2  }
0xba: {  	s3 =	sand.u32 $0x4000, s31;
	s1 =	sadd.s32 s1, s30  }
0xbb: {  	s0 =	sor.u32 s3, s0;
	s1 =	sshll.u32 s1, $0x11  }
0xbc: {  	s0 =	sor.u32 s1, s0  }
0xbd: {  	s0 =	sadd.s32 $0x8F2B, s0  }
0xbe: {  	[sflag:s0] =	ssyncadd.remote.s32 $0x1  }
0xbf: {  	_ =	sfence.sel $0xFFFF  }
0xc0: {  	[dreg:$0x0] =	wrdreg $0xFFFFFFFF;
	(pc) =	sbr.abs _section_cstart, $3  }
0xc1: {  	[dreg:$0x1] =	wrdreg $0xFFFFFFFF  }
0xc2: {  	_ =	task.clear_ibuf [dreg:s7], $0x2FFFF;
	_ =	strace $0x9FFFFFFF  }
0xc3: {  	(tm) =	ssettm $0x7FFFFFFF  }
tec
execute0_lowered:
.L_overlay_start_1:
0x0: {  	(tag) =	ssettag $0x1  }
0x1: {  	s0 =	rddreg [dreg:$0x0]  }
0x2: {  	s2 =	rddreg [dreg:$0x2]  }
0x3: {  	s1 =	srdreg.scid;
	s4 =	simm.s32 $0x0;
	s10 =	stileid.u32  }
0x4: {  	s13 =	simm.s32 $0x7;
	s17 =	simm.s32 $0x14400;
	s18 =	simm.s32 $0x80  }
0x5: {  	s29 =	simm.s32 $0x4;
	s14 =	simm.s32 $0x6;
	s16 =	simm.s32 $0x14580  }
0x6: {  	s28 =	simm.s32 $0x14980;
	s30 =	simm.s32 $0x14600;
	s31 =	simm.s32 $0x14680  }
0x7: {  	s11 =	simm.s32 $0x14B80;
	s15 =	simm.s32 $0x0;
	s19 =	smul.u32 $0x13C00, s10  }
0x8: {  	s1 =	sand.u32 $0x1, s1;
	[smem:$0x7FF] =	sst s4;
	s7 =	smul.u32 $0x4F000, s10  }
0x9: {  	s5 =	sadd.s32 $0x17E00, s0;
	s9 =	smul.u32 $0x5000, s10;
	s22 =	sshll.u32 s10, $0x6  }
0xa: {  	s3 =	smul.u32 $0x140000, s1;
	_ =	strace $0x80000050;
	s6 =	sshll.u32 s1, $0x4  }
0xb: {  	s21 =	ssub.s32 $0x2, s1;
	s1 =	smul.u32 $0x50000, s1;
	s20 =	sor.u32 s10, s6  }
0xc: {  	s6 =	sadd.s32 $0x3E00, s0;
	s8 =	sshrl.u32 s21, $0x1;
	s7 =	sshrl.u32 s7, $0x2  }
0xd: {  	s10 =	simm.s32 $0x14B00;
	s3 =	sadd.s32 s19, s3;
	s4 =	smul.u32 $0x5000, s20  }
0xe: {  	s7 =	sadd.s32 s7, s2;
	s1 =	sadd.s32 s9, s1;
	s19 =	simm.s32 $0x14C00  }
0xf: {  	s9 =	simm.s32 $0x14780;
	s20 =	simm.s32 $0x0;
	s3 =	sshrl.u32 s3, $0x3  }
0x10: {  	s23 =	sadd.s32 $0x1800, s1;
	s26 =	sadd.s32 $0x1000, s1;
	s7 =	sshrl.u32 s7, $0x3  }
0x11: {  	s1 =	simm.s32 $0x14700;
	s0 =	sadd.s32 s3, s0;
	s3 =	ssub.s32 s21, s8  }
0x12: {  	s4 =	sshrl.u32 s4, $0x3;
	s8 =	sor.u32 $0x1C07, s22;
	s25 =	sshrl.u32 s23, $0x3  }
0x13: {  	[dreg:$0x9] =	wrdreg s26;
	s21 =	simm.s32 $0x18C00;
	s22 =	simm.s32 $0x1  }
0x14: {  	s26 =	simm.s32 $0x3;
	s23 =	simm.s32 $0x14500;
	[dreg:$0xa] =	wrdreg s7  }
.Ltmp0:
0x15: {  	s4 =	sadd.s32 s6, s4;
	[dreg:$0x5] =	wrdreg s8;
	(pc) =	sbr.rel .LBB2_1-.Ltmp0, $4  }
0x16: {  	s0 =	sadd.s32 $0x3FE00, s0;
	s24 =	smax.u32 s3, $0x1;
	[dreg:$0x4] =	wrdreg s4  }
0x17: {  	s12 =	sadd.s32 s25, s6;
	s25 =	simm.s32 $0x14900;
	[dreg:$0x7] =	wrdreg s0  }
0x18: {  	s3 =	simm.s32 $0x14A80;
	s4 =	sadd.s32 $0x100, s4;
	[dreg:$0x8] =	wrdreg s24  }
0x19: {  	s24 =	simm.s32 $0x2;
	s0 =	simm.s32 $0x14A00;
	[dreg:$0x6] =	wrdreg s4  }
.LBB2_4:
0x1a: {  	[bflag:$0x0] =	sbarrier.arrive $0xFFFF  }
0x1b: {  	s8 =	rddreg [dreg:$0x5]  }
0x1c: {  	s4 =	rddreg [dreg:$0x7]  }
0x1d: {  	s13 =	simm.s32 $0x7;
	s7 =	rddreg [dreg:$0xa]  }
0x1e: {  	[hbm:s4], [sflag:s8] =	dma.local [spmem:s7], $0x2780  }
0x1f: {  	_ =	swait.ge [sflag:s13], $0x2780  }
0x20: {  	s15 =	rddreg [dreg:$0xb]  }
0x21: {  	s4 =	rddreg [dreg:$0x8];
	s15 =	sadd.s32 $0x1, s15  }
0x22: {  	p0 =	sne.s32 s15, s4  }
.Ltmp1:
0x23: {  	_ = 	snop;
	(pc) =	sbr.rel @!p0 .LBB2_5-.Ltmp1, $3  }
0x24: {  	_ =	sdelay $0x1  }
0x25: {  	[sflag:s13] =	ssyncset.done $0x0  }
0x26: {  	[sflag:s13] =	ssyncadd.s32 $0xFFFFD880  }
.LBB2_1:
0x27: {  	[dreg:$0xb] =	wrdreg s15  }
0x28: {  	s4 =	rddreg [dreg:$0x1]  }
0x29: {  	[spmem:s7], [sflag:s8] =	dma.local [hbm:s4], $0x2780  }
0x2a: {  	_ =	swait.ge [sflag:s13], $0x2780  }
0x2b: {  	[sflag:s13] =	ssyncset.done $0x0  }
0x2c: {  	[sflag:s13] =	ssyncadd.s32 $0xFFFFD880  }
0x2d: {  	[bflag:$0x0] =	sbarrier.arrive $0xFFFF  }
0x2e: {  	s15 =	simm.s32 $0x13C00;
	s4 =	simm.s32 $0x0;
	s8 =	rddreg [dreg:$0x4]  }
0x2f: {  	[tilespmem:s15], [sflag:$0x7] =	stream.linear.gather [hbm4b:s8+s4], $0x800, $0x38;
	[tilespmem:$0x1CC00] =	vst v63  }
0x30: {  	_ =	swait.ge [sflag:s13], $0x800  }
0x31: {  	[sflag:s13] =	ssyncset.done $0x0;
	s15 =	rddreg [dreg:$0x6]  }
0x32: {  	s7 =	rddreg [dreg:$0x9];
	[sflag:s13] =	ssyncadd.s32 $0xFFFFF800;
	s13 =	simm.s32 $0x0  }
0x33: {  	[tilespmem:s17], [sflag:$0x6] =	stream.linear.gather [hbm4b:s15+s4], $0x800, $0x38;
	[tilespmem:$0x1CC00] =	vst v63  }
.LBB2_2:
0x34: {  	p0 =	seq.s32 s13, $0x0  }
0x35: {  	s8 =	simm.s32 @!p0 $0x5  }
0x36: {  	_ =	swait.ge @!p0 [sflag:s8], $0x800  }
0x37: {  	[sflag:s8] =	ssyncset.done @!p0 $0x0  }
0x38: {  	s4 =	simm.s32 $0x13C00;
	[sflag:s8] =	ssyncadd.s32 @!p0 $0xFFFFF800  }
0x39: {  	[tilespmem:s19], [sflag:$0x1] =	stream.indirect.gather [hbm4b:s5+s18], $0x80, s4, s18, $0xb8;
	[tilespmem:$0x1CC00] =	vst v63  }
0x3a: {  	s8 =	simm.s32 $0x13C80  }
0x3b: {  	[tilespmem:s21], [sflag:$0x2] =	stream.indirect.gather [hbm4b:s5+s18], $0x80, s8, s18, $0xb8;
	[tilespmem:$0x1CC00] =	vst v63  }
0x3c: {  	_ =	swait.ge [sflag:s22], $0x4000  }
0x3d: {  	[sflag:s22] =	ssyncset.done $0x0  }
0x3e: {  	s15 =	simm.s32 $0x14000;
	[sflag:s22] =	ssyncadd.s32 $0xFFFFC000  }
0x3f: {  	[spmem:s2] =	stream.indirect.scatter.add.f32 [tilespmem:s19], [sflag:$0x3], $0x80, s15, s18, $0xb8;
	[tilespmem:$0x1CC00] =	vst v63  }
0x40: {  	_ =	swait.ge [sflag:s24], $0x4000  }
0x41: {  	[sflag:s24] =	ssyncset.done $0x0  }
0x42: {  	s8 =	simm.s32 $0x14080;
	[sflag:s24] =	ssyncadd.s32 $0xFFFFC000  }
0x43: {  	[spmem:s2] =	stream.indirect.scatter.add.f32 [tilespmem:s21], [sflag:$0x4], $0x80, s8, s18, $0xb8;
	[tilespmem:$0x1CC00] =	vst v63  }
0x44: {  	_ =	swait.ge [sflag:s26], $0x4000  }
0x45: {  	[sflag:s26] =	ssyncset.done $0x0  }
0x46: {  	s15 =	simm.s32 $0x13D00;
	[sflag:s26] =	ssyncadd.s32 $0xFFFFC000  }
0x47: {  	[tilespmem:s19], [sflag:$0x1] =	stream.indirect.gather [hbm4b:s5+s18], $0x80, s15, s18, $0xb8;
	[tilespmem:$0x1CC00] =	vst v63  }
0x48: {  	_ =	swait.ge [sflag:s29], $0x4000  }
0x49: {  	[sflag:s29] =	ssyncset.done $0x0  }
0x4a: {  	s8 =	simm.s32 $0x13D80;
	[sflag:s29] =	ssyncadd.s32 $0xFFFFC000  }
0x4b: {  	[tilespmem:s21], [sflag:$0x2] =	stream.indirect.gather [hbm4b:s5+s18], $0x80, s8, s18, $0xb8;
	[tilespmem:$0x1CC00] =	vst v63  }
0x4c: {  	_ =	swait.ge [sflag:s22], $0x4000  }
0x4d: {  	[sflag:s22] =	ssyncset.done $0x0  }
0x4e: {  	s15 =	simm.s32 $0x14100;
	[sflag:s22] =	ssyncadd.s32 $0xFFFFC000  }
0x4f: {  	[spmem:s2] =	stream.indirect.scatter.add.f32 [tilespmem:s19], [sflag:$0x3], $0x80, s15, s18, $0xb8;
	[tilespmem:$0x1CC00] =	vst v63  }
0x50: {  	_ =	swait.ge [sflag:s24], $0x4000  }
0x51: {  	[sflag:s24] =	ssyncset.done $0x0  }
0x52: {  	s8 =	simm.s32 $0x14180;
	[sflag:s24] =	ssyncadd.s32 $0xFFFFC000  }
0x53: {  	[spmem:s2] =	stream.indirect.scatter.add.f32 [tilespmem:s21], [sflag:$0x4], $0x80, s8, s18, $0xb8;
	[tilespmem:$0x1CC00] =	vst v63  }
0x54: {  	_ =	swait.ge [sflag:s26], $0x4000  }
0x55: {  	[sflag:s26] =	ssyncset.done $0x0  }
0x56: {  	s15 =	simm.s32 $0x13E00;
	[sflag:s26] =	ssyncadd.s32 $0xFFFFC000  }
0x57: {  	[tilespmem:s19], [sflag:$0x1] =	stream.indirect.gather [hbm4b:s5+s18], $0x80, s15, s18, $0xb8;
	[tilespmem:$0x1CC00] =	vst v63  }
0x58: {  	_ =	swait.ge [sflag:s29], $0x4000  }
0x59: {  	[sflag:s29] =	ssyncset.done $0x0  }
0x5a: {  	s8 =	simm.s32 $0x13E80;
	[sflag:s29] =	ssyncadd.s32 $0xFFFFC000  }
0x5b: {  	[tilespmem:s21], [sflag:$0x2] =	stream.indirect.gather [hbm4b:s5+s18], $0x80, s8, s18, $0xb8;
	[tilespmem:$0x1CC00] =	vst v63  }
0x5c: {  	_ =	swait.ge [sflag:s22], $0x4000  }
0x5d: {  	[sflag:s22] =	ssyncset.done $0x0  }
0x5e: {  	s15 =	simm.s32 $0x14200;
	[sflag:s22] =	ssyncadd.s32 $0xFFFFC000  }
0x5f: {  	[spmem:s2] =	stream.indirect.scatter.add.f32 [tilespmem:s19], [sflag:$0x3], $0x80, s15, s18, $0xb8;
	[tilespmem:$0x1CC00] =	vst v63  }
0x60: {  	_ =	swait.ge [sflag:s24], $0x4000  }
0x61: {  	[sflag:s24] =	ssyncset.done $0x0  }
0x62: {  	s8 =	simm.s32 $0x14280;
	[sflag:s24] =	ssyncadd.s32 $0xFFFFC000  }
0x63: {  	[spmem:s2] =	stream.indirect.scatter.add.f32 [tilespmem:s21], [sflag:$0x4], $0x80, s8, s18, $0xb8;
	[tilespmem:$0x1CC00] =	vst v63  }
0x64: {  	_ =	swait.ge [sflag:s26], $0x4000  }
0x65: {  	[sflag:s26] =	ssyncset.done $0x0  }
0x66: {  	s15 =	simm.s32 $0x13F00;
	[sflag:s26] =	ssyncadd.s32 $0xFFFFC000  }
0x67: {  	[tilespmem:s19], [sflag:$0x1] =	stream.indirect.gather [hbm4b:s5+s18], $0x80, s15, s18, $0xb8;
	[tilespmem:$0x1CC00] =	vst v63  }
0x68: {  	_ =	swait.ge [sflag:s29], $0x4000  }
0x69: {  	[sflag:s29] =	ssyncset.done $0x0  }
0x6a: {  	s8 =	simm.s32 $0x13F80;
	[sflag:s29] =	ssyncadd.s32 $0xFFFFC000  }
0x6b: {  	[tilespmem:s21], [sflag:$0x2] =	stream.indirect.gather [hbm4b:s5+s18], $0x80, s8, s18, $0xb8;
	[tilespmem:$0x1CC00] =	vst v63  }
0x6c: {  	_ =	swait.ge [sflag:s22], $0x4000  }
0x6d: {  	[sflag:s22] =	ssyncset.done $0x0  }
0x6e: {  	s15 =	simm.s32 $0x14300;
	[sflag:s22] =	ssyncadd.s32 $0xFFFFC000  }
0x6f: {  	[spmem:s2] =	stream.indirect.scatter.add.f32 [tilespmem:s19], [sflag:$0x3], $0x80, s15, s18, $0xb8;
	[tilespmem:$0x1CC00] =	vst v63  }
0x70: {  	_ =	swait.ge [sflag:s24], $0x4000  }
0x71: {  	[sflag:s24] =	ssyncset.done $0x0  }
0x72: {  	s8 =	simm.s32 $0x14380;
	[sflag:s24] =	ssyncadd.s32 $0xFFFFC000  }
0x73: {  	[spmem:s2] =	stream.indirect.scatter.add.f32 [tilespmem:s21], [sflag:$0x4], $0x80, s8, s18, $0xb8;
	[tilespmem:$0x1CC00] =	vst v63  }
0x74: {  	_ =	swait.ge [sflag:s26], $0x4000  }
0x75: {  	[sflag:s26] =	ssyncset.done $0x0  }
0x76: {  	[sflag:s26] =	ssyncadd.s32 $0xFFFFC000  }
0x77: {  	p0 =	seq.s32 s13, $0x800;
	_ =	swait.ge [sflag:s29], $0x4000  }
0x78: {  	s4 =	simm.s32 @!p0 $0x13C00;
	s8 =	sshrl.u32 @!p0 s7, $0x3;
	[sflag:s29] =	ssyncset.done $0x0  }
0x79: {  	s15 =	simm.s32 @!p0 $0x0;
	s8 =	sadd.s32 @!p0 s6, s8;
	[sflag:s29] =	ssyncadd.s32 $0xFFFFC000  }
0x7a: {  	[tilespmem:s4], [sflag:$0x5] =	stream.linear.gather @!p0 [hbm4b:s8+s15], $0x800, $0x38;
	[tilespmem:$0x1CC00] =	vst v63  }
0x7b: {  	_ =	swait.ge [sflag:s14], $0x800  }
0x7c: {  	[sflag:s14] =	ssyncset.done $0x0  }
0x7d: {  	[sflag:s14] =	ssyncadd.s32 $0xFFFFF800  }
0x7e: {  	[tilespmem:s19], [sflag:$0x1] =	stream.indirect.gather [hbm4b:s5+s18], $0x80, s17, s18, $0xb8;
	[tilespmem:$0x1CC00] =	vst v63  }
0x7f: {  	s15 =	simm.s32 $0x14480  }
0x80: {  	[tilespmem:s21], [sflag:$0x2] =	stream.indirect.gather [hbm4b:s5+s18], $0x80, s15, s18, $0xb8;
	[tilespmem:$0x1CC00] =	vst v63  }
0x81: {  	_ =	swait.ge [sflag:s22], $0x4000  }
0x82: {  	[sflag:s22] =	ssyncset.done $0x0  }
0x83: {  	s8 =	simm.s32 $0x14800;
	[sflag:s22] =	ssyncadd.s32 $0xFFFFC000  }
0x84: {  	[spmem:s2] =	stream.indirect.scatter.add.f32 [tilespmem:s19], [sflag:$0x3], $0x80, s8, s18, $0xb8;
	[tilespmem:$0x1CC00] =	vst v63  }
0x85: {  	_ =	swait.ge [sflag:s24], $0x4000  }
0x86: {  	[sflag:s24] =	ssyncset.done $0x0  }
0x87: {  	s15 =	simm.s32 $0x14880;
	[sflag:s24] =	ssyncadd.s32 $0xFFFFC000  }
0x88: {  	[spmem:s2] =	stream.indirect.scatter.add.f32 [tilespmem:s21], [sflag:$0x4], $0x80, s15, s18, $0xb8;
	[tilespmem:$0x1CC00] =	vst v63  }
0x89: {  	_ =	swait.ge [sflag:s26], $0x4000  }
0x8a: {  	[sflag:s26] =	ssyncset.done $0x0  }
0x8b: {  	[sflag:s26] =	ssyncadd.s32 $0xFFFFC000  }
0x8c: {  	[tilespmem:s19], [sflag:$0x1] =	stream.indirect.gather [hbm4b:s5+s18], $0x80, s23, s18, $0xb8;
	[tilespmem:$0x1CC00] =	vst v63  }
0x8d: {  	_ =	swait.ge [sflag:s29], $0x4000  }
0x8e: {  	[sflag:s29] =	ssyncset.done $0x0  }
0x8f: {  	[sflag:s29] =	ssyncadd.s32 $0xFFFFC000  }
0x90: {  	[tilespmem:s21], [sflag:$0x2] =	stream.indirect.gather [hbm4b:s5+s18], $0x80, s16, s18, $0xb8;
	[tilespmem:$0x1CC00] =	vst v63  }
0x91: {  	_ =	swait.ge [sflag:s22], $0x4000  }
0x92: {  	[sflag:s22] =	ssyncset.done $0x0  }
0x93: {  	[sflag:s22] =	ssyncadd.s32 $0xFFFFC000  }
0x94: {  	[spmem:s2] =	stream.indirect.scatter.add.f32 [tilespmem:s19], [sflag:$0x3], $0x80, s25, s18, $0xb8;
	[tilespmem:$0x1CC00] =	vst v63  }
0x95: {  	_ =	swait.ge [sflag:s24], $0x4000  }
0x96: {  	[sflag:s24] =	ssyncset.done $0x0  }
0x97: {  	[sflag:s24] =	ssyncadd.s32 $0xFFFFC000  }
0x98: {  	[spmem:s2] =	stream.indirect.scatter.add.f32 [tilespmem:s21], [sflag:$0x4], $0x80, s28, s18, $0xb8;
	[tilespmem:$0x1CC00] =	vst v63  }
0x99: {  	_ =	swait.ge [sflag:s26], $0x4000  }
0x9a: {  	[sflag:s26] =	ssyncset.done $0x0  }
0x9b: {  	[sflag:s26] =	ssyncadd.s32 $0xFFFFC000  }
0x9c: {  	[tilespmem:s19], [sflag:$0x1] =	stream.indirect.gather [hbm4b:s5+s18], $0x80, s30, s18, $0xb8;
	[tilespmem:$0x1CC00] =	vst v63  }
0x9d: {  	_ =	swait.ge [sflag:s29], $0x4000  }
0x9e: {  	[sflag:s29] =	ssyncset.done $0x0  }
0x9f: {  	[sflag:s29] =	ssyncadd.s32 $0xFFFFC000  }
0xa0: {  	[tilespmem:s21], [sflag:$0x2] =	stream.indirect.gather [hbm4b:s5+s18], $0x80, s31, s18, $0xb8;
	[tilespmem:$0x1CC00] =	vst v63  }
0xa1: {  	_ =	swait.ge [sflag:s22], $0x4000  }
0xa2: {  	[sflag:s22] =	ssyncset.done $0x0  }
0xa3: {  	[sflag:s22] =	ssyncadd.s32 $0xFFFFC000  }
0xa4: {  	[spmem:s2] =	stream.indirect.scatter.add.f32 [tilespmem:s19], [sflag:$0x3], $0x80, s0, s18, $0xb8;
	[tilespmem:$0x1CC00] =	vst v63  }
0xa5: {  	_ =	swait.ge [sflag:s24], $0x4000  }
0xa6: {  	[sflag:s24] =	ssyncset.done $0x0  }
0xa7: {  	[sflag:s24] =	ssyncadd.s32 $0xFFFFC000  }
0xa8: {  	[spmem:s2] =	stream.indirect.scatter.add.f32 [tilespmem:s21], [sflag:$0x4], $0x80, s3, s18, $0xb8;
	[tilespmem:$0x1CC00] =	vst v63  }
0xa9: {  	_ =	swait.ge [sflag:s26], $0x4000  }
0xaa: {  	[sflag:s26] =	ssyncset.done $0x0  }
0xab: {  	[sflag:s26] =	ssyncadd.s32 $0xFFFFC000  }
0xac: {  	[tilespmem:s19], [sflag:$0x1] =	stream.indirect.gather [hbm4b:s5+s18], $0x80, s1, s18, $0xb8;
	[tilespmem:$0x1CC00] =	vst v63  }
0xad: {  	_ =	swait.ge [sflag:s29], $0x4000  }
0xae: {  	[sflag:s29] =	ssyncset.done $0x0  }
0xaf: {  	[sflag:s29] =	ssyncadd.s32 $0xFFFFC000  }
0xb0: {  	[tilespmem:s21], [sflag:$0x2] =	stream.indirect.gather [hbm4b:s5+s18], $0x80, s9, s18, $0xb8;
	[tilespmem:$0x1CC00] =	vst v63  }
0xb1: {  	_ =	swait.ge [sflag:s22], $0x4000  }
0xb2: {  	[sflag:s22] =	ssyncset.done $0x0  }
0xb3: {  	[sflag:s22] =	ssyncadd.s32 $0xFFFFC000  }
0xb4: {  	[spmem:s2] =	stream.indirect.scatter.add.f32 [tilespmem:s19], [sflag:$0x3], $0x80, s10, s18, $0xb8;
	[tilespmem:$0x1CC00] =	vst v63  }
0xb5: {  	_ =	swait.ge [sflag:s24], $0x4000  }
0xb6: {  	[sflag:s24] =	ssyncset.done $0x0  }
0xb7: {  	[sflag:s24] =	ssyncadd.s32 $0xFFFFC000  }
0xb8: {  	[spmem:s2] =	stream.indirect.scatter.add.f32 [tilespmem:s21], [sflag:$0x4], $0x80, s11, s18, $0xb8;
	[tilespmem:$0x1CC00] =	vst v63  }
0xb9: {  	_ =	swait.ge [sflag:s26], $0x4000  }
.Ltmp2:
0xba: {  	[sflag:s26] =	ssyncset.done $0x0;
	(pc) =	sbr.rel @p0 .LBB2_4-.Ltmp2, $4  }
0xbb: {  	[sflag:s26] =	ssyncadd.s32 $0xFFFFC000  }
0xbc: {  	_ =	swait.ge [sflag:s29], $0x4000  }
0xbd: {  	[sflag:s29] =	ssyncset.done $0x0  }
0xbe: {  	[sflag:s29] =	ssyncadd.s32 $0xFFFFC000  }
.Ltmp3:
0xbf: {  	(pc) =	sbr.rel .LBB2_2-.Ltmp3, $3  }
0xc0: {  	_ =	sdelay $0x1  }
0xc1: {  	s4 =	sadd.s32 s13, s12;
	s13 =	sadd.s32 $0x200, s13;
	s7 =	sadd.s32 $0x1000, s7  }
0xc2: {  	[tilespmem:s17], [sflag:$0x6] =	stream.linear.gather [hbm4b:s4+s20], $0x800, $0x38;
	[tilespmem:$0x1CC00] =	vst v63  }
.LBB2_5:
0xc3: {  	_ =	sfence.sel $0x180000  }
0xc4: {  	[bflag:$0x0] =	sbarrier.arrive $0xFFFF  }
0xc5: {  	_ =	strace $0x90000050  }
0xc6: {  	s0 =	stileid.u32;
	[bflag:$0x2] =	sbarrier.arrive $0xFFFF  }
0xc7: {  	p0 =	sne.s32 s0, $0x0;
	s0 =	rddreg [dreg:$0x3]  }
0xc8: {  	s0 =	sadd.s32 @!p0 $0x100000, s0  }
0xc9: {  	[sflag:s0] =	ssyncadd.tile.s32 @!p0 $0x1;
	_ =	shalt  }
.Lfunc_end2:
_tile_overlayer_lowered:
.L_overlay_start_2:
0xca: {  	(tag) =	ssettag $0x2  }
0xcb: {  	s0 =	rddreg [dreg:$0x0];
	s2 =	stileid.u32  }
0xcc: {  	s1 =	rddreg [dreg:$0x1];
	p0 =	sne.s32 s2, $0x0  }
0xcd: {  	s3 =	rddreg [dreg:$0x2];
	[bflag:$0x3] =	sbarrier.arrive $0xFFFF;
	s2 =	simm.s32 @!p0 $0x1C07  }
0xce: {  	[timem:s3], [sflag:s2] =	dma.local @!p0 [hbm:s0], s1  }
0xcf: {  	s0 =	simm.s32 @!p0 $0x7  }
0xd0: {  	_ =	swait.ge @!p0 [sflag:s0], s1  }
0xd1: {  	s1 =	ssub.s32 @!p0 $0x0, s1;
	[sflag:s0] =	ssyncset.done @!p0 $0x0  }
0xd2: {  	[sflag:s0] =	ssyncadd.s32 @!p0 s1  }
0xd3: {  	[bflag:$0x3] =	sbarrier.arrive $0xFFFF  }
0xd4: {  	_ =	shalt  }

</sc_bundles>
